<compile_context>
chip_gen: v7x
topology: tpu7x:2x2x1
jax: 0.10.2.dev20260603
libtpu: 0.0.44.dev20260713+nightly
codegen_flags: <defaults>
</compile_context>

<pallas_src>
import jax
import jax.numpy as jnp
from jax import lax
from jax.experimental import pallas as pl
from jax.experimental.pallas import tpu as pltpu
from jax.experimental.pallas import tpu_sc as plsc

NCORE = 2
NSUB = 16
NW = NCORE * NSUB
KE = 80
NRB = 4
NIB = 8
ILAG = 3
GLAG = 3
SLAG = 4


def _build_agg(n_pad, d, blk, with_deg, interpret=False):
    rows_per_sub = n_pad // NSUB
    zr = 16
    assert rows_per_sub % zr == 0 and n_pad % (NSUB * 8) == 0
    assert blk > SLAG + 1

    mesh = plsc.VectorSubcoreMesh(
        core_axis_name="c", subcore_axis_name="s",
        num_cores=NCORE, num_subcores=NSUB)

    out_type = [jax.ShapeDtypeStruct((NCORE, n_pad, d), jnp.float32)]
    if with_deg:
        out_type.append(jax.ShapeDtypeStruct((NCORE, n_pad), jnp.float32))

    scratch = [
        pltpu.VMEM((NIB, 2, KE), jnp.int32),
        pltpu.VMEM((NRB, KE, d), jnp.float32),
        pltpu.VMEM((KE,), jnp.float32),
        pltpu.VMEM((zr, d), jnp.float32),
        pltpu.VMEM_SHARED((n_pad, d), jnp.float32),
        pltpu.VMEM_SHARED((n_pad,), jnp.float32),
        pltpu.SemaphoreType.DMA,
        pltpu.SemaphoreType.DMA,
        pltpu.SemaphoreType.DMA,
        pltpu.SemaphoreType.DMA,
    ]

    def body(h_hbm, idx_hbm, *rest):
        if with_deg:
            p_out, deg_out = rest[0], rest[1]
            rest = rest[2:]
        else:
            p_out = rest[0]
            rest = rest[1:]
        ibuf, rows_v, ones_v, zbuf, acc, dacc, isem, gsem, ssem, osem = rest

        cid = lax.axis_index("c")
        sid = lax.axis_index("s")
        wid = sid * NCORE + cid

        z16 = jnp.zeros((16,), jnp.float32)
        o16 = jnp.ones((16,), jnp.float32)

        def idx_desc(b):
            return pltpu.make_async_copy(
                idx_hbm.at[wid, b], ibuf.at[lax.rem(b, NIB)], isem)

        def gather_desc(b):
            return pltpu.make_async_copy(
                h_hbm.at[ibuf.at[lax.rem(b, NIB), 0]],
                rows_v.at[lax.rem(b, NRB)], gsem)

        def scat_desc(b):
            return pltpu.make_async_copy(
                rows_v.at[lax.rem(b, NRB)],
                acc.at[ibuf.at[lax.rem(b, NIB), 1]], ssem)

        def ones_desc(b):
            return pltpu.make_async_copy(
                ones_v, dacc.at[ibuf.at[lax.rem(b, NIB), 1]], osem)

        for t in range(ILAG):
            idx_desc(t).start()

        def fill_row(i, _):
            for j in range(d // 16):
                zbuf[i, pl.ds(j * 16, 16)] = z16
            return 0
        lax.fori_loop(0, zr, fill_row, 0)

        def fill_ones(i, _):
            ones_v[pl.ds(i * 16, 16)] = o16
            return 0
        lax.fori_loop(0, KE // 16, fill_ones, 0)

        def clear_blk(k, _):
            pltpu.async_copy(
                zbuf, acc.at[pl.ds(sid * rows_per_sub + k * zr, zr)], gsem)
            return 0
        lax.fori_loop(0, rows_per_sub // zr, clear_blk, 0)
        if with_deg:
            def clear_deg(k, _):
                pltpu.async_copy(
                    zbuf.at[0],
                    dacc.at[pl.ds(sid * rows_per_sub + k * d, d)], osem)
                return 0
            lax.fori_loop(0, rows_per_sub // d, clear_deg, 0)

        def drain_blk(k, _):
            pltpu.make_async_copy(
                zbuf, acc.at[pl.ds(sid * rows_per_sub + k * zr, zr)],
                gsem).wait()
            return 0
        lax.fori_loop(0, rows_per_sub // zr, drain_blk, 0)
        if with_deg:
            def drain_deg(k, _):
                pltpu.make_async_copy(
                    zbuf.at[0],
                    dacc.at[pl.ds(sid * rows_per_sub + k * d, d)],
                    osem).wait()
                return 0
            lax.fori_loop(0, rows_per_sub // d, drain_deg, 0)
        plsc.subcore_barrier()

        def edge_blk(b, _):
            @pl.when(b >= SLAG)
            def _():
                scat_desc(b - SLAG).wait()
                if with_deg:
                    ones_desc(b - SLAG).wait()
            idx_desc(b).wait()
            gather_desc(b).start()

            @pl.when(b >= GLAG)
            def _():
                gather_desc(b - GLAG).wait()
                scat_desc(b - GLAG).start(add=True)
                if with_deg:
                    ones_desc(b - GLAG).start(add=True)

            @pl.when(b + ILAG < blk)
            def _():
                idx_desc(b + ILAG).start()
            return 0
        lax.fori_loop(0, blk, edge_blk, 0)

        for t in range(blk - GLAG, blk):
            gather_desc(t).wait()
            scat_desc(t).start(add=True)
            if with_deg:
                ones_desc(t).start(add=True)
        for t in range(blk - SLAG, blk):
            scat_desc(t).wait()
            if with_deg:
                ones_desc(t).wait()
        plsc.subcore_barrier()

        base = sid * rows_per_sub
        pltpu.sync_copy(acc.at[pl.ds(base, rows_per_sub)],
                        p_out.at[cid, pl.ds(base, rows_per_sub)])
        if with_deg:
            pltpu.sync_copy(dacc.at[pl.ds(base, rows_per_sub)],
                            deg_out.at[cid, pl.ds(base, rows_per_sub)])

    return pl.kernel(body, out_type=out_type, mesh=mesh,
                     scratch_types=scratch, interpret=interpret)


def _rmatT(a, w):
    return lax.dot_general(a, w, (((1,), (1,)), ((), ())),
                           preferred_element_type=jnp.float32)


def _layer_block(p_ref, h_ref, deg_ref, hcat_ref, post_ref, self_ref, b_ref):
    ssum = p_ref[0] + p_ref[1]
    hv = h_ref[...]
    deg = deg_ref[0] + deg_ref[1]
    base = jnp.where(deg > 0.0, ssum / jnp.maximum(deg, 1.0), hv)
    hashed = jnp.dot(base, hcat_ref[...], preferred_element_type=jnp.float32)
    out = _rmatT(hashed, post_ref[...]) + _rmatT(hv, self_ref[...])
    out = out + b_ref[...]
    return jnp.where(out > 0.0, out, jnp.exp(out) - 1.0)


def _dense_layer(p, h, deg2, hcat, post, slin, b_row, r=2000,
                 interpret=False):
    n, d = h.shape
    dh = hcat.shape[1]
    assert n % r == 0
    grid = (n // r,)

    def body(p_ref, h_ref, deg_ref, hcat_ref, post_ref, self_ref, b_ref, o_ref):
        o_ref[...] = _layer_block(p_ref, h_ref, deg_ref, hcat_ref, post_ref,
                                  self_ref, b_ref)

    return pl.pallas_call(
        body,
        grid=grid,
        in_specs=[
            pl.BlockSpec((NCORE, r, d), lambda i: (0, i, 0)),
            pl.BlockSpec((r, d), lambda i: (i, 0)),
            pl.BlockSpec((NCORE, r, 1), lambda i: (0, i, 0)),
            pl.BlockSpec((d, dh), lambda i: (0, 0)),
            pl.BlockSpec((d, dh), lambda i: (0, 0)),
            pl.BlockSpec((d, d), lambda i: (0, 0)),
            pl.BlockSpec((1, d), lambda i: (0, 0)),
        ],
        out_specs=pl.BlockSpec((r, d), lambda i: (i, 0)),
        out_shape=jax.ShapeDtypeStruct((n, d), jnp.float32),
        interpret=interpret,
    )(p, h, deg2, hcat, post, slin, b_row)


def _dense_pool_classify(p, h, deg2, hcat, post, slin, b_row, batch3,
                         cw, cb_row, n_graphs, interpret=False):
    n, d = h.shape
    dh = hcat.shape[1]
    pb, _, r = batch3.shape
    nc = cw.shape[0]
    assert n == pb * r
    grid = (pb,)

    def body(p_ref, h_ref, deg_ref, hcat_ref, post_ref, self_ref, b_ref,
             bat_ref, cw_ref, cb_ref, o_ref, gacc, cacc):
        i = pl.program_id(0)

        @pl.when(i == 0)
        def _():
            gacc[...] = jnp.zeros_like(gacc)
            cacc[...] = jnp.zeros_like(cacc)

        out = _layer_block(p_ref, h_ref, deg_ref, hcat_ref, post_ref,
                           self_ref, b_ref)

        ids = bat_ref[0]
        gids = lax.broadcasted_iota(jnp.int32, (n_graphs, r), 0)
        onehot = (ids == gids).astype(jnp.float32)
        gacc[...] += jnp.dot(onehot, out, preferred_element_type=jnp.float32)
        cacc[...] += jnp.sum(onehot, axis=1, keepdims=True)

        @pl.when(i == pb - 1)
        def _():
            gmean = gacc[...] / jnp.maximum(cacc[...], 1.0)
            o_ref[...] = _rmatT(gmean, cw_ref[...]) + cb_ref[...]

    return pl.pallas_call(
        body,
        grid=grid,
        in_specs=[
            pl.BlockSpec((NCORE, r, d), lambda i: (0, i, 0)),
            pl.BlockSpec((r, d), lambda i: (i, 0)),
            pl.BlockSpec((NCORE, r, 1), lambda i: (0, i, 0)),
            pl.BlockSpec((d, dh), lambda i: (0, 0)),
            pl.BlockSpec((d, dh), lambda i: (0, 0)),
            pl.BlockSpec((d, d), lambda i: (0, 0)),
            pl.BlockSpec((1, d), lambda i: (0, 0)),
            pl.BlockSpec((1, 1, r), lambda i: (i, 0, 0)),
            pl.BlockSpec((nc, d), lambda i: (0, 0)),
            pl.BlockSpec((1, nc), lambda i: (0, 0)),
        ],
        out_specs=pl.BlockSpec((n_graphs, nc), lambda i: (0, 0)),
        out_shape=jax.ShapeDtypeStruct((n_graphs, nc), jnp.float32),
        scratch_shapes=[
            pltpu.VMEM((n_graphs, d), jnp.float32),
            pltpu.VMEM((n_graphs, 1), jnp.float32),
        ],
        interpret=interpret,
    )(p, h, deg2, hcat, post, slin, b_row, batch3, cw, cb_row)


def kernel(x, edge_index, batch, H1, post1, self1, b1, H2, post2, self2, b2,
           cW, cb):
    n, d = x.shape
    e = edge_index.shape[1]
    g = 64
    nh = H1.shape[0]

    n_pad = -(-(n + 1) // (NSUB * 8 * 2)) * (NSUB * 8 * 2)
    if n_pad % 1024 != 0:
        n_pad = -(-n_pad // 1024) * 1024

    src = edge_index[0]
    dst = edge_index[1]
    blk = -(-e // (NW * KE))
    e_pad = NW * blk * KE
    dst_p = jnp.concatenate(
        [dst, jnp.zeros((e_pad - e,), dst.dtype)]).reshape(NW, blk, KE)
    src_p = jnp.concatenate(
        [src, jnp.full((e_pad - e,), n, src.dtype)]).reshape(NW, blk, KE)
    idx_p = jnp.stack([dst_p, src_p], axis=2)

    hcat1 = jnp.transpose(H1, (1, 0, 2)).reshape(d, nh * H1.shape[2])
    hcat2 = jnp.transpose(H2, (1, 0, 2)).reshape(d, nh * H2.shape[2])

    agg_deg = _build_agg(n_pad, d, blk, with_deg=True)
    agg = _build_agg(n_pad, d, blk, with_deg=False)

    p1, deg_p = agg_deg(x, idx_p)
    deg2 = deg_p[:, :, None]

    r = 2000
    h1 = _dense_layer(p1, x, deg2, hcat1, post1, self1, b1[None, :], r=r)

    (p2,) = agg(h1, idx_p)
    batch3 = batch.reshape(n // r, 1, r)
    return _dense_pool_classify(p2, h1, deg2, hcat2, post2, self2,
                                b2[None, :], batch3, cW, cb[None, :], g)

# --- scband reference (transcript-rebuilt; emitter-appended) ---
"""Pipeline reference for scband-demonet-hash-graph-3083786518802 (READ-ONLY COPY).

The authoritative reference and input builder live on the scoring server;
editing this copy changes nothing except your own understanding.
"""

import jax, jax.numpy as jnp
import numpy as np

N, E, D = 10000, 320000, 128
NH, HD = 4, 128
HID, NC, G = 128, 16, 64

def _make_hash(rng, in_dim, hash_dim):
    col = rng.integers(0, hash_dim, size=in_dim)
    sign = (rng.integers(0, 2, size=in_dim) * 2 - 1).astype(np.float32)
    W = np.zeros((in_dim, hash_dim), dtype=np.float32)
    W[np.arange(in_dim), col] = sign
    return W

def setup_inputs(seed: int = 0):
    key = jax.random.key(seed)
    ks = jax.random.split(key, 12)
    x = jax.random.normal(ks[0], (N, D), dtype=jnp.float32)
    edge_index = jax.random.randint(ks[1], (2, E), 0, N)
    batch = jnp.sort(jax.random.randint(ks[2], (N,), 0, G))
    rng = np.random.default_rng(0)
    H1 = jnp.asarray(np.stack([_make_hash(rng, D, HD) for _ in range(NH)]))
    H2 = jnp.asarray(np.stack([_make_hash(rng, HID, HD) for _ in range(NH)]))
    s1 = 1.0 / np.sqrt(NH * HD); s2 = 1.0 / np.sqrt(D); s3 = 1.0 / np.sqrt(HID)
    post1 = jax.random.normal(ks[3], (HID, NH * HD), dtype=jnp.float32) * s1
    self1 = jax.random.normal(ks[4], (HID, D), dtype=jnp.float32) * s2
    b1 = jnp.zeros((HID,), dtype=jnp.float32)
    post2 = jax.random.normal(ks[5], (HID, NH * HD), dtype=jnp.float32) * s1
    self2 = jax.random.normal(ks[6], (HID, HID), dtype=jnp.float32) * s3
    b2 = jnp.zeros((HID,), dtype=jnp.float32)
    cW = jax.random.normal(ks[7], (NC, HID), dtype=jnp.float32) * s3
    cb = jnp.zeros((NC,), dtype=jnp.float32)
    return {"x": x, "edge_index": edge_index, "batch": batch, "H1": H1, "post1": post1, "self1": self1, "b1": b1, "H2": H2, "post2": post2, "self2": self2, "b2": b2, "cW": cW, "cb": cb}

def _layer(h, src, dst, deg, H, post, slin, bias):
    # DEMO-Net degree-bucket aggregation: for each node with out-degree d, the
    # bucket gathers exactly its d neighbors and takes the mean; degree-0 nodes
    # fall back to their own feature.
    ssum = jax.ops.segment_sum(h[dst], src, num_segments=N)
    mean = ssum / jnp.maximum(deg, 1.0)[:, None]
    base = jnp.where((deg > 0)[:, None], mean, h)
    # multiple random hash projections, concatenated
    hashed = jnp.einsum('nd,kdh->nkh', base, H).reshape(h.shape[0], -1)
    out = hashed @ post.T + h @ slin.T + bias
    return jax.nn.elu(out)

def reference(x, edge_index, batch, H1, post1, self1, b1, H2, post2, self2, b2, cW, cb):
    src, dst = edge_index[0], edge_index[1]
    deg = jax.ops.segment_sum(jnp.ones((E,), jnp.float32), src, num_segments=N)
    h = _layer(x, src, dst, deg, H1, post1, self1, b1)
    h = _layer(h, src, dst, deg, H2, post2, self2, b2)
    gsum = jax.ops.segment_sum(h, batch, num_segments=G)
    gcnt = jax.ops.segment_sum(jnp.ones((N,), jnp.float32), batch, num_segments=G)
    g = gsum / jnp.maximum(gcnt, 1.0)[:, None]
    return g @ cW.T + cb

if __name__ == "__main__":
    import jax
    _d = setup_inputs()
    print(jax.jit(kernel)(*tuple(_d.values())))

</pallas_src>

<mosaic_0001>
#map = affine_map<(d0, d1) -> (0, 0)>
#map1 = affine_map<(d0, d1) -> (0, 0, 0, 0)>
#map2 = affine_map<(d0, d1) -> (0, 0, 0)>
module attributes {stable_mosaic.version = 14 : i64} {
  func.func @body(%arg0: i32, %arg1: i32, %arg2: memref<10000x128xf32, #tpu.memory_space<hbm>>, %arg3: memref<32x125x2x80xi32, #tpu.memory_space<hbm>>, %arg4: memref<2x10240x128xf32, #tpu.memory_space<hbm>>, %arg5: memref<2x10240xf32, #tpu.memory_space<hbm>>, %arg6: memref<8x2x80xi32, #tpu.memory_space<vmem>>, %arg7: memref<4x80x128xf32, #tpu.memory_space<vmem>>, %arg8: memref<80xf32, #tpu.memory_space<vmem>>, %arg9: memref<16x128xf32, #tpu.memory_space<vmem>>, %arg10: memref<10240x128xf32, #tpu.memory_space<vmem_shared>>, %arg11: memref<10240xf32, #tpu.memory_space<vmem_shared>>, %arg12: memref<!tpu.dma_semaphore, #tpu.memory_space<semaphore_mem>>, %arg13: memref<!tpu.dma_semaphore, #tpu.memory_space<semaphore_mem>>, %arg14: memref<!tpu.dma_semaphore, #tpu.memory_space<semaphore_mem>>, %arg15: memref<!tpu.dma_semaphore, #tpu.memory_space<semaphore_mem>>) attributes {dimension_semantics = [#tpu.dimension_semantics<core_parallel>, #tpu.dimension_semantics<subcore_parallel>], iteration_bounds = array<i64: 2, 16>, scalar_prefetch = 0 : i64, scratch_operands = 10 : i64, tpu.core_type = #tpu.core_type<sc_vector_subcore>, window_params = [{transform_indices = #map}, {transform_indices = #map1}, {transform_indices = #map2}, {transform_indices = #map}]} {
    %mul3A = arith.constant 2 : i32
    %mul3A_0 = arith.muli %arg1, %mul3A : i32
    %add3A = arith.addi %mul3A_0, %arg0 : i32
    %broadcast_in_dim3A = arith.constant 0.000000e+00 : f32
    %broadcast_in_dim3A_1 = vector.broadcast %broadcast_in_dim3A : f32 to vector<16xf32>
    %broadcast_in_dim3A_2 = arith.constant 1.000000e+00 : f32
    %broadcast_in_dim3A_3 = vector.broadcast %broadcast_in_dim3A_2 : f32 to vector<16xf32>
    %rem3A = arith.constant 0 : i32
    %rem3A_4 = arith.constant 8 : i32
    %rem3A_5 = arith.remsi %rem3A, %rem3A_4 : i32
    %dma_start3A = arith.constant 0 : i32
    %dma_start3A_6 = arith.constant 0 : i32
    %dma_start3A_7 = arith.constant 0 : i32
    %dma_start3A_8 = tpu.memref_slice %arg6[%rem3A_5, %dma_start3A_6, %dma_start3A_7] : memref<8x2x80xi32, #tpu.memory_space<vmem>> -> memref<1x2x80xi32, #tpu.memory_space<vmem>>
    %dma_start3A_9 = tpu.memref_squeeze %dma_start3A_8 : memref<1x2x80xi32, #tpu.memory_space<vmem>> -> memref<2x80xi32, #tpu.memory_space<vmem>>
    %dma_start3A_10 = arith.constant 0 : i32
    %dma_start3A_11 = arith.constant 0 : i32
    %dma_start3A_12 = tpu.memref_slice %arg3[%add3A, %dma_start3A, %dma_start3A_10, %dma_start3A_11] : memref<32x125x2x80xi32, #tpu.memory_space<hbm>> -> memref<1x1x2x80xi32, #tpu.memory_space<hbm>>
    %dma_start3A_13 = tpu.memref_squeeze %dma_start3A_12 : memref<1x1x2x80xi32, #tpu.memory_space<hbm>> -> memref<2x80xi32, #tpu.memory_space<hbm>>
    %dma_start3A_14 = arith.constant 0 : i32
    %dma_start3A_15 = arith.constant 0 : i32
    %dma_start3A_16 = tpu.memref_slice %arg6[%rem3A_5, %dma_start3A_14, %dma_start3A_15] : memref<8x2x80xi32, #tpu.memory_space<vmem>> -> memref<1x2x80xi32, #tpu.memory_space<vmem>>
    %dma_start3A_17 = tpu.memref_squeeze %dma_start3A_16 : memref<1x2x80xi32, #tpu.memory_space<vmem>> -> memref<2x80xi32, #tpu.memory_space<vmem>>
    %dma_start3A_18 = arith.constant 0 : i32
    %dma_start3A_19 = arith.constant 0 : i32
    %dma_start3A_20 = tpu.memref_slice %arg3[%add3A, %dma_start3A, %dma_start3A_18, %dma_start3A_19] : memref<32x125x2x80xi32, #tpu.memory_space<hbm>> -> memref<1x1x2x80xi32, #tpu.memory_space<hbm>>
    %dma_start3A_21 = tpu.memref_squeeze %dma_start3A_20 : memref<1x1x2x80xi32, #tpu.memory_space<hbm>> -> memref<2x80xi32, #tpu.memory_space<hbm>>
    tpu.enqueue_dma source(%dma_start3A_21 : memref<2x80xi32, #tpu.memory_space<hbm>>) target(%dma_start3A_17 : memref<2x80xi32, #tpu.memory_space<vmem>>) target_semaphore(%arg12 : memref<!tpu.dma_semaphore, #tpu.memory_space<semaphore_mem>>)
    %rem3A_22 = arith.constant 1 : i32
    %rem3A_23 = arith.constant 8 : i32
    %rem3A_24 = arith.remsi %rem3A_22, %rem3A_23 : i32
    %dma_start3A_25 = arith.constant 1 : i32
    %dma_start3A_26 = arith.constant 0 : i32
    %dma_start3A_27 = arith.constant 0 : i32
    %dma_start3A_28 = tpu.memref_slice %arg6[%rem3A_24, %dma_start3A_26, %dma_start3A_27] : memref<8x2x80xi32, #tpu.memory_space<vmem>> -> memref<1x2x80xi32, #tpu.memory_space<vmem>>
    %dma_start3A_29 = tpu.memref_squeeze %dma_start3A_28 : memref<1x2x80xi32, #tpu.memory_space<vmem>> -> memref<2x80xi32, #tpu.memory_space<vmem>>
    %dma_start3A_30 = arith.constant 0 : i32
    %dma_start3A_31 = arith.constant 0 : i32
    %dma_start3A_32 = tpu.memref_slice %arg3[%add3A, %dma_start3A_25, %dma_start3A_30, %dma_start3A_31] : memref<32x125x2x80xi32, #tpu.memory_space<hbm>> -> memref<1x1x2x80xi32, #tpu.memory_space<hbm>>
    %dma_start3A_33 = tpu.memref_squeeze %dma_start3A_32 : memref<1x1x2x80xi32, #tpu.memory_space<hbm>> -> memref<2x80xi32, #tpu.memory_space<hbm>>
    %dma_start3A_34 = arith.constant 0 : i32
    %dma_start3A_35 = arith.constant 0 : i32
    %dma_start3A_36 = tpu.memref_slice %arg6[%rem3A_24, %dma_start3A_34, %dma_start3A_35] : memref<8x2x80xi32, #tpu.memory_space<vmem>> -> memref<1x2x80xi32, #tpu.memory_space<vmem>>
    %dma_start3A_37 = tpu.memref_squeeze %dma_start3A_36 : memref<1x2x80xi32, #tpu.memory_space<vmem>> -> memref<2x80xi32, #tpu.memory_space<vmem>>
    %dma_start3A_38 = arith.constant 0 : i32
    %dma_start3A_39 = arith.constant 0 : i32
    %dma_start3A_40 = tpu.memref_slice %arg3[%add3A, %dma_start3A_25, %dma_start3A_38, %dma_start3A_39] : memref<32x125x2x80xi32, #tpu.memory_space<hbm>> -> memref<1x1x2x80xi32, #tpu.memory_space<hbm>>
    %dma_start3A_41 = tpu.memref_squeeze %dma_start3A_40 : memref<1x1x2x80xi32, #tpu.memory_space<hbm>> -> memref<2x80xi32, #tpu.memory_space<hbm>>
    tpu.enqueue_dma source(%dma_start3A_41 : memref<2x80xi32, #tpu.memory_space<hbm>>) target(%dma_start3A_37 : memref<2x80xi32, #tpu.memory_space<vmem>>) target_semaphore(%arg12 : memref<!tpu.dma_semaphore, #tpu.memory_space<semaphore_mem>>)
    %rem3A_42 = arith.constant 2 : i32
    %rem3A_43 = arith.constant 8 : i32
    %rem3A_44 = arith.remsi %rem3A_42, %rem3A_43 : i32
    %dma_start3A_45 = arith.constant 2 : i32
    %dma_start3A_46 = arith.constant 0 : i32
    %dma_start3A_47 = arith.constant 0 : i32
    %dma_start3A_48 = tpu.memref_slice %arg6[%rem3A_44, %dma_start3A_46, %dma_start3A_47] : memref<8x2x80xi32, #tpu.memory_space<vmem>> -> memref<1x2x80xi32, #tpu.memory_space<vmem>>
    %dma_start3A_49 = tpu.memref_squeeze %dma_start3A_48 : memref<1x2x80xi32, #tpu.memory_space<vmem>> -> memref<2x80xi32, #tpu.memory_space<vmem>>
    %dma_start3A_50 = arith.constant 0 : i32
    %dma_start3A_51 = arith.constant 0 : i32
    %dma_start3A_52 = tpu.memref_slice %arg3[%add3A, %dma_start3A_45, %dma_start3A_50, %dma_start3A_51] : memref<32x125x2x80xi32, #tpu.memory_space<hbm>> -> memref<1x1x2x80xi32, #tpu.memory_space<hbm>>
    %dma_start3A_53 = tpu.memref_squeeze %dma_start3A_52 : memref<1x1x2x80xi32, #tpu.memory_space<hbm>> -> memref<2x80xi32, #tpu.memory_space<hbm>>
    %dma_start3A_54 = arith.constant 0 : i32
    %dma_start3A_55 = arith.constant 0 : i32
    %dma_start3A_56 = tpu.memref_slice %arg6[%rem3A_44, %dma_start3A_54, %dma_start3A_55] : memref<8x2x80xi32, #tpu.memory_space<vmem>> -> memref<1x2x80xi32, #tpu.memory_space<vmem>>
    %dma_start3A_57 = tpu.memref_squeeze %dma_start3A_56 : memref<1x2x80xi32, #tpu.memory_space<vmem>> -> memref<2x80xi32, #tpu.memory_space<vmem>>
    %dma_start3A_58 = arith.constant 0 : i32
    %dma_start3A_59 = arith.constant 0 : i32
    %dma_start3A_60 = tpu.memref_slice %arg3[%add3A, %dma_start3A_45, %dma_start3A_58, %dma_start3A_59] : memref<32x125x2x80xi32, #tpu.memory_space<hbm>> -> memref<1x1x2x80xi32, #tpu.memory_space<hbm>>
    %dma_start3A_61 = tpu.memref_squeeze %dma_start3A_60 : memref<1x1x2x80xi32, #tpu.memory_space<hbm>> -> memref<2x80xi32, #tpu.memory_space<hbm>>
    tpu.enqueue_dma source(%dma_start3A_61 : memref<2x80xi32, #tpu.memory_space<hbm>>) target(%dma_start3A_57 : memref<2x80xi32, #tpu.memory_space<vmem>>) target_semaphore(%arg12 : memref<!tpu.dma_semaphore, #tpu.memory_space<semaphore_mem>>)
    %scan3A = arith.constant 0 : i32
    %scan3A_62 = arith.constant 0 : i32
    %scan3A_63 = arith.constant 16 : i32
    %scan3A_64 = arith.addi %scan3A_62, %scan3A_63 : i32
    %scan3A_65 = arith.constant 1 : i32
    %scan3A_66 = scf.for %scan3A_345 = %scan3A_62 to %scan3A_64 step %scan3A_65 iter_args(%scan3A_346 = %scan3A) -> (i32)  : i32 {
      %swap3A = arith.index_cast %scan3A_345 : i32 to index
      %swap3A_347 = arith.constant 0 : index
      %swap3A_348 = tpu.vector_load %arg9[%swap3A, %swap3A_347] {strides = array<i32>} : memref<16x128xf32, #tpu.memory_space<vmem>>, vector<1x16xf32>,
      %swap3A_349 = vector.shape_cast %swap3A_348 : vector<1x16xf32> to vector<16xf32>
      %swap3A_350 = vector.shape_cast %broadcast_in_dim3A_1 : vector<16xf32> to vector<1x16xf32>
      tpu.vector_store %arg9[%swap3A, %swap3A_347], %swap3A_350 {strides = array<i32>} : memref<16x128xf32, #tpu.memory_space<vmem>>, vector<1x16xf32>,
      %swap3A_351 = arith.index_cast %scan3A_345 : i32 to index
      %swap3A_352 = arith.constant 16 : index
      %swap3A_353 = tpu.vector_load %arg9[%swap3A_351, %swap3A_352] {strides = array<i32>} : memref<16x128xf32, #tpu.memory_space<vmem>>, vector<1x16xf32>,
      %swap3A_354 = vector.shape_cast %swap3A_353 : vector<1x16xf32> to vector<16xf32>
      %swap3A_355 = vector.shape_cast %broadcast_in_dim3A_1 : vector<16xf32> to vector<1x16xf32>
      tpu.vector_store %arg9[%swap3A_351, %swap3A_352], %swap3A_355 {strides = array<i32>} : memref<16x128xf32, #tpu.memory_space<vmem>>, vector<1x16xf32>,
      %swap3A_356 = arith.index_cast %scan3A_345 : i32 to index
      %swap3A_357 = arith.constant 32 : index
      %swap3A_358 = tpu.vector_load %arg9[%swap3A_356, %swap3A_357] {strides = array<i32>} : memref<16x128xf32, #tpu.memory_space<vmem>>, vector<1x16xf32>,
      %swap3A_359 = vector.shape_cast %swap3A_358 : vector<1x16xf32> to vector<16xf32>
      %swap3A_360 = vector.shape_cast %broadcast_in_dim3A_1 : vector<16xf32> to vector<1x16xf32>
      tpu.vector_store %arg9[%swap3A_356, %swap3A_357], %swap3A_360 {strides = array<i32>} : memref<16x128xf32, #tpu.memory_space<vmem>>, vector<1x16xf32>,
      %swap3A_361 = arith.index_cast %scan3A_345 : i32 to index
      %swap3A_362 = arith.constant 48 : index
      %swap3A_363 = tpu.vector_load %arg9[%swap3A_361, %swap3A_362] {strides = array<i32>} : memref<16x128xf32, #tpu.memory_space<vmem>>, vector<1x16xf32>,
      %swap3A_364 = vector.shape_cast %swap3A_363 : vector<1x16xf32> to vector<16xf32>
      %swap3A_365 = vector.shape_cast %broadcast_in_dim3A_1 : vector<16xf32> to vector<1x16xf32>
      tpu.vector_store %arg9[%swap3A_361, %swap3A_362], %swap3A_365 {strides = array<i32>} : memref<16x128xf32, #tpu.memory_space<vmem>>, vector<1x16xf32>,
      %swap3A_366 = arith.index_cast %scan3A_345 : i32 to index
      %swap3A_367 = arith.constant 64 : index
      %swap3A_368 = tpu.vector_load %arg9[%swap3A_366, %swap3A_367] {strides = array<i32>} : memref<16x128xf32, #tpu.memory_space<vmem>>, vector<1x16xf32>,
      %swap3A_369 = vector.shape_cast %swap3A_368 : vector<1x16xf32> to vector<16xf32>
      %swap3A_370 = vector.shape_cast %broadcast_in_dim3A_1 : vector<16xf32> to vector<1x16xf32>
      tpu.vector_store %arg9[%swap3A_366, %swap3A_367], %swap3A_370 {strides = array<i32>} : memref<16x128xf32, #tpu.memory_space<vmem>>, vector<1x16xf32>,
      %swap3A_371 = arith.index_cast %scan3A_345 : i32 to index
      %swap3A_372 = arith.constant 80 : index
      %swap3A_373 = tpu.vector_load %arg9[%swap3A_371, %swap3A_372] {strides = array<i32>} : memref<16x128xf32, #tpu.memory_space<vmem>>, vector<1x16xf32>,
      %swap3A_374 = vector.shape_cast %swap3A_373 : vector<1x16xf32> to vector<16xf32>
      %swap3A_375 = vector.shape_cast %broadcast_in_dim3A_1 : vector<16xf32> to vector<1x16xf32>
      tpu.vector_store %arg9[%swap3A_371, %swap3A_372], %swap3A_375 {strides = array<i32>} : memref<16x128xf32, #tpu.memory_space<vmem>>, vector<1x16xf32>,
      %swap3A_376 = arith.index_cast %scan3A_345 : i32 to index
      %swap3A_377 = arith.constant 96 : index
      %swap3A_378 = tpu.vector_load %arg9[%swap3A_376, %swap3A_377] {strides = array<i32>} : memref<16x128xf32, #tpu.memory_space<vmem>>, vector<1x16xf32>,
      %swap3A_379 = vector.shape_cast %swap3A_378 : vector<1x16xf32> to vector<16xf32>
      %swap3A_380 = vector.shape_cast %broadcast_in_dim3A_1 : vector<16xf32> to vector<1x16xf32>
      tpu.vector_store %arg9[%swap3A_376, %swap3A_377], %swap3A_380 {strides = array<i32>} : memref<16x128xf32, #tpu.memory_space<vmem>>, vector<1x16xf32>,
      %swap3A_381 = arith.index_cast %scan3A_345 : i32 to index
      %swap3A_382 = arith.constant 112 : index
      %swap3A_383 = tpu.vector_load %arg9[%swap3A_381, %swap3A_382] {strides = array<i32>} : memref<16x128xf32, #tpu.memory_space<vmem>>, vector<1x16xf32>,
      %swap3A_384 = vector.shape_cast %swap3A_383 : vector<1x16xf32> to vector<16xf32>
      %swap3A_385 = vector.shape_cast %broadcast_in_dim3A_1 : vector<16xf32> to vector<1x16xf32>
      tpu.vector_store %arg9[%swap3A_381, %swap3A_382], %swap3A_385 {strides = array<i32>} : memref<16x128xf32, #tpu.memory_space<vmem>>, vector<1x16xf32>,
      %scan3A_386 = arith.constant 0 : i32
      scf.yield %scan3A_386 : i32
    }
    %scan3A_67 = arith.constant 16 : i32
    %scan3A_68 = arith.constant 0 : i32
    %scan3A_69 = arith.constant 0 : i32
    %scan3A_70 = arith.constant 5 : i32
    %scan3A_71 = arith.addi %scan3A_69, %scan3A_70 : i32
    %scan3A_72 = arith.constant 1 : i32
    %scan3A_73 = scf.for %scan3A_345 = %scan3A_69 to %scan3A_71 step %scan3A_72 iter_args(%scan3A_346 = %scan3A_68) -> (i32)  : i32 {
      %mul3A_347 = arith.constant 16 : i32
      %mul3A_348 = arith.muli %scan3A_345, %mul3A_347 : i32
      %swap3A = arith.index_cast %mul3A_348 : i32 to index
      %swap3A_349 = tpu.vector_load %arg8[%swap3A] {strides = array<i32>} : memref<80xf32, #tpu.memory_space<vmem>>, vector<16xf32>,
      %swap3A_350 = vector.shape_cast %swap3A_349 : vector<16xf32> to vector<16xf32>
      %swap3A_351 = vector.shape_cast %broadcast_in_dim3A_3 : vector<16xf32> to vector<16xf32>
      tpu.vector_store %arg8[%swap3A], %swap3A_351 {strides = array<i32>} : memref<80xf32, #tpu.memory_space<vmem>>, vector<16xf32>,
      %scan3A_352 = arith.constant 0 : i32
      scf.yield %scan3A_352 : i32
    }
    %scan3A_74 = arith.constant 5 : i32
    %scan3A_75 = arith.constant 0 : i32
    %scan3A_76 = arith.constant 0 : i32
    %scan3A_77 = arith.constant 40 : i32
    %scan3A_78 = arith.addi %scan3A_76, %scan3A_77 : i32
    %scan3A_79 = arith.constant 1 : i32
    %scan3A_80 = scf.for %scan3A_345 = %scan3A_76 to %scan3A_78 step %scan3A_79 iter_args(%scan3A_346 = %scan3A_75) -> (i32)  : i32 {
      %mul3A_347 = arith.constant 640 : i32
      %mul3A_348 = arith.muli %arg1, %mul3A_347 : i32
      %mul3A_349 = arith.constant 16 : i32
      %mul3A_350 = arith.muli %scan3A_345, %mul3A_349 : i32
      %add3A_351 = arith.addi %mul3A_348, %mul3A_350 : i32
      %dma_start3A_352 = arith.constant 0 : i32
      %dma_start3A_353 = tpu.memref_slice %arg10[%add3A_351, %dma_start3A_352] : memref<10240x128xf32, #tpu.memory_space<vmem_shared>> -> memref<16x128xf32, #tpu.memory_space<vmem_shared>>
      %dma_start3A_354 = arith.constant 0 : i32
      %dma_start3A_355 = tpu.memref_slice %arg10[%add3A_351, %dma_start3A_354] : memref<10240x128xf32, #tpu.memory_space<vmem_shared>> -> memref<16x128xf32, #tpu.memory_space<vmem_shared>>
      tpu.enqueue_dma source(%arg9 : memref<16x128xf32, #tpu.memory_space<vmem>>) target(%dma_start3A_355 : memref<16x128xf32, #tpu.memory_space<vmem_shared>>) target_semaphore(%arg13 : memref<!tpu.dma_semaphore, #tpu.memory_space<semaphore_mem>>)
      %scan3A_356 = arith.constant 0 : i32
      scf.yield %scan3A_356 : i32
    }
    %scan3A_81 = arith.constant 40 : i32
    %scan3A_82 = arith.constant 0 : i32
    %scan3A_83 = arith.constant 0 : i32
    %scan3A_84 = arith.constant 5 : i32
    %scan3A_85 = arith.addi %scan3A_83, %scan3A_84 : i32
    %scan3A_86 = arith.constant 1 : i32
    %scan3A_87 = scf.for %scan3A_345 = %scan3A_83 to %scan3A_85 step %scan3A_86 iter_args(%scan3A_346 = %scan3A_82) -> (i32)  : i32 {
      %mul3A_347 = arith.constant 640 : i32
      %mul3A_348 = arith.muli %arg1, %mul3A_347 : i32
      %mul3A_349 = arith.constant 128 : i32
      %mul3A_350 = arith.muli %scan3A_345, %mul3A_349 : i32
      %add3A_351 = arith.addi %mul3A_348, %mul3A_350 : i32
      %dma_start3A_352 = arith.constant 0 : i32
      %dma_start3A_353 = arith.constant 0 : i32
      %dma_start3A_354 = tpu.memref_slice %arg9[%dma_start3A_352, %dma_start3A_353] : memref<16x128xf32, #tpu.memory_space<vmem>> -> memref<1x128xf32, #tpu.memory_space<vmem>>
      %dma_start3A_355 = tpu.memref_squeeze %dma_start3A_354 : memref<1x128xf32, #tpu.memory_space<vmem>> -> memref<128xf32, #tpu.memory_space<vmem>>
      %dma_start3A_356 = tpu.memref_slice %arg11[%add3A_351] : memref<10240xf32, #tpu.memory_space<vmem_shared>> -> memref<128xf32, #tpu.memory_space<vmem_shared>>
      %dma_start3A_357 = tpu.memref_slice %arg11[%add3A_351] : memref<10240xf32, #tpu.memory_space<vmem_shared>> -> memref<128xf32, #tpu.memory_space<vmem_shared>>
      %dma_start3A_358 = arith.constant 0 : i32
      %dma_start3A_359 = tpu.memref_slice %arg9[%dma_start3A_352, %dma_start3A_358] : memref<16x128xf32, #tpu.memory_space<vmem>> -> memref<1x128xf32, #tpu.memory_space<vmem>>
      %dma_start3A_360 = tpu.memref_squeeze %dma_start3A_359 : memref<1x128xf32, #tpu.memory_space<vmem>> -> memref<128xf32, #tpu.memory_space<vmem>>
      tpu.enqueue_dma source(%dma_start3A_360 : memref<128xf32, #tpu.memory_space<vmem>>) target(%dma_start3A_357 : memref<128xf32, #tpu.memory_space<vmem_shared>>) target_semaphore(%arg15 : memref<!tpu.dma_semaphore, #tpu.memory_space<semaphore_mem>>)
      %scan3A_361 = arith.constant 0 : i32
      scf.yield %scan3A_361 : i32
    }
    %scan3A_88 = arith.constant 5 : i32
    %scan3A_89 = arith.constant 0 : i32
    %scan3A_90 = arith.constant 0 : i32
    %scan3A_91 = arith.constant 40 : i32
    %scan3A_92 = arith.addi %scan3A_90, %scan3A_91 : i32
    %scan3A_93 = arith.constant 1 : i32
    %scan3A_94 = scf.for %scan3A_345 = %scan3A_90 to %scan3A_92 step %scan3A_93 iter_args(%scan3A_346 = %scan3A_89) -> (i32)  : i32 {
      %mul3A_347 = arith.constant 640 : i32
      %mul3A_348 = arith.muli %arg1, %mul3A_347 : i32
      %mul3A_349 = arith.constant 16 : i32
      %mul3A_350 = arith.muli %scan3A_345, %mul3A_349 : i32
      %add3A_351 = arith.addi %mul3A_348, %mul3A_350 : i32
      %dma_wait3A_352 = arith.constant 0 : i32
      %dma_wait3A_353 = tpu.memref_slice %arg10[%add3A_351, %dma_wait3A_352] : memref<10240x128xf32, #tpu.memory_space<vmem_shared>> -> memref<16x128xf32, #tpu.memory_space<vmem_shared>>
      %dma_wait3A_354 = arith.constant 0 : i32
      %dma_wait3A_355 = tpu.memref_slice %arg10[%add3A_351, %dma_wait3A_354] : memref<10240x128xf32, #tpu.memory_space<vmem_shared>> -> memref<16x128xf32, #tpu.memory_space<vmem_shared>>
      tpu.wait_dma2 semaphore(%arg13 : memref<!tpu.dma_semaphore, #tpu.memory_space<semaphore_mem>>) src(%arg9 : memref<16x128xf32, #tpu.memory_space<vmem>>) dst(%dma_wait3A_355 : memref<16x128xf32, #tpu.memory_space<vmem_shared>>)
      %scan3A_356 = arith.constant 0 : i32
      scf.yield %scan3A_356 : i32
    }
    %scan3A_95 = arith.constant 40 : i32
    %scan3A_96 = arith.constant 0 : i32
    %scan3A_97 = arith.constant 0 : i32
    %scan3A_98 = arith.constant 5 : i32
    %scan3A_99 = arith.addi %scan3A_97, %scan3A_98 : i32
    %scan3A_100 = arith.constant 1 : i32
    %scan3A_101 = scf.for %scan3A_345 = %scan3A_97 to %scan3A_99 step %scan3A_100 iter_args(%scan3A_346 = %scan3A_96) -> (i32)  : i32 {
      %mul3A_347 = arith.constant 640 : i32
      %mul3A_348 = arith.muli %arg1, %mul3A_347 : i32
      %mul3A_349 = arith.constant 128 : i32
      %mul3A_350 = arith.muli %scan3A_345, %mul3A_349 : i32
      %add3A_351 = arith.addi %mul3A_348, %mul3A_350 : i32
      %dma_wait3A_352 = arith.constant 0 : i32
      %dma_wait3A_353 = arith.constant 0 : i32
      %dma_wait3A_354 = tpu.memref_slice %arg9[%dma_wait3A_352, %dma_wait3A_353] : memref<16x128xf32, #tpu.memory_space<vmem>> -> memref<1x128xf32, #tpu.memory_space<vmem>>
      %dma_wait3A_355 = tpu.memref_squeeze %dma_wait3A_354 : memref<1x128xf32, #tpu.memory_space<vmem>> -> memref<128xf32, #tpu.memory_space<vmem>>
      %dma_wait3A_356 = tpu.memref_slice %arg11[%add3A_351] : memref<10240xf32, #tpu.memory_space<vmem_shared>> -> memref<128xf32, #tpu.memory_space<vmem_shared>>
      %dma_wait3A_357 = tpu.memref_slice %arg11[%add3A_351] : memref<10240xf32, #tpu.memory_space<vmem_shared>> -> memref<128xf32, #tpu.memory_space<vmem_shared>>
      %dma_wait3A_358 = arith.constant 0 : i32
      %dma_wait3A_359 = tpu.memref_slice %arg9[%dma_wait3A_352, %dma_wait3A_358] : memref<16x128xf32, #tpu.memory_space<vmem>> -> memref<1x128xf32, #tpu.memory_space<vmem>>
      %dma_wait3A_360 = tpu.memref_squeeze %dma_wait3A_359 : memref<1x128xf32, #tpu.memory_space<vmem>> -> memref<128xf32, #tpu.memory_space<vmem>>
      tpu.wait_dma2 semaphore(%arg15 : memref<!tpu.dma_semaphore, #tpu.memory_space<semaphore_mem>>) src(%dma_wait3A_360 : memref<128xf32, #tpu.memory_space<vmem>>) dst(%dma_wait3A_357 : memref<128xf32, #tpu.memory_space<vmem_shared>>)
      %scan3A_361 = arith.constant 0 : i32
      scf.yield %scan3A_361 : i32
    }
    %scan3A_102 = arith.constant 5 : i32
    %barrier3A = arith.constant 0 : index
    tpu.barrier barrier_id(%barrier3A)
    %scan3A_103 = arith.constant 0 : i32
    %scan3A_104 = arith.constant 0 : i32
    %scan3A_105 = arith.constant 125 : i32
    %scan3A_106 = arith.addi %scan3A_104, %scan3A_105 : i32
    %scan3A_107 = arith.constant 1 : i32
    %scan3A_108 = scf.for %scan3A_345 = %scan3A_104 to %scan3A_106 step %scan3A_107 iter_args(%scan3A_346 = %scan3A_103) -> (i32)  : i32 {
      %ge3A = arith.constant 4 : i32
      %ge3A_347 = arith.cmpi sge, %scan3A_345, %ge3A : i32
      %convert_element_type3A = arith.extui %ge3A_347 : i1 to i32
      %cond3A = arith.constant 0 : i32
      %cond3A_348 = arith.cmpi ne, %convert_element_type3A, %cond3A : i32
      scf.if %cond3A_348 {
        %sub3A = arith.constant 4 : i32
        %sub3A_394 = arith.subi %scan3A_345, %sub3A : i32
        %rem3A_395 = arith.constant 4 : i32
        %rem3A_396 = arith.remsi %sub3A_394, %rem3A_395 : i32
        %rem3A_397 = arith.constant 8 : i32
        %rem3A_398 = arith.remsi %sub3A_394, %rem3A_397 : i32
        %dma_wait3A_399 = arith.constant 1 : i32
        %dma_wait3A_400 = arith.constant 0 : i32
        %dma_wait3A_401 = arith.constant 0 : i32
        %dma_wait3A_402 = tpu.memref_slice %arg7[%rem3A_396, %dma_wait3A_400, %dma_wait3A_401] : memref<4x80x128xf32, #tpu.memory_space<vmem>> -> memref<1x80x128xf32, #tpu.memory_space<vmem>>
        %dma_wait3A_403 = tpu.memref_squeeze %dma_wait3A_402 : memref<1x80x128xf32, #tpu.memory_space<vmem>> -> memref<80x128xf32, #tpu.memory_space<vmem>>
        %dma_wait3A_404 = arith.constant 0 : i32
        %dma_wait3A_405 = tpu.memref_slice %arg6[%rem3A_398, %dma_wait3A_399, %dma_wait3A_404] : memref<8x2x80xi32, #tpu.memory_space<vmem>> -> memref<1x1x80xi32, #tpu.memory_space<vmem>>
        %dma_wait3A_406 = tpu.memref_squeeze %dma_wait3A_405 : memref<1x1x80xi32, #tpu.memory_space<vmem>> -> memref<80xi32, #tpu.memory_space<vmem>>
        %dma_wait3A_407 = arith.constant 0 : i32
        %dma_wait3A_408 = arith.constant 0 : i32
        %dma_wait3A_409 = tpu.memref_slice %arg10[%dma_wait3A_407, %dma_wait3A_408] : memref<10240x128xf32, #tpu.memory_space<vmem_shared>> -> memref<10240x128xf32, #tpu.memory_space<vmem_shared>>
        tpu.wait_indirect_dma semaphore(%arg14 : memref<!tpu.dma_semaphore, #tpu.memory_space<semaphore_mem>>) src(%dma_wait3A_403 : memref<80x128xf32, #tpu.memory_space<vmem>>) dst(%dma_wait3A_409 : memref<10240x128xf32, #tpu.memory_space<vmem_shared>>)
        %sub3A_410 = arith.constant 4 : i32
        %sub3A_411 = arith.subi %scan3A_345, %sub3A_410 : i32
        %rem3A_412 = arith.constant 8 : i32
        %rem3A_413 = arith.remsi %sub3A_411, %rem3A_412 : i32
        %dma_wait3A_414 = arith.constant 1 : i32
        %dma_wait3A_415 = arith.constant 0 : i32
        %dma_wait3A_416 = tpu.memref_slice %arg6[%rem3A_413, %dma_wait3A_414, %dma_wait3A_415] : memref<8x2x80xi32, #tpu.memory_space<vmem>> -> memref<1x1x80xi32, #tpu.memory_space<vmem>>
        %dma_wait3A_417 = tpu.memref_squeeze %dma_wait3A_416 : memref<1x1x80xi32, #tpu.memory_space<vmem>> -> memref<80xi32, #tpu.memory_space<vmem>>
        %dma_wait3A_418 = arith.constant 0 : i32
        %dma_wait3A_419 = tpu.memref_slice %arg11[%dma_wait3A_418] : memref<10240xf32, #tpu.memory_space<vmem_shared>> -> memref<10240xf32, #tpu.memory_space<vmem_shared>>
        tpu.wait_indirect_dma semaphore(%arg15 : memref<!tpu.dma_semaphore, #tpu.memory_space<semaphore_mem>>) src(%arg8 : memref<80xf32, #tpu.memory_space<vmem>>) dst(%dma_wait3A_419 : memref<10240xf32, #tpu.memory_space<vmem_shared>>)
      } else {
      }
      %rem3A_349 = arith.constant 8 : i32
      %rem3A_350 = arith.remsi %scan3A_345, %rem3A_349 : i32
      %dma_wait3A_351 = arith.constant 0 : i32
      %dma_wait3A_352 = arith.constant 0 : i32
      %dma_wait3A_353 = tpu.memref_slice %arg6[%rem3A_350, %dma_wait3A_351, %dma_wait3A_352] : memref<8x2x80xi32, #tpu.memory_space<vmem>> -> memref<1x2x80xi32, #tpu.memory_space<vmem>>
      %dma_wait3A_354 = tpu.memref_squeeze %dma_wait3A_353 : memref<1x2x80xi32, #tpu.memory_space<vmem>> -> memref<2x80xi32, #tpu.memory_space<vmem>>
      %dma_wait3A_355 = arith.constant 0 : i32
      %dma_wait3A_356 = arith.constant 0 : i32
      %dma_wait3A_357 = tpu.memref_slice %arg3[%add3A, %scan3A_345, %dma_wait3A_355, %dma_wait3A_356] : memref<32x125x2x80xi32, #tpu.memory_space<hbm>> -> memref<1x1x2x80xi32, #tpu.memory_space<hbm>>
      %dma_wait3A_358 = tpu.memref_squeeze %dma_wait3A_357 : memref<1x1x2x80xi32, #tpu.memory_space<hbm>> -> memref<2x80xi32, #tpu.memory_space<hbm>>
      %dma_wait3A_359 = arith.constant 0 : i32
      %dma_wait3A_360 = arith.constant 0 : i32
      %dma_wait3A_361 = tpu.memref_slice %arg6[%rem3A_350, %dma_wait3A_359, %dma_wait3A_360] : memref<8x2x80xi32, #tpu.memory_space<vmem>> -> memref<1x2x80xi32, #tpu.memory_space<vmem>>
      %dma_wait3A_362 = tpu.memref_squeeze %dma_wait3A_361 : memref<1x2x80xi32, #tpu.memory_space<vmem>> -> memref<2x80xi32, #tpu.memory_space<vmem>>
      %dma_wait3A_363 = arith.constant 0 : i32
      %dma_wait3A_364 = arith.constant 0 : i32
      %dma_wait3A_365 = tpu.memref_slice %arg3[%add3A, %scan3A_345, %dma_wait3A_363, %dma_wait3A_364] : memref<32x125x2x80xi32, #tpu.memory_space<hbm>> -> memref<1x1x2x80xi32, #tpu.memory_space<hbm>>
      %dma_wait3A_366 = tpu.memref_squeeze %dma_wait3A_365 : memref<1x1x2x80xi32, #tpu.memory_space<hbm>> -> memref<2x80xi32, #tpu.memory_space<hbm>>
      tpu.wait_dma2 semaphore(%arg12 : memref<!tpu.dma_semaphore, #tpu.memory_space<semaphore_mem>>) src(%dma_wait3A_366 : memref<2x80xi32, #tpu.memory_space<hbm>>) dst(%dma_wait3A_362 : memref<2x80xi32, #tpu.memory_space<vmem>>)
      %rem3A_367 = arith.constant 8 : i32
      %rem3A_368 = arith.remsi %scan3A_345, %rem3A_367 : i32
      %rem3A_369 = arith.constant 4 : i32
      %rem3A_370 = arith.remsi %scan3A_345, %rem3A_369 : i32
      %dma_start3A_371 = arith.constant 0 : i32
      %dma_start3A_372 = arith.constant 0 : i32
      %dma_start3A_373 = arith.constant 0 : i32
      %dma_start3A_374 = tpu.memref_slice %arg7[%rem3A_370, %dma_start3A_372, %dma_start3A_373] : memref<4x80x128xf32, #tpu.memory_space<vmem>> -> memref<1x80x128xf32, #tpu.memory_space<vmem>>
      %dma_start3A_375 = tpu.memref_squeeze %dma_start3A_374 : memref<1x80x128xf32, #tpu.memory_space<vmem>> -> memref<80x128xf32, #tpu.memory_space<vmem>>
      %dma_start3A_376 = arith.constant 0 : i32
      %dma_start3A_377 = tpu.memref_slice %arg6[%rem3A_368, %dma_start3A_371, %dma_start3A_376] : memref<8x2x80xi32, #tpu.memory_space<vmem>> -> memref<1x1x80xi32, #tpu.memory_space<vmem>>
      %dma_start3A_378 = tpu.memref_squeeze %dma_start3A_377 : memref<1x1x80xi32, #tpu.memory_space<vmem>> -> memref<80xi32, #tpu.memory_space<vmem>>
      %dma_start3A_379 = arith.constant 0 : i32
      %dma_start3A_380 = arith.constant 0 : i32
      %dma_start3A_381 = tpu.memref_slice %arg2[%dma_start3A_379, %dma_start3A_380] : memref<10000x128xf32, #tpu.memory_space<hbm>> -> memref<10000x128xf32, #tpu.memory_space<hbm>>
      tpu.enqueue_indirect_dma source(%dma_start3A_381 : memref<10000x128xf32, #tpu.memory_space<hbm>>) target(%dma_start3A_375 : memref<80x128xf32, #tpu.memory_space<vmem>>) offsets(%dma_start3A_378 : memref<80xi32, #tpu.memory_space<vmem>>) semaphore(%arg13 : memref<!tpu.dma_semaphore, #tpu.memory_space<semaphore_mem>>)
      %ge3A_382 = arith.constant 3 : i32
      %ge3A_383 = arith.cmpi sge, %scan3A_345, %ge3A_382 : i32
      %convert_element_type3A_384 = arith.extui %ge3A_383 : i1 to i32
      %cond3A_385 = arith.constant 0 : i32
      %cond3A_386 = arith.cmpi ne, %convert_element_type3A_384, %cond3A_385 : i32
      scf.if %cond3A_386 {
        %sub3A = arith.constant 3 : i32
        %sub3A_394 = arith.subi %scan3A_345, %sub3A : i32
        %rem3A_395 = arith.constant 8 : i32
        %rem3A_396 = arith.remsi %sub3A_394, %rem3A_395 : i32
        %rem3A_397 = arith.constant 4 : i32
        %rem3A_398 = arith.remsi %sub3A_394, %rem3A_397 : i32
        %dma_wait3A_399 = arith.constant 0 : i32
        %dma_wait3A_400 = arith.constant 0 : i32
        %dma_wait3A_401 = arith.constant 0 : i32
        %dma_wait3A_402 = tpu.memref_slice %arg7[%rem3A_398, %dma_wait3A_400, %dma_wait3A_401] : memref<4x80x128xf32, #tpu.memory_space<vmem>> -> memref<1x80x128xf32, #tpu.memory_space<vmem>>
        %dma_wait3A_403 = tpu.memref_squeeze %dma_wait3A_402 : memref<1x80x128xf32, #tpu.memory_space<vmem>> -> memref<80x128xf32, #tpu.memory_space<vmem>>
        %dma_wait3A_404 = arith.constant 0 : i32
        %dma_wait3A_405 = tpu.memref_slice %arg6[%rem3A_396, %dma_wait3A_399, %dma_wait3A_404] : memref<8x2x80xi32, #tpu.memory_space<vmem>> -> memref<1x1x80xi32, #tpu.memory_space<vmem>>
        %dma_wait3A_406 = tpu.memref_squeeze %dma_wait3A_405 : memref<1x1x80xi32, #tpu.memory_space<vmem>> -> memref<80xi32, #tpu.memory_space<vmem>>
        %dma_wait3A_407 = arith.constant 0 : i32
        %dma_wait3A_408 = arith.constant 0 : i32
        %dma_wait3A_409 = tpu.memref_slice %arg2[%dma_wait3A_407, %dma_wait3A_408] : memref<10000x128xf32, #tpu.memory_space<hbm>> -> memref<10000x128xf32, #tpu.memory_space<hbm>>
        tpu.wait_indirect_dma semaphore(%arg13 : memref<!tpu.dma_semaphore, #tpu.memory_space<semaphore_mem>>) src(%dma_wait3A_409 : memref<10000x128xf32, #tpu.memory_space<hbm>>) dst(%dma_wait3A_403 : memref<80x128xf32, #tpu.memory_space<vmem>>)
        %sub3A_410 = arith.constant 3 : i32
        %sub3A_411 = arith.subi %scan3A_345, %sub3A_410 : i32
        %rem3A_412 = arith.constant 4 : i32
        %rem3A_413 = arith.remsi %sub3A_411, %rem3A_412 : i32
        %rem3A_414 = arith.constant 8 : i32
        %rem3A_415 = arith.remsi %sub3A_411, %rem3A_414 : i32
        %dma_start3A_416 = arith.constant 1 : i32
        %dma_start3A_417 = arith.constant 0 : i32
        %dma_start3A_418 = arith.constant 0 : i32
        %dma_start3A_419 = tpu.memref_slice %arg7[%rem3A_413, %dma_start3A_417, %dma_start3A_418] : memref<4x80x128xf32, #tpu.memory_space<vmem>> -> memref<1x80x128xf32, #tpu.memory_space<vmem>>
        %dma_start3A_420 = tpu.memref_squeeze %dma_start3A_419 : memref<1x80x128xf32, #tpu.memory_space<vmem>> -> memref<80x128xf32, #tpu.memory_space<vmem>>
        %dma_start3A_421 = arith.constant 0 : i32
        %dma_start3A_422 = tpu.memref_slice %arg6[%rem3A_415, %dma_start3A_416, %dma_start3A_421] : memref<8x2x80xi32, #tpu.memory_space<vmem>> -> memref<1x1x80xi32, #tpu.memory_space<vmem>>
        %dma_start3A_423 = tpu.memref_squeeze %dma_start3A_422 : memref<1x1x80xi32, #tpu.memory_space<vmem>> -> memref<80xi32, #tpu.memory_space<vmem>>
        %dma_start3A_424 = arith.constant 0 : i32
        %dma_start3A_425 = arith.constant 0 : i32
        %dma_start3A_426 = tpu.memref_slice %arg10[%dma_start3A_424, %dma_start3A_425] : memref<10240x128xf32, #tpu.memory_space<vmem_shared>> -> memref<10240x128xf32, #tpu.memory_space<vmem_shared>>
        tpu.enqueue_indirect_dma source(%dma_start3A_420 : memref<80x128xf32, #tpu.memory_space<vmem>>) target(%dma_start3A_426 : memref<10240x128xf32, #tpu.memory_space<vmem_shared>>) offsets(%dma_start3A_423 : memref<80xi32, #tpu.memory_space<vmem>>) semaphore(%arg14 : memref<!tpu.dma_semaphore, #tpu.memory_space<semaphore_mem>>) {add = true}
        %sub3A_427 = arith.constant 3 : i32
        %sub3A_428 = arith.subi %scan3A_345, %sub3A_427 : i32
        %rem3A_429 = arith.constant 8 : i32
        %rem3A_430 = arith.remsi %sub3A_428, %rem3A_429 : i32
        %dma_start3A_431 = arith.constant 1 : i32
        %dma_start3A_432 = arith.constant 0 : i32
        %dma_start3A_433 = tpu.memref_slice %arg6[%rem3A_430, %dma_start3A_431, %dma_start3A_432] : memref<8x2x80xi32, #tpu.memory_space<vmem>> -> memref<1x1x80xi32, #tpu.memory_space<vmem>>
        %dma_start3A_434 = tpu.memref_squeeze %dma_start3A_433 : memref<1x1x80xi32, #tpu.memory_space<vmem>> -> memref<80xi32, #tpu.memory_space<vmem>>
        %dma_start3A_435 = arith.constant 0 : i32
        %dma_start3A_436 = tpu.memref_slice %arg11[%dma_start3A_435] : memref<10240xf32, #tpu.memory_space<vmem_shared>> -> memref<10240xf32, #tpu.memory_space<vmem_shared>>
        tpu.enqueue_indirect_dma source(%arg8 : memref<80xf32, #tpu.memory_space<vmem>>) target(%dma_start3A_436 : memref<10240xf32, #tpu.memory_space<vmem_shared>>) offsets(%dma_start3A_434 : memref<80xi32, #tpu.memory_space<vmem>>) semaphore(%arg15 : memref<!tpu.dma_semaphore, #tpu.memory_space<semaphore_mem>>) {add = true}
      } else {
      }
      %add3A_387 = arith.constant 3 : i32
      %add3A_388 = arith.addi %scan3A_345, %add3A_387 : i32
      %lt3A = arith.constant 125 : i32
      %lt3A_389 = arith.cmpi slt, %add3A_388, %lt3A : i32
      %convert_element_type3A_390 = arith.extui %lt3A_389 : i1 to i32
      %cond3A_391 = arith.constant 0 : i32
      %cond3A_392 = arith.cmpi ne, %convert_element_type3A_390, %cond3A_391 : i32
      scf.if %cond3A_392 {
        %add3A_394 = arith.constant 3 : i32
        %add3A_395 = arith.addi %scan3A_345, %add3A_394 : i32
        %rem3A_396 = arith.constant 8 : i32
        %rem3A_397 = arith.remsi %add3A_395, %rem3A_396 : i32
        %dma_start3A_398 = arith.constant 0 : i32
        %dma_start3A_399 = arith.constant 0 : i32
        %dma_start3A_400 = tpu.memref_slice %arg6[%rem3A_397, %dma_start3A_398, %dma_start3A_399] : memref<8x2x80xi32, #tpu.memory_space<vmem>> -> memref<1x2x80xi32, #tpu.memory_space<vmem>>
        %dma_start3A_401 = tpu.memref_squeeze %dma_start3A_400 : memref<1x2x80xi32, #tpu.memory_space<vmem>> -> memref<2x80xi32, #tpu.memory_space<vmem>>
        %dma_start3A_402 = arith.constant 0 : i32
        %dma_start3A_403 = arith.constant 0 : i32
        %dma_start3A_404 = tpu.memref_slice %arg3[%add3A, %add3A_395, %dma_start3A_402, %dma_start3A_403] : memref<32x125x2x80xi32, #tpu.memory_space<hbm>> -> memref<1x1x2x80xi32, #tpu.memory_space<hbm>>
        %dma_start3A_405 = tpu.memref_squeeze %dma_start3A_404 : memref<1x1x2x80xi32, #tpu.memory_space<hbm>> -> memref<2x80xi32, #tpu.memory_space<hbm>>
        %dma_start3A_406 = arith.constant 0 : i32
        %dma_start3A_407 = arith.constant 0 : i32
        %dma_start3A_408 = tpu.memref_slice %arg6[%rem3A_397, %dma_start3A_406, %dma_start3A_407] : memref<8x2x80xi32, #tpu.memory_space<vmem>> -> memref<1x2x80xi32, #tpu.memory_space<vmem>>
        %dma_start3A_409 = tpu.memref_squeeze %dma_start3A_408 : memref<1x2x80xi32, #tpu.memory_space<vmem>> -> memref<2x80xi32, #tpu.memory_space<vmem>>
        %dma_start3A_410 = arith.constant 0 : i32
        %dma_start3A_411 = arith.constant 0 : i32
        %dma_start3A_412 = tpu.memref_slice %arg3[%add3A, %add3A_395, %dma_start3A_410, %dma_start3A_411] : memref<32x125x2x80xi32, #tpu.memory_space<hbm>> -> memref<1x1x2x80xi32, #tpu.memory_space<hbm>>
        %dma_start3A_413 = tpu.memref_squeeze %dma_start3A_412 : memref<1x1x2x80xi32, #tpu.memory_space<hbm>> -> memref<2x80xi32, #tpu.memory_space<hbm>>
        tpu.enqueue_dma source(%dma_start3A_413 : memref<2x80xi32, #tpu.memory_space<hbm>>) target(%dma_start3A_409 : memref<2x80xi32, #tpu.memory_space<vmem>>) target_semaphore(%arg12 : memref<!tpu.dma_semaphore, #tpu.memory_space<semaphore_mem>>)
      } else {
      }
      %scan3A_393 = arith.constant 0 : i32
      scf.yield %scan3A_393 : i32
    }
    %scan3A_109 = arith.constant 125 : i32
    %rem3A_110 = arith.constant 122 : i32
    %rem3A_111 = arith.constant 8 : i32
    %rem3A_112 = arith.remsi %rem3A_110, %rem3A_111 : i32
    %rem3A_113 = arith.constant 122 : i32
    %rem3A_114 = arith.constant 4 : i32
    %rem3A_115 = arith.remsi %rem3A_113, %rem3A_114 : i32
    %dma_wait3A = arith.constant 0 : i32
    %dma_wait3A_116 = arith.constant 0 : i32
    %dma_wait3A_117 = arith.constant 0 : i32
    %dma_wait3A_118 = tpu.memref_slice %arg7[%rem3A_115, %dma_wait3A_116, %dma_wait3A_117] : memref<4x80x128xf32, #tpu.memory_space<vmem>> -> memref<1x80x128xf32, #tpu.memory_space<vmem>>
    %dma_wait3A_119 = tpu.memref_squeeze %dma_wait3A_118 : memref<1x80x128xf32, #tpu.memory_space<vmem>> -> memref<80x128xf32, #tpu.memory_space<vmem>>
    %dma_wait3A_120 = arith.constant 0 : i32
    %dma_wait3A_121 = tpu.memref_slice %arg6[%rem3A_112, %dma_wait3A, %dma_wait3A_120] : memref<8x2x80xi32, #tpu.memory_space<vmem>> -> memref<1x1x80xi32, #tpu.memory_space<vmem>>
    %dma_wait3A_122 = tpu.memref_squeeze %dma_wait3A_121 : memref<1x1x80xi32, #tpu.memory_space<vmem>> -> memref<80xi32, #tpu.memory_space<vmem>>
    %dma_wait3A_123 = arith.constant 0 : i32
    %dma_wait3A_124 = arith.constant 0 : i32
    %dma_wait3A_125 = tpu.memref_slice %arg2[%dma_wait3A_123, %dma_wait3A_124] : memref<10000x128xf32, #tpu.memory_space<hbm>> -> memref<10000x128xf32, #tpu.memory_space<hbm>>
    tpu.wait_indirect_dma semaphore(%arg13 : memref<!tpu.dma_semaphore, #tpu.memory_space<semaphore_mem>>) src(%dma_wait3A_125 : memref<10000x128xf32, #tpu.memory_space<hbm>>) dst(%dma_wait3A_119 : memref<80x128xf32, #tpu.memory_space<vmem>>)
    %rem3A_126 = arith.constant 122 : i32
    %rem3A_127 = arith.constant 4 : i32
    %rem3A_128 = arith.remsi %rem3A_126, %rem3A_127 : i32
    %rem3A_129 = arith.constant 122 : i32
    %rem3A_130 = arith.constant 8 : i32
    %rem3A_131 = arith.remsi %rem3A_129, %rem3A_130 : i32
    %dma_start3A_132 = arith.constant 1 : i32
    %dma_start3A_133 = arith.constant 0 : i32
    %dma_start3A_134 = arith.constant 0 : i32
    %dma_start3A_135 = tpu.memref_slice %arg7[%rem3A_128, %dma_start3A_133, %dma_start3A_134] : memref<4x80x128xf32, #tpu.memory_space<vmem>> -> memref<1x80x128xf32, #tpu.memory_space<vmem>>
    %dma_start3A_136 = tpu.memref_squeeze %dma_start3A_135 : memref<1x80x128xf32, #tpu.memory_space<vmem>> -> memref<80x128xf32, #tpu.memory_space<vmem>>
    %dma_start3A_137 = arith.constant 0 : i32
    %dma_start3A_138 = tpu.memref_slice %arg6[%rem3A_131, %dma_start3A_132, %dma_start3A_137] : memref<8x2x80xi32, #tpu.memory_space<vmem>> -> memref<1x1x80xi32, #tpu.memory_space<vmem>>
    %dma_start3A_139 = tpu.memref_squeeze %dma_start3A_138 : memref<1x1x80xi32, #tpu.memory_space<vmem>> -> memref<80xi32, #tpu.memory_space<vmem>>
    %dma_start3A_140 = arith.constant 0 : i32
    %dma_start3A_141 = arith.constant 0 : i32
    %dma_start3A_142 = tpu.memref_slice %arg10[%dma_start3A_140, %dma_start3A_141] : memref<10240x128xf32, #tpu.memory_space<vmem_shared>> -> memref<10240x128xf32, #tpu.memory_space<vmem_shared>>
    tpu.enqueue_indirect_dma source(%dma_start3A_136 : memref<80x128xf32, #tpu.memory_space<vmem>>) target(%dma_start3A_142 : memref<10240x128xf32, #tpu.memory_space<vmem_shared>>) offsets(%dma_start3A_139 : memref<80xi32, #tpu.memory_space<vmem>>) semaphore(%arg14 : memref<!tpu.dma_semaphore, #tpu.memory_space<semaphore_mem>>) {add = true}
    %rem3A_143 = arith.constant 122 : i32
    %rem3A_144 = arith.constant 8 : i32
    %rem3A_145 = arith.remsi %rem3A_143, %rem3A_144 : i32
    %dma_start3A_146 = arith.constant 1 : i32
    %dma_start3A_147 = arith.constant 0 : i32
    %dma_start3A_148 = tpu.memref_slice %arg6[%rem3A_145, %dma_start3A_146, %dma_start3A_147] : memref<8x2x80xi32, #tpu.memory_space<vmem>> -> memref<1x1x80xi32, #tpu.memory_space<vmem>>
    %dma_start3A_149 = tpu.memref_squeeze %dma_start3A_148 : memref<1x1x80xi32, #tpu.memory_space<vmem>> -> memref<80xi32, #tpu.memory_space<vmem>>
    %dma_start3A_150 = arith.constant 0 : i32
    %dma_start3A_151 = tpu.memref_slice %arg11[%dma_start3A_150] : memref<10240xf32, #tpu.memory_space<vmem_shared>> -> memref<10240xf32, #tpu.memory_space<vmem_shared>>
    tpu.enqueue_indirect_dma source(%arg8 : memref<80xf32, #tpu.memory_space<vmem>>) target(%dma_start3A_151 : memref<10240xf32, #tpu.memory_space<vmem_shared>>) offsets(%dma_start3A_149 : memref<80xi32, #tpu.memory_space<vmem>>) semaphore(%arg15 : memref<!tpu.dma_semaphore, #tpu.memory_space<semaphore_mem>>) {add = true}
    %rem3A_152 = arith.constant 123 : i32
    %rem3A_153 = arith.constant 8 : i32
    %rem3A_154 = arith.remsi %rem3A_152, %rem3A_153 : i32
    %rem3A_155 = arith.constant 123 : i32
    %rem3A_156 = arith.constant 4 : i32
    %rem3A_157 = arith.remsi %rem3A_155, %rem3A_156 : i32
    %dma_wait3A_158 = arith.constant 0 : i32
    %dma_wait3A_159 = arith.constant 0 : i32
    %dma_wait3A_160 = arith.constant 0 : i32
    %dma_wait3A_161 = tpu.memref_slice %arg7[%rem3A_157, %dma_wait3A_159, %dma_wait3A_160] : memref<4x80x128xf32, #tpu.memory_space<vmem>> -> memref<1x80x128xf32, #tpu.memory_space<vmem>>
    %dma_wait3A_162 = tpu.memref_squeeze %dma_wait3A_161 : memref<1x80x128xf32, #tpu.memory_space<vmem>> -> memref<80x128xf32, #tpu.memory_space<vmem>>
    %dma_wait3A_163 = arith.constant 0 : i32
    %dma_wait3A_164 = tpu.memref_slice %arg6[%rem3A_154, %dma_wait3A_158, %dma_wait3A_163] : memref<8x2x80xi32, #tpu.memory_space<vmem>> -> memref<1x1x80xi32, #tpu.memory_space<vmem>>
    %dma_wait3A_165 = tpu.memref_squeeze %dma_wait3A_164 : memref<1x1x80xi32, #tpu.memory_space<vmem>> -> memref<80xi32, #tpu.memory_space<vmem>>
    %dma_wait3A_166 = arith.constant 0 : i32
    %dma_wait3A_167 = arith.constant 0 : i32
    %dma_wait3A_168 = tpu.memref_slice %arg2[%dma_wait3A_166, %dma_wait3A_167] : memref<10000x128xf32, #tpu.memory_space<hbm>> -> memref<10000x128xf32, #tpu.memory_space<hbm>>
    tpu.wait_indirect_dma semaphore(%arg13 : memref<!tpu.dma_semaphore, #tpu.memory_space<semaphore_mem>>) src(%dma_wait3A_168 : memref<10000x128xf32, #tpu.memory_space<hbm>>) dst(%dma_wait3A_162 : memref<80x128xf32, #tpu.memory_space<vmem>>)
    %rem3A_169 = arith.constant 123 : i32
    %rem3A_170 = arith.constant 4 : i32
    %rem3A_171 = arith.remsi %rem3A_169, %rem3A_170 : i32
    %rem3A_172 = arith.constant 123 : i32
    %rem3A_173 = arith.constant 8 : i32
    %rem3A_174 = arith.remsi %rem3A_172, %rem3A_173 : i32
    %dma_start3A_175 = arith.constant 1 : i32
    %dma_start3A_176 = arith.constant 0 : i32
    %dma_start3A_177 = arith.constant 0 : i32
    %dma_start3A_178 = tpu.memref_slice %arg7[%rem3A_171, %dma_start3A_176, %dma_start3A_177] : memref<4x80x128xf32, #tpu.memory_space<vmem>> -> memref<1x80x128xf32, #tpu.memory_space<vmem>>
    %dma_start3A_179 = tpu.memref_squeeze %dma_start3A_178 : memref<1x80x128xf32, #tpu.memory_space<vmem>> -> memref<80x128xf32, #tpu.memory_space<vmem>>
    %dma_start3A_180 = arith.constant 0 : i32
    %dma_start3A_181 = tpu.memref_slice %arg6[%rem3A_174, %dma_start3A_175, %dma_start3A_180] : memref<8x2x80xi32, #tpu.memory_space<vmem>> -> memref<1x1x80xi32, #tpu.memory_space<vmem>>
    %dma_start3A_182 = tpu.memref_squeeze %dma_start3A_181 : memref<1x1x80xi32, #tpu.memory_space<vmem>> -> memref<80xi32, #tpu.memory_space<vmem>>
    %dma_start3A_183 = arith.constant 0 : i32
    %dma_start3A_184 = arith.constant 0 : i32
    %dma_start3A_185 = tpu.memref_slice %arg10[%dma_start3A_183, %dma_start3A_184] : memref<10240x128xf32, #tpu.memory_space<vmem_shared>> -> memref<10240x128xf32, #tpu.memory_space<vmem_shared>>
    tpu.enqueue_indirect_dma source(%dma_start3A_179 : memref<80x128xf32, #tpu.memory_space<vmem>>) target(%dma_start3A_185 : memref<10240x128xf32, #tpu.memory_space<vmem_shared>>) offsets(%dma_start3A_182 : memref<80xi32, #tpu.memory_space<vmem>>) semaphore(%arg14 : memref<!tpu.dma_semaphore, #tpu.memory_space<semaphore_mem>>) {add = true}
    %rem3A_186 = arith.constant 123 : i32
    %rem3A_187 = arith.constant 8 : i32
    %rem3A_188 = arith.remsi %rem3A_186, %rem3A_187 : i32
    %dma_start3A_189 = arith.constant 1 : i32
    %dma_start3A_190 = arith.constant 0 : i32
    %dma_start3A_191 = tpu.memref_slice %arg6[%rem3A_188, %dma_start3A_189, %dma_start3A_190] : memref<8x2x80xi32, #tpu.memory_space<vmem>> -> memref<1x1x80xi32, #tpu.memory_space<vmem>>
    %dma_start3A_192 = tpu.memref_squeeze %dma_start3A_191 : memref<1x1x80xi32, #tpu.memory_space<vmem>> -> memref<80xi32, #tpu.memory_space<vmem>>
    %dma_start3A_193 = arith.constant 0 : i32
    %dma_start3A_194 = tpu.memref_slice %arg11[%dma_start3A_193] : memref<10240xf32, #tpu.memory_space<vmem_shared>> -> memref<10240xf32, #tpu.memory_space<vmem_shared>>
    tpu.enqueue_indirect_dma source(%arg8 : memref<80xf32, #tpu.memory_space<vmem>>) target(%dma_start3A_194 : memref<10240xf32, #tpu.memory_space<vmem_shared>>) offsets(%dma_start3A_192 : memref<80xi32, #tpu.memory_space<vmem>>) semaphore(%arg15 : memref<!tpu.dma_semaphore, #tpu.memory_space<semaphore_mem>>) {add = true}
    %rem3A_195 = arith.constant 124 : i32
    %rem3A_196 = arith.constant 8 : i32
    %rem3A_197 = arith.remsi %rem3A_195, %rem3A_196 : i32
    %rem3A_198 = arith.constant 124 : i32
    %rem3A_199 = arith.constant 4 : i32
    %rem3A_200 = arith.remsi %rem3A_198, %rem3A_199 : i32
    %dma_wait3A_201 = arith.constant 0 : i32
    %dma_wait3A_202 = arith.constant 0 : i32
    %dma_wait3A_203 = arith.constant 0 : i32
    %dma_wait3A_204 = tpu.memref_slice %arg7[%rem3A_200, %dma_wait3A_202, %dma_wait3A_203] : memref<4x80x128xf32, #tpu.memory_space<vmem>> -> memref<1x80x128xf32, #tpu.memory_space<vmem>>
    %dma_wait3A_205 = tpu.memref_squeeze %dma_wait3A_204 : memref<1x80x128xf32, #tpu.memory_space<vmem>> -> memref<80x128xf32, #tpu.memory_space<vmem>>
    %dma_wait3A_206 = arith.constant 0 : i32
    %dma_wait3A_207 = tpu.memref_slice %arg6[%rem3A_197, %dma_wait3A_201, %dma_wait3A_206] : memref<8x2x80xi32, #tpu.memory_space<vmem>> -> memref<1x1x80xi32, #tpu.memory_space<vmem>>
    %dma_wait3A_208 = tpu.memref_squeeze %dma_wait3A_207 : memref<1x1x80xi32, #tpu.memory_space<vmem>> -> memref<80xi32, #tpu.memory_space<vmem>>
    %dma_wait3A_209 = arith.constant 0 : i32
    %dma_wait3A_210 = arith.constant 0 : i32
    %dma_wait3A_211 = tpu.memref_slice %arg2[%dma_wait3A_209, %dma_wait3A_210] : memref<10000x128xf32, #tpu.memory_space<hbm>> -> memref<10000x128xf32, #tpu.memory_space<hbm>>
    tpu.wait_indirect_dma semaphore(%arg13 : memref<!tpu.dma_semaphore, #tpu.memory_space<semaphore_mem>>) src(%dma_wait3A_211 : memref<10000x128xf32, #tpu.memory_space<hbm>>) dst(%dma_wait3A_205 : memref<80x128xf32, #tpu.memory_space<vmem>>)
    %rem3A_212 = arith.constant 124 : i32
    %rem3A_213 = arith.constant 4 : i32
    %rem3A_214 = arith.remsi %rem3A_212, %rem3A_213 : i32
    %rem3A_215 = arith.constant 124 : i32
    %rem3A_216 = arith.constant 8 : i32
    %rem3A_217 = arith.remsi %rem3A_215, %rem3A_216 : i32
    %dma_start3A_218 = arith.constant 1 : i32
    %dma_start3A_219 = arith.constant 0 : i32
    %dma_start3A_220 = arith.constant 0 : i32
    %dma_start3A_221 = tpu.memref_slice %arg7[%rem3A_214, %dma_start3A_219, %dma_start3A_220] : memref<4x80x128xf32, #tpu.memory_space<vmem>> -> memref<1x80x128xf32, #tpu.memory_space<vmem>>
    %dma_start3A_222 = tpu.memref_squeeze %dma_start3A_221 : memref<1x80x128xf32, #tpu.memory_space<vmem>> -> memref<80x128xf32, #tpu.memory_space<vmem>>
    %dma_start3A_223 = arith.constant 0 : i32
    %dma_start3A_224 = tpu.memref_slice %arg6[%rem3A_217, %dma_start3A_218, %dma_start3A_223] : memref<8x2x80xi32, #tpu.memory_space<vmem>> -> memref<1x1x80xi32, #tpu.memory_space<vmem>>
    %dma_start3A_225 = tpu.memref_squeeze %dma_start3A_224 : memref<1x1x80xi32, #tpu.memory_space<vmem>> -> memref<80xi32, #tpu.memory_space<vmem>>
    %dma_start3A_226 = arith.constant 0 : i32
    %dma_start3A_227 = arith.constant 0 : i32
    %dma_start3A_228 = tpu.memref_slice %arg10[%dma_start3A_226, %dma_start3A_227] : memref<10240x128xf32, #tpu.memory_space<vmem_shared>> -> memref<10240x128xf32, #tpu.memory_space<vmem_shared>>
    tpu.enqueue_indirect_dma source(%dma_start3A_222 : memref<80x128xf32, #tpu.memory_space<vmem>>) target(%dma_start3A_228 : memref<10240x128xf32, #tpu.memory_space<vmem_shared>>) offsets(%dma_start3A_225 : memref<80xi32, #tpu.memory_space<vmem>>) semaphore(%arg14 : memref<!tpu.dma_semaphore, #tpu.memory_space<semaphore_mem>>) {add = true}
    %rem3A_229 = arith.constant 124 : i32
    %rem3A_230 = arith.constant 8 : i32
    %rem3A_231 = arith.remsi %rem3A_229, %rem3A_230 : i32
    %dma_start3A_232 = arith.constant 1 : i32
    %dma_start3A_233 = arith.constant 0 : i32
    %dma_start3A_234 = tpu.memref_slice %arg6[%rem3A_231, %dma_start3A_232, %dma_start3A_233] : memref<8x2x80xi32, #tpu.memory_space<vmem>> -> memref<1x1x80xi32, #tpu.memory_space<vmem>>
    %dma_start3A_235 = tpu.memref_squeeze %dma_start3A_234 : memref<1x1x80xi32, #tpu.memory_space<vmem>> -> memref<80xi32, #tpu.memory_space<vmem>>
    %dma_start3A_236 = arith.constant 0 : i32
    %dma_start3A_237 = tpu.memref_slice %arg11[%dma_start3A_236] : memref<10240xf32, #tpu.memory_space<vmem_shared>> -> memref<10240xf32, #tpu.memory_space<vmem_shared>>
    tpu.enqueue_indirect_dma source(%arg8 : memref<80xf32, #tpu.memory_space<vmem>>) target(%dma_start3A_237 : memref<10240xf32, #tpu.memory_space<vmem_shared>>) offsets(%dma_start3A_235 : memref<80xi32, #tpu.memory_space<vmem>>) semaphore(%arg15 : memref<!tpu.dma_semaphore, #tpu.memory_space<semaphore_mem>>) {add = true}
    %rem3A_238 = arith.constant 121 : i32
    %rem3A_239 = arith.constant 4 : i32
    %rem3A_240 = arith.remsi %rem3A_238, %rem3A_239 : i32
    %rem3A_241 = arith.constant 121 : i32
    %rem3A_242 = arith.constant 8 : i32
    %rem3A_243 = arith.remsi %rem3A_241, %rem3A_242 : i32
    %dma_wait3A_244 = arith.constant 1 : i32
    %dma_wait3A_245 = arith.constant 0 : i32
    %dma_wait3A_246 = arith.constant 0 : i32
    %dma_wait3A_247 = tpu.memref_slice %arg7[%rem3A_240, %dma_wait3A_245, %dma_wait3A_246] : memref<4x80x128xf32, #tpu.memory_space<vmem>> -> memref<1x80x128xf32, #tpu.memory_space<vmem>>
    %dma_wait3A_248 = tpu.memref_squeeze %dma_wait3A_247 : memref<1x80x128xf32, #tpu.memory_space<vmem>> -> memref<80x128xf32, #tpu.memory_space<vmem>>
    %dma_wait3A_249 = arith.constant 0 : i32
    %dma_wait3A_250 = tpu.memref_slice %arg6[%rem3A_243, %dma_wait3A_244, %dma_wait3A_249] : memref<8x2x80xi32, #tpu.memory_space<vmem>> -> memref<1x1x80xi32, #tpu.memory_space<vmem>>
    %dma_wait3A_251 = tpu.memref_squeeze %dma_wait3A_250 : memref<1x1x80xi32, #tpu.memory_space<vmem>> -> memref<80xi32, #tpu.memory_space<vmem>>
    %dma_wait3A_252 = arith.constant 0 : i32
    %dma_wait3A_253 = arith.constant 0 : i32
    %dma_wait3A_254 = tpu.memref_slice %arg10[%dma_wait3A_252, %dma_wait3A_253] : memref<10240x128xf32, #tpu.memory_space<vmem_shared>> -> memref<10240x128xf32, #tpu.memory_space<vmem_shared>>
    tpu.wait_indirect_dma semaphore(%arg14 : memref<!tpu.dma_semaphore, #tpu.memory_space<semaphore_mem>>) src(%dma_wait3A_248 : memref<80x128xf32, #tpu.memory_space<vmem>>) dst(%dma_wait3A_254 : memref<10240x128xf32, #tpu.memory_space<vmem_shared>>)
    %rem3A_255 = arith.constant 121 : i32
    %rem3A_256 = arith.constant 8 : i32
    %rem3A_257 = arith.remsi %rem3A_255, %rem3A_256 : i32
    %dma_wait3A_258 = arith.constant 1 : i32
    %dma_wait3A_259 = arith.constant 0 : i32
    %dma_wait3A_260 = tpu.memref_slice %arg6[%rem3A_257, %dma_wait3A_258, %dma_wait3A_259] : memref<8x2x80xi32, #tpu.memory_space<vmem>> -> memref<1x1x80xi32, #tpu.memory_space<vmem>>
    %dma_wait3A_261 = tpu.memref_squeeze %dma_wait3A_260 : memref<1x1x80xi32, #tpu.memory_space<vmem>> -> memref<80xi32, #tpu.memory_space<vmem>>
    %dma_wait3A_262 = arith.constant 0 : i32
    %dma_wait3A_263 = tpu.memref_slice %arg11[%dma_wait3A_262] : memref<10240xf32, #tpu.memory_space<vmem_shared>> -> memref<10240xf32, #tpu.memory_space<vmem_shared>>
    tpu.wait_indirect_dma semaphore(%arg15 : memref<!tpu.dma_semaphore, #tpu.memory_space<semaphore_mem>>) src(%arg8 : memref<80xf32, #tpu.memory_space<vmem>>) dst(%dma_wait3A_263 : memref<10240xf32, #tpu.memory_space<vmem_shared>>)
    %rem3A_264 = arith.constant 122 : i32
    %rem3A_265 = arith.constant 4 : i32
    %rem3A_266 = arith.remsi %rem3A_264, %rem3A_265 : i32
    %rem3A_267 = arith.constant 122 : i32
    %rem3A_268 = arith.constant 8 : i32
    %rem3A_269 = arith.remsi %rem3A_267, %rem3A_268 : i32
    %dma_wait3A_270 = arith.constant 1 : i32
    %dma_wait3A_271 = arith.constant 0 : i32
    %dma_wait3A_272 = arith.constant 0 : i32
    %dma_wait3A_273 = tpu.memref_slice %arg7[%rem3A_266, %dma_wait3A_271, %dma_wait3A_272] : memref<4x80x128xf32, #tpu.memory_space<vmem>> -> memref<1x80x128xf32, #tpu.memory_space<vmem>>
    %dma_wait3A_274 = tpu.memref_squeeze %dma_wait3A_273 : memref<1x80x128xf32, #tpu.memory_space<vmem>> -> memref<80x128xf32, #tpu.memory_space<vmem>>
    %dma_wait3A_275 = arith.constant 0 : i32
    %dma_wait3A_276 = tpu.memref_slice %arg6[%rem3A_269, %dma_wait3A_270, %dma_wait3A_275] : memref<8x2x80xi32, #tpu.memory_space<vmem>> -> memref<1x1x80xi32, #tpu.memory_space<vmem>>
    %dma_wait3A_277 = tpu.memref_squeeze %dma_wait3A_276 : memref<1x1x80xi32, #tpu.memory_space<vmem>> -> memref<80xi32, #tpu.memory_space<vmem>>
    %dma_wait3A_278 = arith.constant 0 : i32
    %dma_wait3A_279 = arith.constant 0 : i32
    %dma_wait3A_280 = tpu.memref_slice %arg10[%dma_wait3A_278, %dma_wait3A_279] : memref<10240x128xf32, #tpu.memory_space<vmem_shared>> -> memref<10240x128xf32, #tpu.memory_space<vmem_shared>>
    tpu.wait_indirect_dma semaphore(%arg14 : memref<!tpu.dma_semaphore, #tpu.memory_space<semaphore_mem>>) src(%dma_wait3A_274 : memref<80x128xf32, #tpu.memory_space<vmem>>) dst(%dma_wait3A_280 : memref<10240x128xf32, #tpu.memory_space<vmem_shared>>)
    %rem3A_281 = arith.constant 122 : i32
    %rem3A_282 = arith.constant 8 : i32
    %rem3A_283 = arith.remsi %rem3A_281, %rem3A_282 : i32
    %dma_wait3A_284 = arith.constant 1 : i32
    %dma_wait3A_285 = arith.constant 0 : i32
    %dma_wait3A_286 = tpu.memref_slice %arg6[%rem3A_283, %dma_wait3A_284, %dma_wait3A_285] : memref<8x2x80xi32, #tpu.memory_space<vmem>> -> memref<1x1x80xi32, #tpu.memory_space<vmem>>
    %dma_wait3A_287 = tpu.memref_squeeze %dma_wait3A_286 : memref<1x1x80xi32, #tpu.memory_space<vmem>> -> memref<80xi32, #tpu.memory_space<vmem>>
    %dma_wait3A_288 = arith.constant 0 : i32
    %dma_wait3A_289 = tpu.memref_slice %arg11[%dma_wait3A_288] : memref<10240xf32, #tpu.memory_space<vmem_shared>> -> memref<10240xf32, #tpu.memory_space<vmem_shared>>
    tpu.wait_indirect_dma semaphore(%arg15 : memref<!tpu.dma_semaphore, #tpu.memory_space<semaphore_mem>>) src(%arg8 : memref<80xf32, #tpu.memory_space<vmem>>) dst(%dma_wait3A_289 : memref<10240xf32, #tpu.memory_space<vmem_shared>>)
    %rem3A_290 = arith.constant 123 : i32
    %rem3A_291 = arith.constant 4 : i32
    %rem3A_292 = arith.remsi %rem3A_290, %rem3A_291 : i32
    %rem3A_293 = arith.constant 123 : i32
    %rem3A_294 = arith.constant 8 : i32
    %rem3A_295 = arith.remsi %rem3A_293, %rem3A_294 : i32
    %dma_wait3A_296 = arith.constant 1 : i32
    %dma_wait3A_297 = arith.constant 0 : i32
    %dma_wait3A_298 = arith.constant 0 : i32
    %dma_wait3A_299 = tpu.memref_slice %arg7[%rem3A_292, %dma_wait3A_297, %dma_wait3A_298] : memref<4x80x128xf32, #tpu.memory_space<vmem>> -> memref<1x80x128xf32, #tpu.memory_space<vmem>>
    %dma_wait3A_300 = tpu.memref_squeeze %dma_wait3A_299 : memref<1x80x128xf32, #tpu.memory_space<vmem>> -> memref<80x128xf32, #tpu.memory_space<vmem>>
    %dma_wait3A_301 = arith.constant 0 : i32
    %dma_wait3A_302 = tpu.memref_slice %arg6[%rem3A_295, %dma_wait3A_296, %dma_wait3A_301] : memref<8x2x80xi32, #tpu.memory_space<vmem>> -> memref<1x1x80xi32, #tpu.memory_space<vmem>>
    %dma_wait3A_303 = tpu.memref_squeeze %dma_wait3A_302 : memref<1x1x80xi32, #tpu.memory_space<vmem>> -> memref<80xi32, #tpu.memory_space<vmem>>
    %dma_wait3A_304 = arith.constant 0 : i32
    %dma_wait3A_305 = arith.constant 0 : i32
    %dma_wait3A_306 = tpu.memref_slice %arg10[%dma_wait3A_304, %dma_wait3A_305] : memref<10240x128xf32, #tpu.memory_space<vmem_shared>> -> memref<10240x128xf32, #tpu.memory_space<vmem_shared>>
    tpu.wait_indirect_dma semaphore(%arg14 : memref<!tpu.dma_semaphore, #tpu.memory_space<semaphore_mem>>) src(%dma_wait3A_300 : memref<80x128xf32, #tpu.memory_space<vmem>>) dst(%dma_wait3A_306 : memref<10240x128xf32, #tpu.memory_space<vmem_shared>>)
    %rem3A_307 = arith.constant 123 : i32
    %rem3A_308 = arith.constant 8 : i32
    %rem3A_309 = arith.remsi %rem3A_307, %rem3A_308 : i32
    %dma_wait3A_310 = arith.constant 1 : i32
    %dma_wait3A_311 = arith.constant 0 : i32
    %dma_wait3A_312 = tpu.memref_slice %arg6[%rem3A_309, %dma_wait3A_310, %dma_wait3A_311] : memref<8x2x80xi32, #tpu.memory_space<vmem>> -> memref<1x1x80xi32, #tpu.memory_space<vmem>>
    %dma_wait3A_313 = tpu.memref_squeeze %dma_wait3A_312 : memref<1x1x80xi32, #tpu.memory_space<vmem>> -> memref<80xi32, #tpu.memory_space<vmem>>
    %dma_wait3A_314 = arith.constant 0 : i32
    %dma_wait3A_315 = tpu.memref_slice %arg11[%dma_wait3A_314] : memref<10240xf32, #tpu.memory_space<vmem_shared>> -> memref<10240xf32, #tpu.memory_space<vmem_shared>>
    tpu.wait_indirect_dma semaphore(%arg15 : memref<!tpu.dma_semaphore, #tpu.memory_space<semaphore_mem>>) src(%arg8 : memref<80xf32, #tpu.memory_space<vmem>>) dst(%dma_wait3A_315 : memref<10240xf32, #tpu.memory_space<vmem_shared>>)
    %rem3A_316 = arith.constant 124 : i32
    %rem3A_317 = arith.constant 4 : i32
    %rem3A_318 = arith.remsi %rem3A_316, %rem3A_317 : i32
    %rem3A_319 = arith.constant 124 : i32
    %rem3A_320 = arith.constant 8 : i32
    %rem3A_321 = arith.remsi %rem3A_319, %rem3A_320 : i32
    %dma_wait3A_322 = arith.constant 1 : i32
    %dma_wait3A_323 = arith.constant 0 : i32
    %dma_wait3A_324 = arith.constant 0 : i32
    %dma_wait3A_325 = tpu.memref_slice %arg7[%rem3A_318, %dma_wait3A_323, %dma_wait3A_324] : memref<4x80x128xf32, #tpu.memory_space<vmem>> -> memref<1x80x128xf32, #tpu.memory_space<vmem>>
    %dma_wait3A_326 = tpu.memref_squeeze %dma_wait3A_325 : memref<1x80x128xf32, #tpu.memory_space<vmem>> -> memref<80x128xf32, #tpu.memory_space<vmem>>
    %dma_wait3A_327 = arith.constant 0 : i32
    %dma_wait3A_328 = tpu.memref_slice %arg6[%rem3A_321, %dma_wait3A_322, %dma_wait3A_327] : memref<8x2x80xi32, #tpu.memory_space<vmem>> -> memref<1x1x80xi32, #tpu.memory_space<vmem>>
    %dma_wait3A_329 = tpu.memref_squeeze %dma_wait3A_328 : memref<1x1x80xi32, #tpu.memory_space<vmem>> -> memref<80xi32, #tpu.memory_space<vmem>>
    %dma_wait3A_330 = arith.constant 0 : i32
    %dma_wait3A_331 = arith.constant 0 : i32
    %dma_wait3A_332 = tpu.memref_slice %arg10[%dma_wait3A_330, %dma_wait3A_331] : memref<10240x128xf32, #tpu.memory_space<vmem_shared>> -> memref<10240x128xf32, #tpu.memory_space<vmem_shared>>
    tpu.wait_indirect_dma semaphore(%arg14 : memref<!tpu.dma_semaphore, #tpu.memory_space<semaphore_mem>>) src(%dma_wait3A_326 : memref<80x128xf32, #tpu.memory_space<vmem>>) dst(%dma_wait3A_332 : memref<10240x128xf32, #tpu.memory_space<vmem_shared>>)
    %rem3A_333 = arith.constant 124 : i32
    %rem3A_334 = arith.constant 8 : i32
    %rem3A_335 = arith.remsi %rem3A_333, %rem3A_334 : i32
    %dma_wait3A_336 = arith.constant 1 : i32
    %dma_wait3A_337 = arith.constant 0 : i32
    %dma_wait3A_338 = tpu.memref_slice %arg6[%rem3A_335, %dma_wait3A_336, %dma_wait3A_337] : memref<8x2x80xi32, #tpu.memory_space<vmem>> -> memref<1x1x80xi32, #tpu.memory_space<vmem>>
    %dma_wait3A_339 = tpu.memref_squeeze %dma_wait3A_338 : memref<1x1x80xi32, #tpu.memory_space<vmem>> -> memref<80xi32, #tpu.memory_space<vmem>>
    %dma_wait3A_340 = arith.constant 0 : i32
    %dma_wait3A_341 = tpu.memref_slice %arg11[%dma_wait3A_340] : memref<10240xf32, #tpu.memory_space<vmem_shared>> -> memref<10240xf32, #tpu.memory_space<vmem_shared>>
    tpu.wait_indirect_dma semaphore(%arg15 : memref<!tpu.dma_semaphore, #tpu.memory_space<semaphore_mem>>) src(%arg8 : memref<80xf32, #tpu.memory_space<vmem>>) dst(%dma_wait3A_341 : memref<10240xf32, #tpu.memory_space<vmem_shared>>)
    %barrier3A_342 = arith.constant 0 : index
    tpu.barrier barrier_id(%barrier3A_342)
    %mul3A_343 = arith.constant 640 : i32
    %mul3A_344 = arith.muli %arg1, %mul3A_343 : i32
    "tpu.region"() ({
      %run_scoped3A = tpu.sem_alloc : memref<!tpu.dma_semaphore, #tpu.memory_space<semaphore_mem>>
      %dma_start3A_345 = arith.constant 0 : i32
      %dma_start3A_346 = tpu.memref_slice %arg4[%arg0, %mul3A_344, %dma_start3A_345] : memref<2x10240x128xf32, #tpu.memory_space<hbm>> -> memref<1x640x128xf32, #tpu.memory_space<hbm>>
      %dma_start3A_347 = tpu.memref_squeeze %dma_start3A_346 : memref<1x640x128xf32, #tpu.memory_space<hbm>> -> memref<640x128xf32, #tpu.memory_space<hbm>>
      %dma_start3A_348 = arith.constant 0 : i32
      %dma_start3A_349 = tpu.memref_slice %arg10[%mul3A_344, %dma_start3A_348] : memref<10240x128xf32, #tpu.memory_space<vmem_shared>> -> memref<640x128xf32, #tpu.memory_space<vmem_shared>>
      tpu.enqueue_dma source(%dma_start3A_349 : memref<640x128xf32, #tpu.memory_space<vmem_shared>>) target(%dma_start3A_347 : memref<640x128xf32, #tpu.memory_space<hbm>>) target_semaphore(%run_scoped3A : memref<!tpu.dma_semaphore, #tpu.memory_space<semaphore_mem>>)
      %dma_wait3A_350 = arith.constant 0 : i32
      %dma_wait3A_351 = tpu.memref_slice %arg4[%arg0, %mul3A_344, %dma_wait3A_350] : memref<2x10240x128xf32, #tpu.memory_space<hbm>> -> memref<1x640x128xf32, #tpu.memory_space<hbm>>
      %dma_wait3A_352 = tpu.memref_squeeze %dma_wait3A_351 : memref<1x640x128xf32, #tpu.memory_space<hbm>> -> memref<640x128xf32, #tpu.memory_space<hbm>>
      %dma_wait3A_353 = arith.constant 0 : i32
      %dma_wait3A_354 = tpu.memref_slice %arg10[%mul3A_344, %dma_wait3A_353] : memref<10240x128xf32, #tpu.memory_space<vmem_shared>> -> memref<640x128xf32, #tpu.memory_space<vmem_shared>>
      tpu.wait_dma2 semaphore(%run_scoped3A : memref<!tpu.dma_semaphore, #tpu.memory_space<semaphore_mem>>) src(%dma_wait3A_354 : memref<640x128xf32, #tpu.memory_space<vmem_shared>>) dst(%dma_wait3A_352 : memref<640x128xf32, #tpu.memory_space<hbm>>)
      tpu.yield
    }) : () -> ()
    "tpu.region"() ({
      %run_scoped3A = tpu.sem_alloc : memref<!tpu.dma_semaphore, #tpu.memory_space<semaphore_mem>>
      %dma_start3A_345 = tpu.memref_slice %arg5[%arg0, %mul3A_344] : memref<2x10240xf32, #tpu.memory_space<hbm>> -> memref<1x640xf32, #tpu.memory_space<hbm>>
      %dma_start3A_346 = tpu.memref_squeeze %dma_start3A_345 : memref<1x640xf32, #tpu.memory_space<hbm>> -> memref<640xf32, #tpu.memory_space<hbm>>
      %dma_start3A_347 = tpu.memref_slice %arg11[%mul3A_344] : memref<10240xf32, #tpu.memory_space<vmem_shared>> -> memref<640xf32, #tpu.memory_space<vmem_shared>>
      tpu.enqueue_dma source(%dma_start3A_347 : memref<640xf32, #tpu.memory_space<vmem_shared>>) target(%dma_start3A_346 : memref<640xf32, #tpu.memory_space<hbm>>) target_semaphore(%run_scoped3A : memref<!tpu.dma_semaphore, #tpu.memory_space<semaphore_mem>>)
      %dma_wait3A_348 = tpu.memref_slice %arg5[%arg0, %mul3A_344] : memref<2x10240xf32, #tpu.memory_space<hbm>> -> memref<1x640xf32, #tpu.memory_space<hbm>>
      %dma_wait3A_349 = tpu.memref_squeeze %dma_wait3A_348 : memref<1x640xf32, #tpu.memory_space<hbm>> -> memref<640xf32, #tpu.memory_space<hbm>>
      %dma_wait3A_350 = tpu.memref_slice %arg11[%mul3A_344] : memref<10240xf32, #tpu.memory_space<vmem_shared>> -> memref<640xf32, #tpu.memory_space<vmem_shared>>
      tpu.wait_dma2 semaphore(%run_scoped3A : memref<!tpu.dma_semaphore, #tpu.memory_space<semaphore_mem>>) src(%dma_wait3A_350 : memref<640xf32, #tpu.memory_space<vmem_shared>>) dst(%dma_wait3A_349 : memref<640xf32, #tpu.memory_space<hbm>>)
      tpu.yield
    }) : () -> ()
    return
  }
}

#map = affine_map<(d0, d1) -> (0, 0)>
#map1 = affine_map<(d0, d1) -> (0, 0, 0, 0)>
#map2 = affine_map<(d0, d1) -> (0, 0, 0)>
module attributes {stable_mosaic.version = 14 : i64} {
  func.func @body(%arg0: i32, %arg1: i32, %arg2: memref<10000x128xf32, #tpu.memory_space<hbm>>, %arg3: memref<32x125x2x80xi32, #tpu.memory_space<hbm>>, %arg4: memref<2x10240x128xf32, #tpu.memory_space<hbm>>, %arg5: memref<8x2x80xi32, #tpu.memory_space<vmem>>, %arg6: memref<4x80x128xf32, #tpu.memory_space<vmem>>, %arg7: memref<80xf32, #tpu.memory_space<vmem>>, %arg8: memref<16x128xf32, #tpu.memory_space<vmem>>, %arg9: memref<10240x128xf32, #tpu.memory_space<vmem_shared>>, %arg10: memref<10240xf32, #tpu.memory_space<vmem_shared>>, %arg11: memref<!tpu.dma_semaphore, #tpu.memory_space<semaphore_mem>>, %arg12: memref<!tpu.dma_semaphore, #tpu.memory_space<semaphore_mem>>, %arg13: memref<!tpu.dma_semaphore, #tpu.memory_space<semaphore_mem>>, %arg14: memref<!tpu.dma_semaphore, #tpu.memory_space<semaphore_mem>>) attributes {dimension_semantics = [#tpu.dimension_semantics<core_parallel>, #tpu.dimension_semantics<subcore_parallel>], iteration_bounds = array<i64: 2, 16>, scalar_prefetch = 0 : i64, scratch_operands = 10 : i64, tpu.core_type = #tpu.core_type<sc_vector_subcore>, window_params = [{transform_indices = #map}, {transform_indices = #map1}, {transform_indices = #map2}]} {
    %mul3A = arith.constant 2 : i32
    %mul3A_0 = arith.muli %arg1, %mul3A : i32
    %add3A = arith.addi %mul3A_0, %arg0 : i32
    %broadcast_in_dim3A = arith.constant 0.000000e+00 : f32
    %broadcast_in_dim3A_1 = vector.broadcast %broadcast_in_dim3A : f32 to vector<16xf32>
    %broadcast_in_dim3A_2 = arith.constant 1.000000e+00 : f32
    %broadcast_in_dim3A_3 = vector.broadcast %broadcast_in_dim3A_2 : f32 to vector<16xf32>
    %rem3A = arith.constant 0 : i32
    %rem3A_4 = arith.constant 8 : i32
    %rem3A_5 = arith.remsi %rem3A, %rem3A_4 : i32
    %dma_start3A = arith.constant 0 : i32
    %dma_start3A_6 = arith.constant 0 : i32
    %dma_start3A_7 = arith.constant 0 : i32
    %dma_start3A_8 = tpu.memref_slice %arg5[%rem3A_5, %dma_start3A_6, %dma_start3A_7] : memref<8x2x80xi32, #tpu.memory_space<vmem>> -> memref<1x2x80xi32, #tpu.memory_space<vmem>>
    %dma_start3A_9 = tpu.memref_squeeze %dma_start3A_8 : memref<1x2x80xi32, #tpu.memory_space<vmem>> -> memref<2x80xi32, #tpu.memory_space<vmem>>
    %dma_start3A_10 = arith.constant 0 : i32
    %dma_start3A_11 = arith.constant 0 : i32
    %dma_start3A_12 = tpu.memref_slice %arg3[%add3A, %dma_start3A, %dma_start3A_10, %dma_start3A_11] : memref<32x125x2x80xi32, #tpu.memory_space<hbm>> -> memref<1x1x2x80xi32, #tpu.memory_space<hbm>>
    %dma_start3A_13 = tpu.memref_squeeze %dma_start3A_12 : memref<1x1x2x80xi32, #tpu.memory_space<hbm>> -> memref<2x80xi32, #tpu.memory_space<hbm>>
    %dma_start3A_14 = arith.constant 0 : i32
    %dma_start3A_15 = arith.constant 0 : i32
    %dma_start3A_16 = tpu.memref_slice %arg5[%rem3A_5, %dma_start3A_14, %dma_start3A_15] : memref<8x2x80xi32, #tpu.memory_space<vmem>> -> memref<1x2x80xi32, #tpu.memory_space<vmem>>
    %dma_start3A_17 = tpu.memref_squeeze %dma_start3A_16 : memref<1x2x80xi32, #tpu.memory_space<vmem>> -> memref<2x80xi32, #tpu.memory_space<vmem>>
    %dma_start3A_18 = arith.constant 0 : i32
    %dma_start3A_19 = arith.constant 0 : i32
    %dma_start3A_20 = tpu.memref_slice %arg3[%add3A, %dma_start3A, %dma_start3A_18, %dma_start3A_19] : memref<32x125x2x80xi32, #tpu.memory_space<hbm>> -> memref<1x1x2x80xi32, #tpu.memory_space<hbm>>
    %dma_start3A_21 = tpu.memref_squeeze %dma_start3A_20 : memref<1x1x2x80xi32, #tpu.memory_space<hbm>> -> memref<2x80xi32, #tpu.memory_space<hbm>>
    tpu.enqueue_dma source(%dma_start3A_21 : memref<2x80xi32, #tpu.memory_space<hbm>>) target(%dma_start3A_17 : memref<2x80xi32, #tpu.memory_space<vmem>>) target_semaphore(%arg11 : memref<!tpu.dma_semaphore, #tpu.memory_space<semaphore_mem>>)
    %rem3A_22 = arith.constant 1 : i32
    %rem3A_23 = arith.constant 8 : i32
    %rem3A_24 = arith.remsi %rem3A_22, %rem3A_23 : i32
    %dma_start3A_25 = arith.constant 1 : i32
    %dma_start3A_26 = arith.constant 0 : i32
    %dma_start3A_27 = arith.constant 0 : i32
    %dma_start3A_28 = tpu.memref_slice %arg5[%rem3A_24, %dma_start3A_26, %dma_start3A_27] : memref<8x2x80xi32, #tpu.memory_space<vmem>> -> memref<1x2x80xi32, #tpu.memory_space<vmem>>
    %dma_start3A_29 = tpu.memref_squeeze %dma_start3A_28 : memref<1x2x80xi32, #tpu.memory_space<vmem>> -> memref<2x80xi32, #tpu.memory_space<vmem>>
    %dma_start3A_30 = arith.constant 0 : i32
    %dma_start3A_31 = arith.constant 0 : i32
    %dma_start3A_32 = tpu.memref_slice %arg3[%add3A, %dma_start3A_25, %dma_start3A_30, %dma_start3A_31] : memref<32x125x2x80xi32, #tpu.memory_space<hbm>> -> memref<1x1x2x80xi32, #tpu.memory_space<hbm>>
    %dma_start3A_33 = tpu.memref_squeeze %dma_start3A_32 : memref<1x1x2x80xi32, #tpu.memory_space<hbm>> -> memref<2x80xi32, #tpu.memory_space<hbm>>
    %dma_start3A_34 = arith.constant 0 : i32
    %dma_start3A_35 = arith.constant 0 : i32
    %dma_start3A_36 = tpu.memref_slice %arg5[%rem3A_24, %dma_start3A_34, %dma_start3A_35] : memref<8x2x80xi32, #tpu.memory_space<vmem>> -> memref<1x2x80xi32, #tpu.memory_space<vmem>>
    %dma_start3A_37 = tpu.memref_squeeze %dma_start3A_36 : memref<1x2x80xi32, #tpu.memory_space<vmem>> -> memref<2x80xi32, #tpu.memory_space<vmem>>
    %dma_start3A_38 = arith.constant 0 : i32
    %dma_start3A_39 = arith.constant 0 : i32
    %dma_start3A_40 = tpu.memref_slice %arg3[%add3A, %dma_start3A_25, %dma_start3A_38, %dma_start3A_39] : memref<32x125x2x80xi32, #tpu.memory_space<hbm>> -> memref<1x1x2x80xi32, #tpu.memory_space<hbm>>
    %dma_start3A_41 = tpu.memref_squeeze %dma_start3A_40 : memref<1x1x2x80xi32, #tpu.memory_space<hbm>> -> memref<2x80xi32, #tpu.memory_space<hbm>>
    tpu.enqueue_dma source(%dma_start3A_41 : memref<2x80xi32, #tpu.memory_space<hbm>>) target(%dma_start3A_37 : memref<2x80xi32, #tpu.memory_space<vmem>>) target_semaphore(%arg11 : memref<!tpu.dma_semaphore, #tpu.memory_space<semaphore_mem>>)
    %rem3A_42 = arith.constant 2 : i32
    %rem3A_43 = arith.constant 8 : i32
    %rem3A_44 = arith.remsi %rem3A_42, %rem3A_43 : i32
    %dma_start3A_45 = arith.constant 2 : i32
    %dma_start3A_46 = arith.constant 0 : i32
    %dma_start3A_47 = arith.constant 0 : i32
    %dma_start3A_48 = tpu.memref_slice %arg5[%rem3A_44, %dma_start3A_46, %dma_start3A_47] : memref<8x2x80xi32, #tpu.memory_space<vmem>> -> memref<1x2x80xi32, #tpu.memory_space<vmem>>
    %dma_start3A_49 = tpu.memref_squeeze %dma_start3A_48 : memref<1x2x80xi32, #tpu.memory_space<vmem>> -> memref<2x80xi32, #tpu.memory_space<vmem>>
    %dma_start3A_50 = arith.constant 0 : i32
    %dma_start3A_51 = arith.constant 0 : i32
    %dma_start3A_52 = tpu.memref_slice %arg3[%add3A, %dma_start3A_45, %dma_start3A_50, %dma_start3A_51] : memref<32x125x2x80xi32, #tpu.memory_space<hbm>> -> memref<1x1x2x80xi32, #tpu.memory_space<hbm>>
    %dma_start3A_53 = tpu.memref_squeeze %dma_start3A_52 : memref<1x1x2x80xi32, #tpu.memory_space<hbm>> -> memref<2x80xi32, #tpu.memory_space<hbm>>
    %dma_start3A_54 = arith.constant 0 : i32
    %dma_start3A_55 = arith.constant 0 : i32
    %dma_start3A_56 = tpu.memref_slice %arg5[%rem3A_44, %dma_start3A_54, %dma_start3A_55] : memref<8x2x80xi32, #tpu.memory_space<vmem>> -> memref<1x2x80xi32, #tpu.memory_space<vmem>>
    %dma_start3A_57 = tpu.memref_squeeze %dma_start3A_56 : memref<1x2x80xi32, #tpu.memory_space<vmem>> -> memref<2x80xi32, #tpu.memory_space<vmem>>
    %dma_start3A_58 = arith.constant 0 : i32
    %dma_start3A_59 = arith.constant 0 : i32
    %dma_start3A_60 = tpu.memref_slice %arg3[%add3A, %dma_start3A_45, %dma_start3A_58, %dma_start3A_59] : memref<32x125x2x80xi32, #tpu.memory_space<hbm>> -> memref<1x1x2x80xi32, #tpu.memory_space<hbm>>
    %dma_start3A_61 = tpu.memref_squeeze %dma_start3A_60 : memref<1x1x2x80xi32, #tpu.memory_space<hbm>> -> memref<2x80xi32, #tpu.memory_space<hbm>>
    tpu.enqueue_dma source(%dma_start3A_61 : memref<2x80xi32, #tpu.memory_space<hbm>>) target(%dma_start3A_57 : memref<2x80xi32, #tpu.memory_space<vmem>>) target_semaphore(%arg11 : memref<!tpu.dma_semaphore, #tpu.memory_space<semaphore_mem>>)
    %scan3A = arith.constant 0 : i32
    %scan3A_62 = arith.constant 0 : i32
    %scan3A_63 = arith.constant 16 : i32
    %scan3A_64 = arith.addi %scan3A_62, %scan3A_63 : i32
    %scan3A_65 = arith.constant 1 : i32
    %scan3A_66 = scf.for %scan3A_268 = %scan3A_62 to %scan3A_64 step %scan3A_65 iter_args(%scan3A_269 = %scan3A) -> (i32)  : i32 {
      %swap3A = arith.index_cast %scan3A_268 : i32 to index
      %swap3A_270 = arith.constant 0 : index
      %swap3A_271 = tpu.vector_load %arg8[%swap3A, %swap3A_270] {strides = array<i32>} : memref<16x128xf32, #tpu.memory_space<vmem>>, vector<1x16xf32>,
      %swap3A_272 = vector.shape_cast %swap3A_271 : vector<1x16xf32> to vector<16xf32>
      %swap3A_273 = vector.shape_cast %broadcast_in_dim3A_1 : vector<16xf32> to vector<1x16xf32>
      tpu.vector_store %arg8[%swap3A, %swap3A_270], %swap3A_273 {strides = array<i32>} : memref<16x128xf32, #tpu.memory_space<vmem>>, vector<1x16xf32>,
      %swap3A_274 = arith.index_cast %scan3A_268 : i32 to index
      %swap3A_275 = arith.constant 16 : index
      %swap3A_276 = tpu.vector_load %arg8[%swap3A_274, %swap3A_275] {strides = array<i32>} : memref<16x128xf32, #tpu.memory_space<vmem>>, vector<1x16xf32>,
      %swap3A_277 = vector.shape_cast %swap3A_276 : vector<1x16xf32> to vector<16xf32>
      %swap3A_278 = vector.shape_cast %broadcast_in_dim3A_1 : vector<16xf32> to vector<1x16xf32>
      tpu.vector_store %arg8[%swap3A_274, %swap3A_275], %swap3A_278 {strides = array<i32>} : memref<16x128xf32, #tpu.memory_space<vmem>>, vector<1x16xf32>,
      %swap3A_279 = arith.index_cast %scan3A_268 : i32 to index
      %swap3A_280 = arith.constant 32 : index
      %swap3A_281 = tpu.vector_load %arg8[%swap3A_279, %swap3A_280] {strides = array<i32>} : memref<16x128xf32, #tpu.memory_space<vmem>>, vector<1x16xf32>,
      %swap3A_282 = vector.shape_cast %swap3A_281 : vector<1x16xf32> to vector<16xf32>
      %swap3A_283 = vector.shape_cast %broadcast_in_dim3A_1 : vector<16xf32> to vector<1x16xf32>
      tpu.vector_store %arg8[%swap3A_279, %swap3A_280], %swap3A_283 {strides = array<i32>} : memref<16x128xf32, #tpu.memory_space<vmem>>, vector<1x16xf32>,
      %swap3A_284 = arith.index_cast %scan3A_268 : i32 to index
      %swap3A_285 = arith.constant 48 : index
      %swap3A_286 = tpu.vector_load %arg8[%swap3A_284, %swap3A_285] {strides = array<i32>} : memref<16x128xf32, #tpu.memory_space<vmem>>, vector<1x16xf32>,
      %swap3A_287 = vector.shape_cast %swap3A_286 : vector<1x16xf32> to vector<16xf32>
      %swap3A_288 = vector.shape_cast %broadcast_in_dim3A_1 : vector<16xf32> to vector<1x16xf32>
      tpu.vector_store %arg8[%swap3A_284, %swap3A_285], %swap3A_288 {strides = array<i32>} : memref<16x128xf32, #tpu.memory_space<vmem>>, vector<1x16xf32>,
      %swap3A_289 = arith.index_cast %scan3A_268 : i32 to index
      %swap3A_290 = arith.constant 64 : index
      %swap3A_291 = tpu.vector_load %arg8[%swap3A_289, %swap3A_290] {strides = array<i32>} : memref<16x128xf32, #tpu.memory_space<vmem>>, vector<1x16xf32>,
      %swap3A_292 = vector.shape_cast %swap3A_291 : vector<1x16xf32> to vector<16xf32>
      %swap3A_293 = vector.shape_cast %broadcast_in_dim3A_1 : vector<16xf32> to vector<1x16xf32>
      tpu.vector_store %arg8[%swap3A_289, %swap3A_290], %swap3A_293 {strides = array<i32>} : memref<16x128xf32, #tpu.memory_space<vmem>>, vector<1x16xf32>,
      %swap3A_294 = arith.index_cast %scan3A_268 : i32 to index
      %swap3A_295 = arith.constant 80 : index
      %swap3A_296 = tpu.vector_load %arg8[%swap3A_294, %swap3A_295] {strides = array<i32>} : memref<16x128xf32, #tpu.memory_space<vmem>>, vector<1x16xf32>,
      %swap3A_297 = vector.shape_cast %swap3A_296 : vector<1x16xf32> to vector<16xf32>
      %swap3A_298 = vector.shape_cast %broadcast_in_dim3A_1 : vector<16xf32> to vector<1x16xf32>
      tpu.vector_store %arg8[%swap3A_294, %swap3A_295], %swap3A_298 {strides = array<i32>} : memref<16x128xf32, #tpu.memory_space<vmem>>, vector<1x16xf32>,
      %swap3A_299 = arith.index_cast %scan3A_268 : i32 to index
      %swap3A_300 = arith.constant 96 : index
      %swap3A_301 = tpu.vector_load %arg8[%swap3A_299, %swap3A_300] {strides = array<i32>} : memref<16x128xf32, #tpu.memory_space<vmem>>, vector<1x16xf32>,
      %swap3A_302 = vector.shape_cast %swap3A_301 : vector<1x16xf32> to vector<16xf32>
      %swap3A_303 = vector.shape_cast %broadcast_in_dim3A_1 : vector<16xf32> to vector<1x16xf32>
      tpu.vector_store %arg8[%swap3A_299, %swap3A_300], %swap3A_303 {strides = array<i32>} : memref<16x128xf32, #tpu.memory_space<vmem>>, vector<1x16xf32>,
      %swap3A_304 = arith.index_cast %scan3A_268 : i32 to index
      %swap3A_305 = arith.constant 112 : index
      %swap3A_306 = tpu.vector_load %arg8[%swap3A_304, %swap3A_305] {strides = array<i32>} : memref<16x128xf32, #tpu.memory_space<vmem>>, vector<1x16xf32>,
      %swap3A_307 = vector.shape_cast %swap3A_306 : vector<1x16xf32> to vector<16xf32>
      %swap3A_308 = vector.shape_cast %broadcast_in_dim3A_1 : vector<16xf32> to vector<1x16xf32>
      tpu.vector_store %arg8[%swap3A_304, %swap3A_305], %swap3A_308 {strides = array<i32>} : memref<16x128xf32, #tpu.memory_space<vmem>>, vector<1x16xf32>,
      %scan3A_309 = arith.constant 0 : i32
      scf.yield %scan3A_309 : i32
    }
    %scan3A_67 = arith.constant 16 : i32
    %scan3A_68 = arith.constant 0 : i32
    %scan3A_69 = arith.constant 0 : i32
    %scan3A_70 = arith.constant 5 : i32
    %scan3A_71 = arith.addi %scan3A_69, %scan3A_70 : i32
    %scan3A_72 = arith.constant 1 : i32
    %scan3A_73 = scf.for %scan3A_268 = %scan3A_69 to %scan3A_71 step %scan3A_72 iter_args(%scan3A_269 = %scan3A_68) -> (i32)  : i32 {
      %mul3A_270 = arith.constant 16 : i32
      %mul3A_271 = arith.muli %scan3A_268, %mul3A_270 : i32
      %swap3A = arith.index_cast %mul3A_271 : i32 to index
      %swap3A_272 = tpu.vector_load %arg7[%swap3A] {strides = array<i32>} : memref<80xf32, #tpu.memory_space<vmem>>, vector<16xf32>,
      %swap3A_273 = vector.shape_cast %swap3A_272 : vector<16xf32> to vector<16xf32>
      %swap3A_274 = vector.shape_cast %broadcast_in_dim3A_3 : vector<16xf32> to vector<16xf32>
      tpu.vector_store %arg7[%swap3A], %swap3A_274 {strides = array<i32>} : memref<80xf32, #tpu.memory_space<vmem>>, vector<16xf32>,
      %scan3A_275 = arith.constant 0 : i32
      scf.yield %scan3A_275 : i32
    }
    %scan3A_74 = arith.constant 5 : i32
    %scan3A_75 = arith.constant 0 : i32
    %scan3A_76 = arith.constant 0 : i32
    %scan3A_77 = arith.constant 40 : i32
    %scan3A_78 = arith.addi %scan3A_76, %scan3A_77 : i32
    %scan3A_79 = arith.constant 1 : i32
    %scan3A_80 = scf.for %scan3A_268 = %scan3A_76 to %scan3A_78 step %scan3A_79 iter_args(%scan3A_269 = %scan3A_75) -> (i32)  : i32 {
      %mul3A_270 = arith.constant 640 : i32
      %mul3A_271 = arith.muli %arg1, %mul3A_270 : i32
      %mul3A_272 = arith.constant 16 : i32
      %mul3A_273 = arith.muli %scan3A_268, %mul3A_272 : i32
      %add3A_274 = arith.addi %mul3A_271, %mul3A_273 : i32
      %dma_start3A_275 = arith.constant 0 : i32
      %dma_start3A_276 = tpu.memref_slice %arg9[%add3A_274, %dma_start3A_275] : memref<10240x128xf32, #tpu.memory_space<vmem_shared>> -> memref<16x128xf32, #tpu.memory_space<vmem_shared>>
      %dma_start3A_277 = arith.constant 0 : i32
      %dma_start3A_278 = tpu.memref_slice %arg9[%add3A_274, %dma_start3A_277] : memref<10240x128xf32, #tpu.memory_space<vmem_shared>> -> memref<16x128xf32, #tpu.memory_space<vmem_shared>>
      tpu.enqueue_dma source(%arg8 : memref<16x128xf32, #tpu.memory_space<vmem>>) target(%dma_start3A_278 : memref<16x128xf32, #tpu.memory_space<vmem_shared>>) target_semaphore(%arg12 : memref<!tpu.dma_semaphore, #tpu.memory_space<semaphore_mem>>)
      %scan3A_279 = arith.constant 0 : i32
      scf.yield %scan3A_279 : i32
    }
    %scan3A_81 = arith.constant 40 : i32
    %scan3A_82 = arith.constant 0 : i32
    %scan3A_83 = arith.constant 0 : i32
    %scan3A_84 = arith.constant 40 : i32
    %scan3A_85 = arith.addi %scan3A_83, %scan3A_84 : i32
    %scan3A_86 = arith.constant 1 : i32
    %scan3A_87 = scf.for %scan3A_268 = %scan3A_83 to %scan3A_85 step %scan3A_86 iter_args(%scan3A_269 = %scan3A_82) -> (i32)  : i32 {
      %mul3A_270 = arith.constant 640 : i32
      %mul3A_271 = arith.muli %arg1, %mul3A_270 : i32
      %mul3A_272 = arith.constant 16 : i32
      %mul3A_273 = arith.muli %scan3A_268, %mul3A_272 : i32
      %add3A_274 = arith.addi %mul3A_271, %mul3A_273 : i32
      %dma_wait3A_275 = arith.constant 0 : i32
      %dma_wait3A_276 = tpu.memref_slice %arg9[%add3A_274, %dma_wait3A_275] : memref<10240x128xf32, #tpu.memory_space<vmem_shared>> -> memref<16x128xf32, #tpu.memory_space<vmem_shared>>
      %dma_wait3A_277 = arith.constant 0 : i32
      %dma_wait3A_278 = tpu.memref_slice %arg9[%add3A_274, %dma_wait3A_277] : memref<10240x128xf32, #tpu.memory_space<vmem_shared>> -> memref<16x128xf32, #tpu.memory_space<vmem_shared>>
      tpu.wait_dma2 semaphore(%arg12 : memref<!tpu.dma_semaphore, #tpu.memory_space<semaphore_mem>>) src(%arg8 : memref<16x128xf32, #tpu.memory_space<vmem>>) dst(%dma_wait3A_278 : memref<16x128xf32, #tpu.memory_space<vmem_shared>>)
      %scan3A_279 = arith.constant 0 : i32
      scf.yield %scan3A_279 : i32
    }
    %scan3A_88 = arith.constant 40 : i32
    %barrier3A = arith.constant 0 : index
    tpu.barrier barrier_id(%barrier3A)
    %scan3A_89 = arith.constant 0 : i32
    %scan3A_90 = arith.constant 0 : i32
    %scan3A_91 = arith.constant 125 : i32
    %scan3A_92 = arith.addi %scan3A_90, %scan3A_91 : i32
    %scan3A_93 = arith.constant 1 : i32
    %scan3A_94 = scf.for %scan3A_268 = %scan3A_90 to %scan3A_92 step %scan3A_93 iter_args(%scan3A_269 = %scan3A_89) -> (i32)  : i32 {
      %ge3A = arith.constant 4 : i32
      %ge3A_270 = arith.cmpi sge, %scan3A_268, %ge3A : i32
      %convert_element_type3A = arith.extui %ge3A_270 : i1 to i32
      %cond3A = arith.constant 0 : i32
      %cond3A_271 = arith.cmpi ne, %convert_element_type3A, %cond3A : i32
      scf.if %cond3A_271 {
        %sub3A = arith.constant 4 : i32
        %sub3A_317 = arith.subi %scan3A_268, %sub3A : i32
        %rem3A_318 = arith.constant 4 : i32
        %rem3A_319 = arith.remsi %sub3A_317, %rem3A_318 : i32
        %rem3A_320 = arith.constant 8 : i32
        %rem3A_321 = arith.remsi %sub3A_317, %rem3A_320 : i32
        %dma_wait3A_322 = arith.constant 1 : i32
        %dma_wait3A_323 = arith.constant 0 : i32
        %dma_wait3A_324 = arith.constant 0 : i32
        %dma_wait3A_325 = tpu.memref_slice %arg6[%rem3A_319, %dma_wait3A_323, %dma_wait3A_324] : memref<4x80x128xf32, #tpu.memory_space<vmem>> -> memref<1x80x128xf32, #tpu.memory_space<vmem>>
        %dma_wait3A_326 = tpu.memref_squeeze %dma_wait3A_325 : memref<1x80x128xf32, #tpu.memory_space<vmem>> -> memref<80x128xf32, #tpu.memory_space<vmem>>
        %dma_wait3A_327 = arith.constant 0 : i32
        %dma_wait3A_328 = tpu.memref_slice %arg5[%rem3A_321, %dma_wait3A_322, %dma_wait3A_327] : memref<8x2x80xi32, #tpu.memory_space<vmem>> -> memref<1x1x80xi32, #tpu.memory_space<vmem>>
        %dma_wait3A_329 = tpu.memref_squeeze %dma_wait3A_328 : memref<1x1x80xi32, #tpu.memory_space<vmem>> -> memref<80xi32, #tpu.memory_space<vmem>>
        %dma_wait3A_330 = arith.constant 0 : i32
        %dma_wait3A_331 = arith.constant 0 : i32
        %dma_wait3A_332 = tpu.memref_slice %arg9[%dma_wait3A_330, %dma_wait3A_331] : memref<10240x128xf32, #tpu.memory_space<vmem_shared>> -> memref<10240x128xf32, #tpu.memory_space<vmem_shared>>
        tpu.wait_indirect_dma semaphore(%arg13 : memref<!tpu.dma_semaphore, #tpu.memory_space<semaphore_mem>>) src(%dma_wait3A_326 : memref<80x128xf32, #tpu.memory_space<vmem>>) dst(%dma_wait3A_332 : memref<10240x128xf32, #tpu.memory_space<vmem_shared>>)
      } else {
      }
      %rem3A_272 = arith.constant 8 : i32
      %rem3A_273 = arith.remsi %scan3A_268, %rem3A_272 : i32
      %dma_wait3A_274 = arith.constant 0 : i32
      %dma_wait3A_275 = arith.constant 0 : i32
      %dma_wait3A_276 = tpu.memref_slice %arg5[%rem3A_273, %dma_wait3A_274, %dma_wait3A_275] : memref<8x2x80xi32, #tpu.memory_space<vmem>> -> memref<1x2x80xi32, #tpu.memory_space<vmem>>
      %dma_wait3A_277 = tpu.memref_squeeze %dma_wait3A_276 : memref<1x2x80xi32, #tpu.memory_space<vmem>> -> memref<2x80xi32, #tpu.memory_space<vmem>>
      %dma_wait3A_278 = arith.constant 0 : i32
      %dma_wait3A_279 = arith.constant 0 : i32
      %dma_wait3A_280 = tpu.memref_slice %arg3[%add3A, %scan3A_268, %dma_wait3A_278, %dma_wait3A_279] : memref<32x125x2x80xi32, #tpu.memory_space<hbm>> -> memref<1x1x2x80xi32, #tpu.memory_space<hbm>>
      %dma_wait3A_281 = tpu.memref_squeeze %dma_wait3A_280 : memref<1x1x2x80xi32, #tpu.memory_space<hbm>> -> memref<2x80xi32, #tpu.memory_space<hbm>>
      %dma_wait3A_282 = arith.constant 0 : i32
      %dma_wait3A_283 = arith.constant 0 : i32
      %dma_wait3A_284 = tpu.memref_slice %arg5[%rem3A_273, %dma_wait3A_282, %dma_wait3A_283] : memref<8x2x80xi32, #tpu.memory_space<vmem>> -> memref<1x2x80xi32, #tpu.memory_space<vmem>>
      %dma_wait3A_285 = tpu.memref_squeeze %dma_wait3A_284 : memref<1x2x80xi32, #tpu.memory_space<vmem>> -> memref<2x80xi32, #tpu.memory_space<vmem>>
      %dma_wait3A_286 = arith.constant 0 : i32
      %dma_wait3A_287 = arith.constant 0 : i32
      %dma_wait3A_288 = tpu.memref_slice %arg3[%add3A, %scan3A_268, %dma_wait3A_286, %dma_wait3A_287] : memref<32x125x2x80xi32, #tpu.memory_space<hbm>> -> memref<1x1x2x80xi32, #tpu.memory_space<hbm>>
      %dma_wait3A_289 = tpu.memref_squeeze %dma_wait3A_288 : memref<1x1x2x80xi32, #tpu.memory_space<hbm>> -> memref<2x80xi32, #tpu.memory_space<hbm>>
      tpu.wait_dma2 semaphore(%arg11 : memref<!tpu.dma_semaphore, #tpu.memory_space<semaphore_mem>>) src(%dma_wait3A_289 : memref<2x80xi32, #tpu.memory_space<hbm>>) dst(%dma_wait3A_285 : memref<2x80xi32, #tpu.memory_space<vmem>>)
      %rem3A_290 = arith.constant 8 : i32
      %rem3A_291 = arith.remsi %scan3A_268, %rem3A_290 : i32
      %rem3A_292 = arith.constant 4 : i32
      %rem3A_293 = arith.remsi %scan3A_268, %rem3A_292 : i32
      %dma_start3A_294 = arith.constant 0 : i32
      %dma_start3A_295 = arith.constant 0 : i32
      %dma_start3A_296 = arith.constant 0 : i32
      %dma_start3A_297 = tpu.memref_slice %arg6[%rem3A_293, %dma_start3A_295, %dma_start3A_296] : memref<4x80x128xf32, #tpu.memory_space<vmem>> -> memref<1x80x128xf32, #tpu.memory_space<vmem>>
      %dma_start3A_298 = tpu.memref_squeeze %dma_start3A_297 : memref<1x80x128xf32, #tpu.memory_space<vmem>> -> memref<80x128xf32, #tpu.memory_space<vmem>>
      %dma_start3A_299 = arith.constant 0 : i32
      %dma_start3A_300 = tpu.memref_slice %arg5[%rem3A_291, %dma_start3A_294, %dma_start3A_299] : memref<8x2x80xi32, #tpu.memory_space<vmem>> -> memref<1x1x80xi32, #tpu.memory_space<vmem>>
      %dma_start3A_301 = tpu.memref_squeeze %dma_start3A_300 : memref<1x1x80xi32, #tpu.memory_space<vmem>> -> memref<80xi32, #tpu.memory_space<vmem>>
      %dma_start3A_302 = arith.constant 0 : i32
      %dma_start3A_303 = arith.constant 0 : i32
      %dma_start3A_304 = tpu.memref_slice %arg2[%dma_start3A_302, %dma_start3A_303] : memref<10000x128xf32, #tpu.memory_space<hbm>> -> memref<10000x128xf32, #tpu.memory_space<hbm>>
      tpu.enqueue_indirect_dma source(%dma_start3A_304 : memref<10000x128xf32, #tpu.memory_space<hbm>>) target(%dma_start3A_298 : memref<80x128xf32, #tpu.memory_space<vmem>>) offsets(%dma_start3A_301 : memref<80xi32, #tpu.memory_space<vmem>>) semaphore(%arg12 : memref<!tpu.dma_semaphore, #tpu.memory_space<semaphore_mem>>)
      %ge3A_305 = arith.constant 3 : i32
      %ge3A_306 = arith.cmpi sge, %scan3A_268, %ge3A_305 : i32
      %convert_element_type3A_307 = arith.extui %ge3A_306 : i1 to i32
      %cond3A_308 = arith.constant 0 : i32
      %cond3A_309 = arith.cmpi ne, %convert_element_type3A_307, %cond3A_308 : i32
      scf.if %cond3A_309 {
        %sub3A = arith.constant 3 : i32
        %sub3A_317 = arith.subi %scan3A_268, %sub3A : i32
        %rem3A_318 = arith.constant 8 : i32
        %rem3A_319 = arith.remsi %sub3A_317, %rem3A_318 : i32
        %rem3A_320 = arith.constant 4 : i32
        %rem3A_321 = arith.remsi %sub3A_317, %rem3A_320 : i32
        %dma_wait3A_322 = arith.constant 0 : i32
        %dma_wait3A_323 = arith.constant 0 : i32
        %dma_wait3A_324 = arith.constant 0 : i32
        %dma_wait3A_325 = tpu.memref_slice %arg6[%rem3A_321, %dma_wait3A_323, %dma_wait3A_324] : memref<4x80x128xf32, #tpu.memory_space<vmem>> -> memref<1x80x128xf32, #tpu.memory_space<vmem>>
        %dma_wait3A_326 = tpu.memref_squeeze %dma_wait3A_325 : memref<1x80x128xf32, #tpu.memory_space<vmem>> -> memref<80x128xf32, #tpu.memory_space<vmem>>
        %dma_wait3A_327 = arith.constant 0 : i32
        %dma_wait3A_328 = tpu.memref_slice %arg5[%rem3A_319, %dma_wait3A_322, %dma_wait3A_327] : memref<8x2x80xi32, #tpu.memory_space<vmem>> -> memref<1x1x80xi32, #tpu.memory_space<vmem>>
        %dma_wait3A_329 = tpu.memref_squeeze %dma_wait3A_328 : memref<1x1x80xi32, #tpu.memory_space<vmem>> -> memref<80xi32, #tpu.memory_space<vmem>>
        %dma_wait3A_330 = arith.constant 0 : i32
        %dma_wait3A_331 = arith.constant 0 : i32
        %dma_wait3A_332 = tpu.memref_slice %arg2[%dma_wait3A_330, %dma_wait3A_331] : memref<10000x128xf32, #tpu.memory_space<hbm>> -> memref<10000x128xf32, #tpu.memory_space<hbm>>
        tpu.wait_indirect_dma semaphore(%arg12 : memref<!tpu.dma_semaphore, #tpu.memory_space<semaphore_mem>>) src(%dma_wait3A_332 : memref<10000x128xf32, #tpu.memory_space<hbm>>) dst(%dma_wait3A_326 : memref<80x128xf32, #tpu.memory_space<vmem>>)
        %sub3A_333 = arith.constant 3 : i32
        %sub3A_334 = arith.subi %scan3A_268, %sub3A_333 : i32
        %rem3A_335 = arith.constant 4 : i32
        %rem3A_336 = arith.remsi %sub3A_334, %rem3A_335 : i32
        %rem3A_337 = arith.constant 8 : i32
        %rem3A_338 = arith.remsi %sub3A_334, %rem3A_337 : i32
        %dma_start3A_339 = arith.constant 1 : i32
        %dma_start3A_340 = arith.constant 0 : i32
        %dma_start3A_341 = arith.constant 0 : i32
        %dma_start3A_342 = tpu.memref_slice %arg6[%rem3A_336, %dma_start3A_340, %dma_start3A_341] : memref<4x80x128xf32, #tpu.memory_space<vmem>> -> memref<1x80x128xf32, #tpu.memory_space<vmem>>
        %dma_start3A_343 = tpu.memref_squeeze %dma_start3A_342 : memref<1x80x128xf32, #tpu.memory_space<vmem>> -> memref<80x128xf32, #tpu.memory_space<vmem>>
        %dma_start3A_344 = arith.constant 0 : i32
        %dma_start3A_345 = tpu.memref_slice %arg5[%rem3A_338, %dma_start3A_339, %dma_start3A_344] : memref<8x2x80xi32, #tpu.memory_space<vmem>> -> memref<1x1x80xi32, #tpu.memory_space<vmem>>
        %dma_start3A_346 = tpu.memref_squeeze %dma_start3A_345 : memref<1x1x80xi32, #tpu.memory_space<vmem>> -> memref<80xi32, #tpu.memory_space<vmem>>
        %dma_start3A_347 = arith.constant 0 : i32
        %dma_start3A_348 = arith.constant 0 : i32
        %dma_start3A_349 = tpu.memref_slice %arg9[%dma_start3A_347, %dma_start3A_348] : memref<10240x128xf32, #tpu.memory_space<vmem_shared>> -> memref<10240x128xf32, #tpu.memory_space<vmem_shared>>
        tpu.enqueue_indirect_dma source(%dma_start3A_343 : memref<80x128xf32, #tpu.memory_space<vmem>>) target(%dma_start3A_349 : memref<10240x128xf32, #tpu.memory_space<vmem_shared>>) offsets(%dma_start3A_346 : memref<80xi32, #tpu.memory_space<vmem>>) semaphore(%arg13 : memref<!tpu.dma_semaphore, #tpu.memory_space<semaphore_mem>>) {add = true}
      } else {
      }
      %add3A_310 = arith.constant 3 : i32
      %add3A_311 = arith.addi %scan3A_268, %add3A_310 : i32
      %lt3A = arith.constant 125 : i32
      %lt3A_312 = arith.cmpi slt, %add3A_311, %lt3A : i32
      %convert_element_type3A_313 = arith.extui %lt3A_312 : i1 to i32
      %cond3A_314 = arith.constant 0 : i32
      %cond3A_315 = arith.cmpi ne, %convert_element_type3A_313, %cond3A_314 : i32
      scf.if %cond3A_315 {
        %add3A_317 = arith.constant 3 : i32
        %add3A_318 = arith.addi %scan3A_268, %add3A_317 : i32
        %rem3A_319 = arith.constant 8 : i32
        %rem3A_320 = arith.remsi %add3A_318, %rem3A_319 : i32
        %dma_start3A_321 = arith.constant 0 : i32
        %dma_start3A_322 = arith.constant 0 : i32
        %dma_start3A_323 = tpu.memref_slice %arg5[%rem3A_320, %dma_start3A_321, %dma_start3A_322] : memref<8x2x80xi32, #tpu.memory_space<vmem>> -> memref<1x2x80xi32, #tpu.memory_space<vmem>>
        %dma_start3A_324 = tpu.memref_squeeze %dma_start3A_323 : memref<1x2x80xi32, #tpu.memory_space<vmem>> -> memref<2x80xi32, #tpu.memory_space<vmem>>
        %dma_start3A_325 = arith.constant 0 : i32
        %dma_start3A_326 = arith.constant 0 : i32
        %dma_start3A_327 = tpu.memref_slice %arg3[%add3A, %add3A_318, %dma_start3A_325, %dma_start3A_326] : memref<32x125x2x80xi32, #tpu.memory_space<hbm>> -> memref<1x1x2x80xi32, #tpu.memory_space<hbm>>
        %dma_start3A_328 = tpu.memref_squeeze %dma_start3A_327 : memref<1x1x2x80xi32, #tpu.memory_space<hbm>> -> memref<2x80xi32, #tpu.memory_space<hbm>>
        %dma_start3A_329 = arith.constant 0 : i32
        %dma_start3A_330 = arith.constant 0 : i32
        %dma_start3A_331 = tpu.memref_slice %arg5[%rem3A_320, %dma_start3A_329, %dma_start3A_330] : memref<8x2x80xi32, #tpu.memory_space<vmem>> -> memref<1x2x80xi32, #tpu.memory_space<vmem>>
        %dma_start3A_332 = tpu.memref_squeeze %dma_start3A_331 : memref<1x2x80xi32, #tpu.memory_space<vmem>> -> memref<2x80xi32, #tpu.memory_space<vmem>>
        %dma_start3A_333 = arith.constant 0 : i32
        %dma_start3A_334 = arith.constant 0 : i32
        %dma_start3A_335 = tpu.memref_slice %arg3[%add3A, %add3A_318, %dma_start3A_333, %dma_start3A_334] : memref<32x125x2x80xi32, #tpu.memory_space<hbm>> -> memref<1x1x2x80xi32, #tpu.memory_space<hbm>>
        %dma_start3A_336 = tpu.memref_squeeze %dma_start3A_335 : memref<1x1x2x80xi32, #tpu.memory_space<hbm>> -> memref<2x80xi32, #tpu.memory_space<hbm>>
        tpu.enqueue_dma source(%dma_start3A_336 : memref<2x80xi32, #tpu.memory_space<hbm>>) target(%dma_start3A_332 : memref<2x80xi32, #tpu.memory_space<vmem>>) target_semaphore(%arg11 : memref<!tpu.dma_semaphore, #tpu.memory_space<semaphore_mem>>)
      } else {
      }
      %scan3A_316 = arith.constant 0 : i32
      scf.yield %scan3A_316 : i32
    }
    %scan3A_95 = arith.constant 125 : i32
    %rem3A_96 = arith.constant 122 : i32
    %rem3A_97 = arith.constant 8 : i32
    %rem3A_98 = arith.remsi %rem3A_96, %rem3A_97 : i32
    %rem3A_99 = arith.constant 122 : i32
    %rem3A_100 = arith.constant 4 : i32
    %rem3A_101 = arith.remsi %rem3A_99, %rem3A_100 : i32
    %dma_wait3A = arith.constant 0 : i32
    %dma_wait3A_102 = arith.constant 0 : i32
    %dma_wait3A_103 = arith.constant 0 : i32
    %dma_wait3A_104 = tpu.memref_slice %arg6[%rem3A_101, %dma_wait3A_102, %dma_wait3A_103] : memref<4x80x128xf32, #tpu.memory_space<vmem>> -> memref<1x80x128xf32, #tpu.memory_space<vmem>>
    %dma_wait3A_105 = tpu.memref_squeeze %dma_wait3A_104 : memref<1x80x128xf32, #tpu.memory_space<vmem>> -> memref<80x128xf32, #tpu.memory_space<vmem>>
    %dma_wait3A_106 = arith.constant 0 : i32
    %dma_wait3A_107 = tpu.memref_slice %arg5[%rem3A_98, %dma_wait3A, %dma_wait3A_106] : memref<8x2x80xi32, #tpu.memory_space<vmem>> -> memref<1x1x80xi32, #tpu.memory_space<vmem>>
    %dma_wait3A_108 = tpu.memref_squeeze %dma_wait3A_107 : memref<1x1x80xi32, #tpu.memory_space<vmem>> -> memref<80xi32, #tpu.memory_space<vmem>>
    %dma_wait3A_109 = arith.constant 0 : i32
    %dma_wait3A_110 = arith.constant 0 : i32
    %dma_wait3A_111 = tpu.memref_slice %arg2[%dma_wait3A_109, %dma_wait3A_110] : memref<10000x128xf32, #tpu.memory_space<hbm>> -> memref<10000x128xf32, #tpu.memory_space<hbm>>
    tpu.wait_indirect_dma semaphore(%arg12 : memref<!tpu.dma_semaphore, #tpu.memory_space<semaphore_mem>>) src(%dma_wait3A_111 : memref<10000x128xf32, #tpu.memory_space<hbm>>) dst(%dma_wait3A_105 : memref<80x128xf32, #tpu.memory_space<vmem>>)
    %rem3A_112 = arith.constant 122 : i32
    %rem3A_113 = arith.constant 4 : i32
    %rem3A_114 = arith.remsi %rem3A_112, %rem3A_113 : i32
    %rem3A_115 = arith.constant 122 : i32
    %rem3A_116 = arith.constant 8 : i32
    %rem3A_117 = arith.remsi %rem3A_115, %rem3A_116 : i32
    %dma_start3A_118 = arith.constant 1 : i32
    %dma_start3A_119 = arith.constant 0 : i32
    %dma_start3A_120 = arith.constant 0 : i32
    %dma_start3A_121 = tpu.memref_slice %arg6[%rem3A_114, %dma_start3A_119, %dma_start3A_120] : memref<4x80x128xf32, #tpu.memory_space<vmem>> -> memref<1x80x128xf32, #tpu.memory_space<vmem>>
    %dma_start3A_122 = tpu.memref_squeeze %dma_start3A_121 : memref<1x80x128xf32, #tpu.memory_space<vmem>> -> memref<80x128xf32, #tpu.memory_space<vmem>>
    %dma_start3A_123 = arith.constant 0 : i32
    %dma_start3A_124 = tpu.memref_slice %arg5[%rem3A_117, %dma_start3A_118, %dma_start3A_123] : memref<8x2x80xi32, #tpu.memory_space<vmem>> -> memref<1x1x80xi32, #tpu.memory_space<vmem>>
    %dma_start3A_125 = tpu.memref_squeeze %dma_start3A_124 : memref<1x1x80xi32, #tpu.memory_space<vmem>> -> memref<80xi32, #tpu.memory_space<vmem>>
    %dma_start3A_126 = arith.constant 0 : i32
    %dma_start3A_127 = arith.constant 0 : i32
    %dma_start3A_128 = tpu.memref_slice %arg9[%dma_start3A_126, %dma_start3A_127] : memref<10240x128xf32, #tpu.memory_space<vmem_shared>> -> memref<10240x128xf32, #tpu.memory_space<vmem_shared>>
    tpu.enqueue_indirect_dma source(%dma_start3A_122 : memref<80x128xf32, #tpu.memory_space<vmem>>) target(%dma_start3A_128 : memref<10240x128xf32, #tpu.memory_space<vmem_shared>>) offsets(%dma_start3A_125 : memref<80xi32, #tpu.memory_space<vmem>>) semaphore(%arg13 : memref<!tpu.dma_semaphore, #tpu.memory_space<semaphore_mem>>) {add = true}
    %rem3A_129 = arith.constant 123 : i32
    %rem3A_130 = arith.constant 8 : i32
    %rem3A_131 = arith.remsi %rem3A_129, %rem3A_130 : i32
    %rem3A_132 = arith.constant 123 : i32
    %rem3A_133 = arith.constant 4 : i32
    %rem3A_134 = arith.remsi %rem3A_132, %rem3A_133 : i32
    %dma_wait3A_135 = arith.constant 0 : i32
    %dma_wait3A_136 = arith.constant 0 : i32
    %dma_wait3A_137 = arith.constant 0 : i32
    %dma_wait3A_138 = tpu.memref_slice %arg6[%rem3A_134, %dma_wait3A_136, %dma_wait3A_137] : memref<4x80x128xf32, #tpu.memory_space<vmem>> -> memref<1x80x128xf32, #tpu.memory_space<vmem>>
    %dma_wait3A_139 = tpu.memref_squeeze %dma_wait3A_138 : memref<1x80x128xf32, #tpu.memory_space<vmem>> -> memref<80x128xf32, #tpu.memory_space<vmem>>
    %dma_wait3A_140 = arith.constant 0 : i32
    %dma_wait3A_141 = tpu.memref_slice %arg5[%rem3A_131, %dma_wait3A_135, %dma_wait3A_140] : memref<8x2x80xi32, #tpu.memory_space<vmem>> -> memref<1x1x80xi32, #tpu.memory_space<vmem>>
    %dma_wait3A_142 = tpu.memref_squeeze %dma_wait3A_141 : memref<1x1x80xi32, #tpu.memory_space<vmem>> -> memref<80xi32, #tpu.memory_space<vmem>>
    %dma_wait3A_143 = arith.constant 0 : i32
    %dma_wait3A_144 = arith.constant 0 : i32
    %dma_wait3A_145 = tpu.memref_slice %arg2[%dma_wait3A_143, %dma_wait3A_144] : memref<10000x128xf32, #tpu.memory_space<hbm>> -> memref<10000x128xf32, #tpu.memory_space<hbm>>
    tpu.wait_indirect_dma semaphore(%arg12 : memref<!tpu.dma_semaphore, #tpu.memory_space<semaphore_mem>>) src(%dma_wait3A_145 : memref<10000x128xf32, #tpu.memory_space<hbm>>) dst(%dma_wait3A_139 : memref<80x128xf32, #tpu.memory_space<vmem>>)
    %rem3A_146 = arith.constant 123 : i32
    %rem3A_147 = arith.constant 4 : i32
    %rem3A_148 = arith.remsi %rem3A_146, %rem3A_147 : i32
    %rem3A_149 = arith.constant 123 : i32
    %rem3A_150 = arith.constant 8 : i32
    %rem3A_151 = arith.remsi %rem3A_149, %rem3A_150 : i32
    %dma_start3A_152 = arith.constant 1 : i32
    %dma_start3A_153 = arith.constant 0 : i32
    %dma_start3A_154 = arith.constant 0 : i32
    %dma_start3A_155 = tpu.memref_slice %arg6[%rem3A_148, %dma_start3A_153, %dma_start3A_154] : memref<4x80x128xf32, #tpu.memory_space<vmem>> -> memref<1x80x128xf32, #tpu.memory_space<vmem>>
    %dma_start3A_156 = tpu.memref_squeeze %dma_start3A_155 : memref<1x80x128xf32, #tpu.memory_space<vmem>> -> memref<80x128xf32, #tpu.memory_space<vmem>>
    %dma_start3A_157 = arith.constant 0 : i32
    %dma_start3A_158 = tpu.memref_slice %arg5[%rem3A_151, %dma_start3A_152, %dma_start3A_157] : memref<8x2x80xi32, #tpu.memory_space<vmem>> -> memref<1x1x80xi32, #tpu.memory_space<vmem>>
    %dma_start3A_159 = tpu.memref_squeeze %dma_start3A_158 : memref<1x1x80xi32, #tpu.memory_space<vmem>> -> memref<80xi32, #tpu.memory_space<vmem>>
    %dma_start3A_160 = arith.constant 0 : i32
    %dma_start3A_161 = arith.constant 0 : i32
    %dma_start3A_162 = tpu.memref_slice %arg9[%dma_start3A_160, %dma_start3A_161] : memref<10240x128xf32, #tpu.memory_space<vmem_shared>> -> memref<10240x128xf32, #tpu.memory_space<vmem_shared>>
    tpu.enqueue_indirect_dma source(%dma_start3A_156 : memref<80x128xf32, #tpu.memory_space<vmem>>) target(%dma_start3A_162 : memref<10240x128xf32, #tpu.memory_space<vmem_shared>>) offsets(%dma_start3A_159 : memref<80xi32, #tpu.memory_space<vmem>>) semaphore(%arg13 : memref<!tpu.dma_semaphore, #tpu.memory_space<semaphore_mem>>) {add = true}
    %rem3A_163 = arith.constant 124 : i32
    %rem3A_164 = arith.constant 8 : i32
    %rem3A_165 = arith.remsi %rem3A_163, %rem3A_164 : i32
    %rem3A_166 = arith.constant 124 : i32
    %rem3A_167 = arith.constant 4 : i32
    %rem3A_168 = arith.remsi %rem3A_166, %rem3A_167 : i32
    %dma_wait3A_169 = arith.constant 0 : i32
    %dma_wait3A_170 = arith.constant 0 : i32
    %dma_wait3A_171 = arith.constant 0 : i32
    %dma_wait3A_172 = tpu.memref_slice %arg6[%rem3A_168, %dma_wait3A_170, %dma_wait3A_171] : memref<4x80x128xf32, #tpu.memory_space<vmem>> -> memref<1x80x128xf32, #tpu.memory_space<vmem>>
    %dma_wait3A_173 = tpu.memref_squeeze %dma_wait3A_172 : memref<1x80x128xf32, #tpu.memory_space<vmem>> -> memref<80x128xf32, #tpu.memory_space<vmem>>
    %dma_wait3A_174 = arith.constant 0 : i32
    %dma_wait3A_175 = tpu.memref_slice %arg5[%rem3A_165, %dma_wait3A_169, %dma_wait3A_174] : memref<8x2x80xi32, #tpu.memory_space<vmem>> -> memref<1x1x80xi32, #tpu.memory_space<vmem>>
    %dma_wait3A_176 = tpu.memref_squeeze %dma_wait3A_175 : memref<1x1x80xi32, #tpu.memory_space<vmem>> -> memref<80xi32, #tpu.memory_space<vmem>>
    %dma_wait3A_177 = arith.constant 0 : i32
    %dma_wait3A_178 = arith.constant 0 : i32
    %dma_wait3A_179 = tpu.memref_slice %arg2[%dma_wait3A_177, %dma_wait3A_178] : memref<10000x128xf32, #tpu.memory_space<hbm>> -> memref<10000x128xf32, #tpu.memory_space<hbm>>
    tpu.wait_indirect_dma semaphore(%arg12 : memref<!tpu.dma_semaphore, #tpu.memory_space<semaphore_mem>>) src(%dma_wait3A_179 : memref<10000x128xf32, #tpu.memory_space<hbm>>) dst(%dma_wait3A_173 : memref<80x128xf32, #tpu.memory_space<vmem>>)
    %rem3A_180 = arith.constant 124 : i32
    %rem3A_181 = arith.constant 4 : i32
    %rem3A_182 = arith.remsi %rem3A_180, %rem3A_181 : i32
    %rem3A_183 = arith.constant 124 : i32
    %rem3A_184 = arith.constant 8 : i32
    %rem3A_185 = arith.remsi %rem3A_183, %rem3A_184 : i32
    %dma_start3A_186 = arith.constant 1 : i32
    %dma_start3A_187 = arith.constant 0 : i32
    %dma_start3A_188 = arith.constant 0 : i32
    %dma_start3A_189 = tpu.memref_slice %arg6[%rem3A_182, %dma_start3A_187, %dma_start3A_188] : memref<4x80x128xf32, #tpu.memory_space<vmem>> -> memref<1x80x128xf32, #tpu.memory_space<vmem>>
    %dma_start3A_190 = tpu.memref_squeeze %dma_start3A_189 : memref<1x80x128xf32, #tpu.memory_space<vmem>> -> memref<80x128xf32, #tpu.memory_space<vmem>>
    %dma_start3A_191 = arith.constant 0 : i32
    %dma_start3A_192 = tpu.memref_slice %arg5[%rem3A_185, %dma_start3A_186, %dma_start3A_191] : memref<8x2x80xi32, #tpu.memory_space<vmem>> -> memref<1x1x80xi32, #tpu.memory_space<vmem>>
    %dma_start3A_193 = tpu.memref_squeeze %dma_start3A_192 : memref<1x1x80xi32, #tpu.memory_space<vmem>> -> memref<80xi32, #tpu.memory_space<vmem>>
    %dma_start3A_194 = arith.constant 0 : i32
    %dma_start3A_195 = arith.constant 0 : i32
    %dma_start3A_196 = tpu.memref_slice %arg9[%dma_start3A_194, %dma_start3A_195] : memref<10240x128xf32, #tpu.memory_space<vmem_shared>> -> memref<10240x128xf32, #tpu.memory_space<vmem_shared>>
    tpu.enqueue_indirect_dma source(%dma_start3A_190 : memref<80x128xf32, #tpu.memory_space<vmem>>) target(%dma_start3A_196 : memref<10240x128xf32, #tpu.memory_space<vmem_shared>>) offsets(%dma_start3A_193 : memref<80xi32, #tpu.memory_space<vmem>>) semaphore(%arg13 : memref<!tpu.dma_semaphore, #tpu.memory_space<semaphore_mem>>) {add = true}
    %rem3A_197 = arith.constant 121 : i32
    %rem3A_198 = arith.constant 4 : i32
    %rem3A_199 = arith.remsi %rem3A_197, %rem3A_198 : i32
    %rem3A_200 = arith.constant 121 : i32
    %rem3A_201 = arith.constant 8 : i32
    %rem3A_202 = arith.remsi %rem3A_200, %rem3A_201 : i32
    %dma_wait3A_203 = arith.constant 1 : i32
    %dma_wait3A_204 = arith.constant 0 : i32
    %dma_wait3A_205 = arith.constant 0 : i32
    %dma_wait3A_206 = tpu.memref_slice %arg6[%rem3A_199, %dma_wait3A_204, %dma_wait3A_205] : memref<4x80x128xf32, #tpu.memory_space<vmem>> -> memref<1x80x128xf32, #tpu.memory_space<vmem>>
    %dma_wait3A_207 = tpu.memref_squeeze %dma_wait3A_206 : memref<1x80x128xf32, #tpu.memory_space<vmem>> -> memref<80x128xf32, #tpu.memory_space<vmem>>
    %dma_wait3A_208 = arith.constant 0 : i32
    %dma_wait3A_209 = tpu.memref_slice %arg5[%rem3A_202, %dma_wait3A_203, %dma_wait3A_208] : memref<8x2x80xi32, #tpu.memory_space<vmem>> -> memref<1x1x80xi32, #tpu.memory_space<vmem>>
    %dma_wait3A_210 = tpu.memref_squeeze %dma_wait3A_209 : memref<1x1x80xi32, #tpu.memory_space<vmem>> -> memref<80xi32, #tpu.memory_space<vmem>>
    %dma_wait3A_211 = arith.constant 0 : i32
    %dma_wait3A_212 = arith.constant 0 : i32
    %dma_wait3A_213 = tpu.memref_slice %arg9[%dma_wait3A_211, %dma_wait3A_212] : memref<10240x128xf32, #tpu.memory_space<vmem_shared>> -> memref<10240x128xf32, #tpu.memory_space<vmem_shared>>
    tpu.wait_indirect_dma semaphore(%arg13 : memref<!tpu.dma_semaphore, #tpu.memory_space<semaphore_mem>>) src(%dma_wait3A_207 : memref<80x128xf32, #tpu.memory_space<vmem>>) dst(%dma_wait3A_213 : memref<10240x128xf32, #tpu.memory_space<vmem_shared>>)
    %rem3A_214 = arith.constant 122 : i32
    %rem3A_215 = arith.constant 4 : i32
    %rem3A_216 = arith.remsi %rem3A_214, %rem3A_215 : i32
    %rem3A_217 = arith.constant 122 : i32
    %rem3A_218 = arith.constant 8 : i32
    %rem3A_219 = arith.remsi %rem3A_217, %rem3A_218 : i32
    %dma_wait3A_220 = arith.constant 1 : i32
    %dma_wait3A_221 = arith.constant 0 : i32
    %dma_wait3A_222 = arith.constant 0 : i32
    %dma_wait3A_223 = tpu.memref_slice %arg6[%rem3A_216, %dma_wait3A_221, %dma_wait3A_222] : memref<4x80x128xf32, #tpu.memory_space<vmem>> -> memref<1x80x128xf32, #tpu.memory_space<vmem>>
    %dma_wait3A_224 = tpu.memref_squeeze %dma_wait3A_223 : memref<1x80x128xf32, #tpu.memory_space<vmem>> -> memref<80x128xf32, #tpu.memory_space<vmem>>
    %dma_wait3A_225 = arith.constant 0 : i32
    %dma_wait3A_226 = tpu.memref_slice %arg5[%rem3A_219, %dma_wait3A_220, %dma_wait3A_225] : memref<8x2x80xi32, #tpu.memory_space<vmem>> -> memref<1x1x80xi32, #tpu.memory_space<vmem>>
    %dma_wait3A_227 = tpu.memref_squeeze %dma_wait3A_226 : memref<1x1x80xi32, #tpu.memory_space<vmem>> -> memref<80xi32, #tpu.memory_space<vmem>>
    %dma_wait3A_228 = arith.constant 0 : i32
    %dma_wait3A_229 = arith.constant 0 : i32
    %dma_wait3A_230 = tpu.memref_slice %arg9[%dma_wait3A_228, %dma_wait3A_229] : memref<10240x128xf32, #tpu.memory_space<vmem_shared>> -> memref<10240x128xf32, #tpu.memory_space<vmem_shared>>
    tpu.wait_indirect_dma semaphore(%arg13 : memref<!tpu.dma_semaphore, #tpu.memory_space<semaphore_mem>>) src(%dma_wait3A_224 : memref<80x128xf32, #tpu.memory_space<vmem>>) dst(%dma_wait3A_230 : memref<10240x128xf32, #tpu.memory_space<vmem_shared>>)
    %rem3A_231 = arith.constant 123 : i32
    %rem3A_232 = arith.constant 4 : i32
    %rem3A_233 = arith.remsi %rem3A_231, %rem3A_232 : i32
    %rem3A_234 = arith.constant 123 : i32
    %rem3A_235 = arith.constant 8 : i32
    %rem3A_236 = arith.remsi %rem3A_234, %rem3A_235 : i32
    %dma_wait3A_237 = arith.constant 1 : i32
    %dma_wait3A_238 = arith.constant 0 : i32
    %dma_wait3A_239 = arith.constant 0 : i32
    %dma_wait3A_240 = tpu.memref_slice %arg6[%rem3A_233, %dma_wait3A_238, %dma_wait3A_239] : memref<4x80x128xf32, #tpu.memory_space<vmem>> -> memref<1x80x128xf32, #tpu.memory_space<vmem>>
    %dma_wait3A_241 = tpu.memref_squeeze %dma_wait3A_240 : memref<1x80x128xf32, #tpu.memory_space<vmem>> -> memref<80x128xf32, #tpu.memory_space<vmem>>
    %dma_wait3A_242 = arith.constant 0 : i32
    %dma_wait3A_243 = tpu.memref_slice %arg5[%rem3A_236, %dma_wait3A_237, %dma_wait3A_242] : memref<8x2x80xi32, #tpu.memory_space<vmem>> -> memref<1x1x80xi32, #tpu.memory_space<vmem>>
    %dma_wait3A_244 = tpu.memref_squeeze %dma_wait3A_243 : memref<1x1x80xi32, #tpu.memory_space<vmem>> -> memref<80xi32, #tpu.memory_space<vmem>>
    %dma_wait3A_245 = arith.constant 0 : i32
    %dma_wait3A_246 = arith.constant 0 : i32
    %dma_wait3A_247 = tpu.memref_slice %arg9[%dma_wait3A_245, %dma_wait3A_246] : memref<10240x128xf32, #tpu.memory_space<vmem_shared>> -> memref<10240x128xf32, #tpu.memory_space<vmem_shared>>
    tpu.wait_indirect_dma semaphore(%arg13 : memref<!tpu.dma_semaphore, #tpu.memory_space<semaphore_mem>>) src(%dma_wait3A_241 : memref<80x128xf32, #tpu.memory_space<vmem>>) dst(%dma_wait3A_247 : memref<10240x128xf32, #tpu.memory_space<vmem_shared>>)
    %rem3A_248 = arith.constant 124 : i32
    %rem3A_249 = arith.constant 4 : i32
    %rem3A_250 = arith.remsi %rem3A_248, %rem3A_249 : i32
    %rem3A_251 = arith.constant 124 : i32
    %rem3A_252 = arith.constant 8 : i32
    %rem3A_253 = arith.remsi %rem3A_251, %rem3A_252 : i32
    %dma_wait3A_254 = arith.constant 1 : i32
    %dma_wait3A_255 = arith.constant 0 : i32
    %dma_wait3A_256 = arith.constant 0 : i32
    %dma_wait3A_257 = tpu.memref_slice %arg6[%rem3A_250, %dma_wait3A_255, %dma_wait3A_256] : memref<4x80x128xf32, #tpu.memory_space<vmem>> -> memref<1x80x128xf32, #tpu.memory_space<vmem>>
    %dma_wait3A_258 = tpu.memref_squeeze %dma_wait3A_257 : memref<1x80x128xf32, #tpu.memory_space<vmem>> -> memref<80x128xf32, #tpu.memory_space<vmem>>
    %dma_wait3A_259 = arith.constant 0 : i32
    %dma_wait3A_260 = tpu.memref_slice %arg5[%rem3A_253, %dma_wait3A_254, %dma_wait3A_259] : memref<8x2x80xi32, #tpu.memory_space<vmem>> -> memref<1x1x80xi32, #tpu.memory_space<vmem>>
    %dma_wait3A_261 = tpu.memref_squeeze %dma_wait3A_260 : memref<1x1x80xi32, #tpu.memory_space<vmem>> -> memref<80xi32, #tpu.memory_space<vmem>>
    %dma_wait3A_262 = arith.constant 0 : i32
    %dma_wait3A_263 = arith.constant 0 : i32
    %dma_wait3A_264 = tpu.memref_slice %arg9[%dma_wait3A_262, %dma_wait3A_263] : memref<10240x128xf32, #tpu.memory_space<vmem_shared>> -> memref<10240x128xf32, #tpu.memory_space<vmem_shared>>
    tpu.wait_indirect_dma semaphore(%arg13 : memref<!tpu.dma_semaphore, #tpu.memory_space<semaphore_mem>>) src(%dma_wait3A_258 : memref<80x128xf32, #tpu.memory_space<vmem>>) dst(%dma_wait3A_264 : memref<10240x128xf32, #tpu.memory_space<vmem_shared>>)
    %barrier3A_265 = arith.constant 0 : index
    tpu.barrier barrier_id(%barrier3A_265)
    %mul3A_266 = arith.constant 640 : i32
    %mul3A_267 = arith.muli %arg1, %mul3A_266 : i32
    "tpu.region"() ({
      %run_scoped3A = tpu.sem_alloc : memref<!tpu.dma_semaphore, #tpu.memory_space<semaphore_mem>>
      %dma_start3A_268 = arith.constant 0 : i32
      %dma_start3A_269 = tpu.memref_slice %arg4[%arg0, %mul3A_267, %dma_start3A_268] : memref<2x10240x128xf32, #tpu.memory_space<hbm>> -> memref<1x640x128xf32, #tpu.memory_space<hbm>>
      %dma_start3A_270 = tpu.memref_squeeze %dma_start3A_269 : memref<1x640x128xf32, #tpu.memory_space<hbm>> -> memref<640x128xf32, #tpu.memory_space<hbm>>
      %dma_start3A_271 = arith.constant 0 : i32
      %dma_start3A_272 = tpu.memref_slice %arg9[%mul3A_267, %dma_start3A_271] : memref<10240x128xf32, #tpu.memory_space<vmem_shared>> -> memref<640x128xf32, #tpu.memory_space<vmem_shared>>
      tpu.enqueue_dma source(%dma_start3A_272 : memref<640x128xf32, #tpu.memory_space<vmem_shared>>) target(%dma_start3A_270 : memref<640x128xf32, #tpu.memory_space<hbm>>) target_semaphore(%run_scoped3A : memref<!tpu.dma_semaphore, #tpu.memory_space<semaphore_mem>>)
      %dma_wait3A_273 = arith.constant 0 : i32
      %dma_wait3A_274 = tpu.memref_slice %arg4[%arg0, %mul3A_267, %dma_wait3A_273] : memref<2x10240x128xf32, #tpu.memory_space<hbm>> -> memref<1x640x128xf32, #tpu.memory_space<hbm>>
      %dma_wait3A_275 = tpu.memref_squeeze %dma_wait3A_274 : memref<1x640x128xf32, #tpu.memory_space<hbm>> -> memref<640x128xf32, #tpu.memory_space<hbm>>
      %dma_wait3A_276 = arith.constant 0 : i32
      %dma_wait3A_277 = tpu.memref_slice %arg9[%mul3A_267, %dma_wait3A_276] : memref<10240x128xf32, #tpu.memory_space<vmem_shared>> -> memref<640x128xf32, #tpu.memory_space<vmem_shared>>
      tpu.wait_dma2 semaphore(%run_scoped3A : memref<!tpu.dma_semaphore, #tpu.memory_space<semaphore_mem>>) src(%dma_wait3A_277 : memref<640x128xf32, #tpu.memory_space<vmem_shared>>) dst(%dma_wait3A_275 : memref<640x128xf32, #tpu.memory_space<hbm>>)
      tpu.yield
    }) : () -> ()
    return
  }
}

module attributes {stable_mosaic.version = 14 : i64} {
  func.func @body(%arg0: i32, %arg1: memref<2x2000x128xf32, #tpu.memory_space<vmem>>, %arg2: memref<2000x128xf32, #tpu.memory_space<vmem>>, %arg3: memref<2x2000x1xf32, #tpu.memory_space<vmem>>, %arg4: memref<128x512xf32, #tpu.memory_space<vmem>>, %arg5: memref<128x512xf32, #tpu.memory_space<vmem>>, %arg6: memref<128x128xf32, #tpu.memory_space<vmem>>, %arg7: memref<1x128xf32, #tpu.memory_space<vmem>>, %arg8: memref<2000x128xf32, #tpu.memory_space<vmem>>) attributes {dimension_semantics = [#tpu.dimension_semantics<arbitrary>], iteration_bounds = array<i64: 5>, scalar_prefetch = 0 : i64, scratch_operands = 0 : i64, tpu.core_type = #tpu.core_type<tc>, window_params = [{transform_indices = @transform_0, window_bounds = array<i64: 2, 2000, 128>}, {transform_indices = @transform_1, window_bounds = array<i64: 2000, 128>}, {transform_indices = @transform_2, window_bounds = array<i64: 2, 2000, 1>}, {pipeline_mode = #tpu.pipeline_mode<synchronous>, transform_indices = @transform_3, window_bounds = array<i64: 128, 512>}, {pipeline_mode = #tpu.pipeline_mode<synchronous>, transform_indices = @transform_4, window_bounds = array<i64: 128, 512>}, {pipeline_mode = #tpu.pipeline_mode<synchronous>, transform_indices = @transform_5, window_bounds = array<i64: 128, 128>}, {pipeline_mode = #tpu.pipeline_mode<synchronous>, transform_indices = @transform_6, window_bounds = array<i64: 1, 128>}, {transform_indices = @transform_7, window_bounds = array<i64: 2000, 128>}]} {
    %get3A = arith.constant 0 : index
    %get3A_0 = arith.constant 0 : index
    %get3A_1 = arith.constant 0 : index
    %get3A_2 = vector.load %arg1[%get3A, %get3A_0, %get3A_1] : memref<2x2000x128xf32, #tpu.memory_space<vmem>>, vector<1x2000x128xf32>
    %get3A_3 = vector.shape_cast %get3A_2 : vector<1x2000x128xf32> to vector<2000x128xf32>
    %get3A_4 = arith.constant 1 : index
    %get3A_5 = arith.constant 0 : index
    %get3A_6 = arith.constant 0 : index
    %get3A_7 = vector.load %arg1[%get3A_4, %get3A_5, %get3A_6] : memref<2x2000x128xf32, #tpu.memory_space<vmem>>, vector<1x2000x128xf32>
    %get3A_8 = vector.shape_cast %get3A_7 : vector<1x2000x128xf32> to vector<2000x128xf32>
    %add3A = arith.addf %get3A_3, %get3A_8 : vector<2000x128xf32>
    %get3A_9 = arith.constant 0 : index
    %get3A_10 = arith.constant 0 : index
    %get3A_11 = vector.load %arg2[%get3A_9, %get3A_10] : memref<2000x128xf32, #tpu.memory_space<vmem>>, vector<2000x128xf32>
    %get3A_12 = arith.constant 0 : index
    %get3A_13 = arith.constant 0 : index
    %get3A_14 = arith.constant 0 : index
    %get3A_15 = vector.load %arg3[%get3A_12, %get3A_13, %get3A_14] : memref<2x2000x1xf32, #tpu.memory_space<vmem>>, vector<1x2000x1xf32>
    %get3A_16 = vector.shape_cast %get3A_15 : vector<1x2000x1xf32> to vector<2000x1xf32>
    %get3A_17 = arith.constant 1 : index
    %get3A_18 = arith.constant 0 : index
    %get3A_19 = arith.constant 0 : index
    %get3A_20 = vector.load %arg3[%get3A_17, %get3A_18, %get3A_19] : memref<2x2000x1xf32, #tpu.memory_space<vmem>>, vector<1x2000x1xf32>
    %get3A_21 = vector.shape_cast %get3A_20 : vector<1x2000x1xf32> to vector<2000x1xf32>
    %add3A_22 = arith.addf %get3A_16, %get3A_21 : vector<2000x1xf32>
    %gt3A = arith.constant 0.000000e+00 : f32
    %gt3A_23 = vector.broadcast %gt3A : f32 to vector<2000x1xf32>
    %gt3A_24 = arith.cmpf ogt, %add3A_22, %gt3A_23 : vector<2000x1xf32>
    %max3A = arith.constant 1.000000e+00 : f32
    %max3A_25 = vector.broadcast %max3A : f32 to vector<2000x1xf32>
    %max3A_26 = arith.maximumf %add3A_22, %max3A_25 : vector<2000x1xf32>
    %div3A = vector.broadcast %max3A_26 : vector<2000x1xf32> to vector<2000x128xf32>
    %div3A_27 = arith.divf %add3A, %div3A : vector<2000x128xf32>
    %broadcast_in_dim3A = vector.shape_cast %gt3A_24 : vector<2000x1xi1> to vector<2000x1xi1>
    %broadcast_in_dim3A_28 = vector.broadcast %broadcast_in_dim3A : vector<2000x1xi1> to vector<2000x128xi1>
    %select_n3A = arith.select %broadcast_in_dim3A_28, %div3A_27, %get3A_11 : vector<2000x128xi1>, vector<2000x128xf32>
    %get3A_29 = arith.constant 0 : index
    %get3A_30 = arith.constant 0 : index
    %get3A_31 = vector.load %arg4[%get3A_29, %get3A_30] : memref<128x512xf32, #tpu.memory_space<vmem>>, vector<128x512xf32>
    %dot_general3A = arith.constant dense<0.000000e+00> : vector<2000x512xf32>
    %dot_general3A_32 = tpu.matmul %select_n3A, %get3A_31, %dot_general3A {dimension_numbers = #tpu.dot_dimension_numbers<[1], [0], [0], [1], [0, 0, 1, 1], [], []>, transpose_lhs_hint = false} : vector<2000x128xf32>, vector<128x512xf32>, vector<2000x512xf32> -> vector<2000x512xf32>
    %get3A_33 = arith.constant 0 : index
    %get3A_34 = arith.constant 0 : index
    %get3A_35 = vector.load %arg5[%get3A_33, %get3A_34] : memref<128x512xf32, #tpu.memory_space<vmem>>, vector<128x512xf32>
    %dot_general3A_36 = arith.constant dense<0.000000e+00> : vector<2000x128xf32>
    %dot_general3A_37 = tpu.matmul %dot_general3A_32, %get3A_35, %dot_general3A_36 {dimension_numbers = #tpu.dot_dimension_numbers<[1], [1], [0], [0], [0, 0, 1, 0], [], []>, transpose_lhs_hint = false} : vector<2000x512xf32>, vector<128x512xf32>, vector<2000x128xf32> -> vector<2000x128xf32>
    %get3A_38 = arith.constant 0 : index
    %get3A_39 = arith.constant 0 : index
    %get3A_40 = vector.load %arg6[%get3A_38, %get3A_39] : memref<128x128xf32, #tpu.memory_space<vmem>>, vector<128x128xf32>
    %dot_general3A_41 = arith.constant dense<0.000000e+00> : vector<2000x128xf32>
    %dot_general3A_42 = tpu.matmul %get3A_11, %get3A_40, %dot_general3A_41 {dimension_numbers = #tpu.dot_dimension_numbers<[1], [1], [0], [0], [0, 0, 1, 0], [], []>, transpose_lhs_hint = false} : vector<2000x128xf32>, vector<128x128xf32>, vector<2000x128xf32> -> vector<2000x128xf32>
    %add3A_43 = arith.addf %dot_general3A_37, %dot_general3A_42 : vector<2000x128xf32>
    %get3A_44 = arith.constant 0 : index
    %get3A_45 = arith.constant 0 : index
    %get3A_46 = vector.load %arg7[%get3A_44, %get3A_45] : memref<1x128xf32, #tpu.memory_space<vmem>>, vector<1x128xf32>
    %add3A_47 = vector.broadcast %get3A_46 : vector<1x128xf32> to vector<2000x128xf32>
    %add3A_48 = arith.addf %add3A_43, %add3A_47 : vector<2000x128xf32>
    %gt3A_49 = arith.constant 0.000000e+00 : f32
    %gt3A_50 = vector.broadcast %gt3A_49 : f32 to vector<2000x128xf32>
    %gt3A_51 = arith.cmpf ogt, %add3A_48, %gt3A_50 : vector<2000x128xf32>
    %exp3A = math.exp %add3A_48 : vector<2000x128xf32>
    %sub3A = arith.constant 1.000000e+00 : f32
    %sub3A_52 = vector.broadcast %sub3A : f32 to vector<2000x128xf32>
    %sub3A_53 = arith.subf %exp3A, %sub3A_52 : vector<2000x128xf32>
    %select_n3A_54 = arith.select %gt3A_51, %add3A_48, %sub3A_53 : vector<2000x128xi1>, vector<2000x128xf32>
    %swap3A = arith.constant 0 : index
    %swap3A_55 = arith.constant 0 : index
    %swap3A_56 = vector.load %arg8[%swap3A, %swap3A_55] : memref<2000x128xf32, #tpu.memory_space<vmem>>, vector<2000x128xf32>
    tpu.vector_store %arg8[%swap3A, %swap3A_55], %select_n3A_54 {strides = array<i32>} : memref<2000x128xf32, #tpu.memory_space<vmem>>, vector<2000x128xf32>,
    return
  }
  func.func @transform_0(%arg0: i32) -> (i32, i32, i32) {
    %c0_i32 = arith.constant 0 : i32
    %c0_i32_0 = arith.constant 0 : i32
    %c0_i32_1 = arith.constant 0 : i32
    return %c0_i32, %arg0, %c0_i32_0 : i32, i32, i32
  }
  func.func @transform_1(%arg0: i32) -> (i32, i32) {
    %c0_i32 = arith.constant 0 : i32
    %c0_i32_0 = arith.constant 0 : i32
    return %arg0, %c0_i32 : i32, i32
  }
  func.func @transform_2(%arg0: i32) -> (i32, i32, i32) {
    %c0_i32 = arith.constant 0 : i32
    %c0_i32_0 = arith.constant 0 : i32
    %c0_i32_1 = arith.constant 0 : i32
    return %c0_i32, %arg0, %c0_i32_0 : i32, i32, i32
  }
  func.func @transform_3(%arg0: i32) -> (i32, i32) {
    %c0_i32 = arith.constant 0 : i32
    %c0_i32_0 = arith.constant 0 : i32
    %c0_i32_1 = arith.constant 0 : i32
    return %c0_i32, %c0_i32_0 : i32, i32
  }
  func.func @transform_4(%arg0: i32) -> (i32, i32) {
    %c0_i32 = arith.constant 0 : i32
    %c0_i32_0 = arith.constant 0 : i32
    %c0_i32_1 = arith.constant 0 : i32
    return %c0_i32, %c0_i32_0 : i32, i32
  }
  func.func @transform_5(%arg0: i32) -> (i32, i32) {
    %c0_i32 = arith.constant 0 : i32
    %c0_i32_0 = arith.constant 0 : i32
    %c0_i32_1 = arith.constant 0 : i32
    return %c0_i32, %c0_i32_0 : i32, i32
  }
  func.func @transform_6(%arg0: i32) -> (i32, i32) {
    %c0_i32 = arith.constant 0 : i32
    %c0_i32_0 = arith.constant 0 : i32
    %c0_i32_1 = arith.constant 0 : i32
    return %c0_i32, %c0_i32_0 : i32, i32
  }
  func.func @transform_7(%arg0: i32) -> (i32, i32) {
    %c0_i32 = arith.constant 0 : i32
    %c0_i32_0 = arith.constant 0 : i32
    return %arg0, %c0_i32 : i32, i32
  }
}

module attributes {stable_mosaic.version = 14 : i64} {
  func.func @body(%arg0: i32, %arg1: memref<2x2000x128xf32, #tpu.memory_space<vmem>>, %arg2: memref<2000x128xf32, #tpu.memory_space<vmem>>, %arg3: memref<2x2000x1xf32, #tpu.memory_space<vmem>>, %arg4: memref<128x512xf32, #tpu.memory_space<vmem>>, %arg5: memref<128x512xf32, #tpu.memory_space<vmem>>, %arg6: memref<128x128xf32, #tpu.memory_space<vmem>>, %arg7: memref<1x128xf32, #tpu.memory_space<vmem>>, %arg8: memref<1x1x2000xi32, #tpu.memory_space<vmem>>, %arg9: memref<16x128xf32, #tpu.memory_space<vmem>>, %arg10: memref<1x16xf32, #tpu.memory_space<vmem>>, %arg11: memref<64x16xf32, #tpu.memory_space<vmem>>, %arg12: memref<64x128xf32, #tpu.memory_space<vmem>>, %arg13: memref<64x1xf32, #tpu.memory_space<vmem>>) attributes {dimension_semantics = [#tpu.dimension_semantics<arbitrary>], iteration_bounds = array<i64: 5>, scalar_prefetch = 0 : i64, scratch_operands = 2 : i64, tpu.core_type = #tpu.core_type<tc>, window_params = [{transform_indices = @transform_0, window_bounds = array<i64: 2, 2000, 128>}, {transform_indices = @transform_1, window_bounds = array<i64: 2000, 128>}, {transform_indices = @transform_2, window_bounds = array<i64: 2, 2000, 1>}, {pipeline_mode = #tpu.pipeline_mode<synchronous>, transform_indices = @transform_3, window_bounds = array<i64: 128, 512>}, {pipeline_mode = #tpu.pipeline_mode<synchronous>, transform_indices = @transform_4, window_bounds = array<i64: 128, 512>}, {pipeline_mode = #tpu.pipeline_mode<synchronous>, transform_indices = @transform_5, window_bounds = array<i64: 128, 128>}, {pipeline_mode = #tpu.pipeline_mode<synchronous>, transform_indices = @transform_6, window_bounds = array<i64: 1, 128>}, {transform_indices = @transform_7, window_bounds = array<i64: 1, 1, 2000>}, {pipeline_mode = #tpu.pipeline_mode<synchronous>, transform_indices = @transform_8, window_bounds = array<i64: 16, 128>}, {pipeline_mode = #tpu.pipeline_mode<synchronous>, transform_indices = @transform_9, window_bounds = array<i64: 1, 16>}, {pipeline_mode = #tpu.pipeline_mode<synchronous>, transform_indices = @transform_10, window_bounds = array<i64: 64, 16>}]} {
    %eq3A = arith.constant 0 : i32
    %eq3A_0 = arith.cmpi eq, %arg0, %eq3A : i32
    %convert_element_type3A = arith.extui %eq3A_0 : i1 to i32
    %cond3A = arith.constant 0 : i32
    %cond3A_1 = arith.cmpi ne, %convert_element_type3A, %cond3A : i32
    scf.if %cond3A_1 {
      %broadcast_in_dim3A_88 = arith.constant 0.000000e+00 : f32
      %broadcast_in_dim3A_89 = vector.broadcast %broadcast_in_dim3A_88 : f32 to vector<64x128xf32>
      %swap3A_90 = arith.constant 0 : index
      %swap3A_91 = arith.constant 0 : index
      %swap3A_92 = vector.load %arg12[%swap3A_90, %swap3A_91] : memref<64x128xf32, #tpu.memory_space<vmem>>, vector<64x128xf32>
      tpu.vector_store %arg12[%swap3A_90, %swap3A_91], %broadcast_in_dim3A_89 {strides = array<i32>} : memref<64x128xf32, #tpu.memory_space<vmem>>, vector<64x128xf32>,
      %broadcast_in_dim3A_93 = arith.constant 0.000000e+00 : f32
      %broadcast_in_dim3A_94 = vector.broadcast %broadcast_in_dim3A_93 : f32 to vector<64x1xf32>
      %swap3A_95 = arith.constant 0 : index
      %swap3A_96 = arith.constant 0 : index
      %swap3A_97 = vector.load %arg13[%swap3A_95, %swap3A_96] : memref<64x1xf32, #tpu.memory_space<vmem>>, vector<64x1xf32>
      tpu.vector_store %arg13[%swap3A_95, %swap3A_96], %broadcast_in_dim3A_94 {strides = array<i32>} : memref<64x1xf32, #tpu.memory_space<vmem>>, vector<64x1xf32>,
    } else {
    }
    %get3A = arith.constant 0 : index
    %get3A_2 = arith.constant 0 : index
    %get3A_3 = arith.constant 0 : index
    %get3A_4 = vector.load %arg1[%get3A, %get3A_2, %get3A_3] : memref<2x2000x128xf32, #tpu.memory_space<vmem>>, vector<1x2000x128xf32>
    %get3A_5 = vector.shape_cast %get3A_4 : vector<1x2000x128xf32> to vector<2000x128xf32>
    %get3A_6 = arith.constant 1 : index
    %get3A_7 = arith.constant 0 : index
    %get3A_8 = arith.constant 0 : index
    %get3A_9 = vector.load %arg1[%get3A_6, %get3A_7, %get3A_8] : memref<2x2000x128xf32, #tpu.memory_space<vmem>>, vector<1x2000x128xf32>
    %get3A_10 = vector.shape_cast %get3A_9 : vector<1x2000x128xf32> to vector<2000x128xf32>
    %add3A = arith.addf %get3A_5, %get3A_10 : vector<2000x128xf32>
    %get3A_11 = arith.constant 0 : index
    %get3A_12 = arith.constant 0 : index
    %get3A_13 = vector.load %arg2[%get3A_11, %get3A_12] : memref<2000x128xf32, #tpu.memory_space<vmem>>, vector<2000x128xf32>
    %get3A_14 = arith.constant 0 : index
    %get3A_15 = arith.constant 0 : index
    %get3A_16 = arith.constant 0 : index
    %get3A_17 = vector.load %arg3[%get3A_14, %get3A_15, %get3A_16] : memref<2x2000x1xf32, #tpu.memory_space<vmem>>, vector<1x2000x1xf32>
    %get3A_18 = vector.shape_cast %get3A_17 : vector<1x2000x1xf32> to vector<2000x1xf32>
    %get3A_19 = arith.constant 1 : index
    %get3A_20 = arith.constant 0 : index
    %get3A_21 = arith.constant 0 : index
    %get3A_22 = vector.load %arg3[%get3A_19, %get3A_20, %get3A_21] : memref<2x2000x1xf32, #tpu.memory_space<vmem>>, vector<1x2000x1xf32>
    %get3A_23 = vector.shape_cast %get3A_22 : vector<1x2000x1xf32> to vector<2000x1xf32>
    %add3A_24 = arith.addf %get3A_18, %get3A_23 : vector<2000x1xf32>
    %gt3A = arith.constant 0.000000e+00 : f32
    %gt3A_25 = vector.broadcast %gt3A : f32 to vector<2000x1xf32>
    %gt3A_26 = arith.cmpf ogt, %add3A_24, %gt3A_25 : vector<2000x1xf32>
    %max3A = arith.constant 1.000000e+00 : f32
    %max3A_27 = vector.broadcast %max3A : f32 to vector<2000x1xf32>
    %max3A_28 = arith.maximumf %add3A_24, %max3A_27 : vector<2000x1xf32>
    %div3A = vector.broadcast %max3A_28 : vector<2000x1xf32> to vector<2000x128xf32>
    %div3A_29 = arith.divf %add3A, %div3A : vector<2000x128xf32>
    %broadcast_in_dim3A = vector.shape_cast %gt3A_26 : vector<2000x1xi1> to vector<2000x1xi1>
    %broadcast_in_dim3A_30 = vector.broadcast %broadcast_in_dim3A : vector<2000x1xi1> to vector<2000x128xi1>
    %select_n3A = arith.select %broadcast_in_dim3A_30, %div3A_29, %get3A_13 : vector<2000x128xi1>, vector<2000x128xf32>
    %get3A_31 = arith.constant 0 : index
    %get3A_32 = arith.constant 0 : index
    %get3A_33 = vector.load %arg4[%get3A_31, %get3A_32] : memref<128x512xf32, #tpu.memory_space<vmem>>, vector<128x512xf32>
    %dot_general3A = arith.constant dense<0.000000e+00> : vector<2000x512xf32>
    %dot_general3A_34 = tpu.matmul %select_n3A, %get3A_33, %dot_general3A {dimension_numbers = #tpu.dot_dimension_numbers<[1], [0], [0], [1], [0, 0, 1, 1], [], []>, transpose_lhs_hint = false} : vector<2000x128xf32>, vector<128x512xf32>, vector<2000x512xf32> -> vector<2000x512xf32>
    %get3A_35 = arith.constant 0 : index
    %get3A_36 = arith.constant 0 : index
    %get3A_37 = vector.load %arg5[%get3A_35, %get3A_36] : memref<128x512xf32, #tpu.memory_space<vmem>>, vector<128x512xf32>
    %dot_general3A_38 = arith.constant dense<0.000000e+00> : vector<2000x128xf32>
    %dot_general3A_39 = tpu.matmul %dot_general3A_34, %get3A_37, %dot_general3A_38 {dimension_numbers = #tpu.dot_dimension_numbers<[1], [1], [0], [0], [0, 0, 1, 0], [], []>, transpose_lhs_hint = false} : vector<2000x512xf32>, vector<128x512xf32>, vector<2000x128xf32> -> vector<2000x128xf32>
    %get3A_40 = arith.constant 0 : index
    %get3A_41 = arith.constant 0 : index
    %get3A_42 = vector.load %arg6[%get3A_40, %get3A_41] : memref<128x128xf32, #tpu.memory_space<vmem>>, vector<128x128xf32>
    %dot_general3A_43 = arith.constant dense<0.000000e+00> : vector<2000x128xf32>
    %dot_general3A_44 = tpu.matmul %get3A_13, %get3A_42, %dot_general3A_43 {dimension_numbers = #tpu.dot_dimension_numbers<[1], [1], [0], [0], [0, 0, 1, 0], [], []>, transpose_lhs_hint = false} : vector<2000x128xf32>, vector<128x128xf32>, vector<2000x128xf32> -> vector<2000x128xf32>
    %add3A_45 = arith.addf %dot_general3A_39, %dot_general3A_44 : vector<2000x128xf32>
    %get3A_46 = arith.constant 0 : index
    %get3A_47 = arith.constant 0 : index
    %get3A_48 = vector.load %arg7[%get3A_46, %get3A_47] : memref<1x128xf32, #tpu.memory_space<vmem>>, vector<1x128xf32>
    %add3A_49 = vector.broadcast %get3A_48 : vector<1x128xf32> to vector<2000x128xf32>
    %add3A_50 = arith.addf %add3A_45, %add3A_49 : vector<2000x128xf32>
    %gt3A_51 = arith.constant 0.000000e+00 : f32
    %gt3A_52 = vector.broadcast %gt3A_51 : f32 to vector<2000x128xf32>
    %gt3A_53 = arith.cmpf ogt, %add3A_50, %gt3A_52 : vector<2000x128xf32>
    %exp3A = math.exp %add3A_50 : vector<2000x128xf32>
    %sub3A = arith.constant 1.000000e+00 : f32
    %sub3A_54 = vector.broadcast %sub3A : f32 to vector<2000x128xf32>
    %sub3A_55 = arith.subf %exp3A, %sub3A_54 : vector<2000x128xf32>
    %select_n3A_56 = arith.select %gt3A_53, %add3A_50, %sub3A_55 : vector<2000x128xi1>, vector<2000x128xf32>
    %get3A_57 = arith.constant 0 : index
    %get3A_58 = arith.constant 0 : index
    %get3A_59 = arith.constant 0 : index
    %get3A_60 = vector.load %arg8[%get3A_57, %get3A_58, %get3A_59] : memref<1x1x2000xi32, #tpu.memory_space<vmem>>, vector<1x1x2000xi32>
    %get3A_61 = vector.shape_cast %get3A_60 : vector<1x1x2000xi32> to vector<1x2000xi32>
    %iota3A = tpu.iota {dimensions = array<i32: 0>} : vector<64x2000xi32>
    %eq3A_62 = vector.broadcast %get3A_61 : vector<1x2000xi32> to vector<64x2000xi32>
    %eq3A_63 = arith.cmpi eq, %eq3A_62, %iota3A : vector<64x2000xi32>
    %convert_element_type3A_64 = arith.extui %eq3A_63 : vector<64x2000xi1> to vector<64x2000xi32>
    %convert_element_type3A_65 = arith.sitofp %convert_element_type3A_64 : vector<64x2000xi32> to vector<64x2000xf32>
    %get3A_66 = arith.constant 0 : index
    %get3A_67 = arith.constant 0 : index
    %get3A_68 = vector.load %arg12[%get3A_66, %get3A_67] : memref<64x128xf32, #tpu.memory_space<vmem>>, vector<64x128xf32>
    %dot_general3A_69 = arith.constant dense<0.000000e+00> : vector<64x128xf32>
    %dot_general3A_70 = tpu.matmul %convert_element_type3A_65, %select_n3A_56, %dot_general3A_69 {dimension_numbers = #tpu.dot_dimension_numbers<[1], [0], [0], [1], [0, 0, 1, 1], [], []>, transpose_lhs_hint = false} : vector<64x2000xf32>, vector<2000x128xf32>, vector<64x128xf32> -> vector<64x128xf32>
    %add3A_71 = arith.addf %get3A_68, %dot_general3A_70 : vector<64x128xf32>
    %swap3A = arith.constant 0 : index
    %swap3A_72 = arith.constant 0 : index
    %swap3A_73 = vector.load %arg12[%swap3A, %swap3A_72] : memref<64x128xf32, #tpu.memory_space<vmem>>, vector<64x128xf32>
    tpu.vector_store %arg12[%swap3A, %swap3A_72], %add3A_71 {strides = array<i32>} : memref<64x128xf32, #tpu.memory_space<vmem>>, vector<64x128xf32>,
    %get3A_74 = arith.constant 0 : index
    %get3A_75 = arith.constant 0 : index
    %get3A_76 = vector.load %arg13[%get3A_74, %get3A_75] : memref<64x1xf32, #tpu.memory_space<vmem>>, vector<64x1xf32>
    %reduce_sum3A = arith.constant dense<0.000000e+00> : vector<64xf32>
    %reduce_sum3A_77 = vector.multi_reduction <add>, %convert_element_type3A_65, %reduce_sum3A [1] : vector<64x2000xf32> to vector<64xf32>
    %broadcast_in_dim3A_78 = vector.shape_cast %reduce_sum3A_77 : vector<64xf32> to vector<64x1xf32>
    %add3A_79 = arith.addf %get3A_76, %broadcast_in_dim3A_78 : vector<64x1xf32>
    %swap3A_80 = arith.constant 0 : index
    %swap3A_81 = arith.constant 0 : index
    %swap3A_82 = vector.load %arg13[%swap3A_80, %swap3A_81] : memref<64x1xf32, #tpu.memory_space<vmem>>, vector<64x1xf32>
    tpu.vector_store %arg13[%swap3A_80, %swap3A_81], %add3A_79 {strides = array<i32>} : memref<64x1xf32, #tpu.memory_space<vmem>>, vector<64x1xf32>,
    %eq3A_83 = arith.constant 4 : i32
    %eq3A_84 = arith.cmpi eq, %arg0, %eq3A_83 : i32
    %convert_element_type3A_85 = arith.extui %eq3A_84 : i1 to i32
    %cond3A_86 = arith.constant 0 : i32
    %cond3A_87 = arith.cmpi ne, %convert_element_type3A_85, %cond3A_86 : i32
    scf.if %cond3A_87 {
      %get3A_88 = arith.constant 0 : index
      %get3A_89 = arith.constant 0 : index
      %get3A_90 = vector.load %arg12[%get3A_88, %get3A_89] : memref<64x128xf32, #tpu.memory_space<vmem>>, vector<64x128xf32>
      %get3A_91 = arith.constant 0 : index
      %get3A_92 = arith.constant 0 : index
      %get3A_93 = vector.load %arg13[%get3A_91, %get3A_92] : memref<64x1xf32, #tpu.memory_space<vmem>>, vector<64x1xf32>
      %max3A_94 = arith.constant 1.000000e+00 : f32
      %max3A_95 = vector.broadcast %max3A_94 : f32 to vector<64x1xf32>
      %max3A_96 = arith.maximumf %get3A_93, %max3A_95 : vector<64x1xf32>
      %div3A_97 = vector.broadcast %max3A_96 : vector<64x1xf32> to vector<64x128xf32>
      %div3A_98 = arith.divf %get3A_90, %div3A_97 : vector<64x128xf32>
      %get3A_99 = arith.constant 0 : index
      %get3A_100 = arith.constant 0 : index
      %get3A_101 = vector.load %arg9[%get3A_99, %get3A_100] : memref<16x128xf32, #tpu.memory_space<vmem>>, vector<16x128xf32>
      %dot_general3A_102 = arith.constant dense<0.000000e+00> : vector<64x16xf32>
      %dot_general3A_103 = tpu.matmul %div3A_98, %get3A_101, %dot_general3A_102 {dimension_numbers = #tpu.dot_dimension_numbers<[1], [1], [0], [0], [0, 0, 1, 0], [], []>, transpose_lhs_hint = false} : vector<64x128xf32>, vector<16x128xf32>, vector<64x16xf32> -> vector<64x16xf32>
      %get3A_104 = arith.constant 0 : index
      %get3A_105 = arith.constant 0 : index
      %get3A_106 = vector.load %arg10[%get3A_104, %get3A_105] : memref<1x16xf32, #tpu.memory_space<vmem>>, vector<1x16xf32>
      %add3A_107 = vector.broadcast %get3A_106 : vector<1x16xf32> to vector<64x16xf32>
      %add3A_108 = arith.addf %dot_general3A_103, %add3A_107 : vector<64x16xf32>
      %swap3A_109 = arith.constant 0 : index
      %swap3A_110 = arith.constant 0 : index
      %swap3A_111 = vector.load %arg11[%swap3A_109, %swap3A_110] : memref<64x16xf32, #tpu.memory_space<vmem>>, vector<64x16xf32>
      tpu.vector_store %arg11[%swap3A_109, %swap3A_110], %add3A_108 {strides = array<i32>} : memref<64x16xf32, #tpu.memory_space<vmem>>, vector<64x16xf32>,
    } else {
    }
    return
  }
  func.func @transform_0(%arg0: i32) -> (i32, i32, i32) {
    %c0_i32 = arith.constant 0 : i32
    %c0_i32_0 = arith.constant 0 : i32
    %c0_i32_1 = arith.constant 0 : i32
    return %c0_i32, %arg0, %c0_i32_0 : i32, i32, i32
  }
  func.func @transform_1(%arg0: i32) -> (i32, i32) {
    %c0_i32 = arith.constant 0 : i32
    %c0_i32_0 = arith.constant 0 : i32
    return %arg0, %c0_i32 : i32, i32
  }
  func.func @transform_2(%arg0: i32) -> (i32, i32, i32) {
    %c0_i32 = arith.constant 0 : i32
    %c0_i32_0 = arith.constant 0 : i32
    %c0_i32_1 = arith.constant 0 : i32
    return %c0_i32, %arg0, %c0_i32_0 : i32, i32, i32
  }
  func.func @transform_3(%arg0: i32) -> (i32, i32) {
    %c0_i32 = arith.constant 0 : i32
    %c0_i32_0 = arith.constant 0 : i32
    %c0_i32_1 = arith.constant 0 : i32
    return %c0_i32, %c0_i32_0 : i32, i32
  }
  func.func @transform_4(%arg0: i32) -> (i32, i32) {
    %c0_i32 = arith.constant 0 : i32
    %c0_i32_0 = arith.constant 0 : i32
    %c0_i32_1 = arith.constant 0 : i32
    return %c0_i32, %c0_i32_0 : i32, i32
  }
  func.func @transform_5(%arg0: i32) -> (i32, i32) {
    %c0_i32 = arith.constant 0 : i32
    %c0_i32_0 = arith.constant 0 : i32
    %c0_i32_1 = arith.constant 0 : i32
    return %c0_i32, %c0_i32_0 : i32, i32
  }
  func.func @transform_6(%arg0: i32) -> (i32, i32) {
    %c0_i32 = arith.constant 0 : i32
    %c0_i32_0 = arith.constant 0 : i32
    %c0_i32_1 = arith.constant 0 : i32
    return %c0_i32, %c0_i32_0 : i32, i32
  }
  func.func @transform_7(%arg0: i32) -> (i32, i32, i32) {
    %c0_i32 = arith.constant 0 : i32
    %c0_i32_0 = arith.constant 0 : i32
    %c0_i32_1 = arith.constant 0 : i32
    return %arg0, %c0_i32, %c0_i32_0 : i32, i32, i32
  }
  func.func @transform_8(%arg0: i32) -> (i32, i32) {
    %c0_i32 = arith.constant 0 : i32
    %c0_i32_0 = arith.constant 0 : i32
    %c0_i32_1 = arith.constant 0 : i32
    return %c0_i32, %c0_i32_0 : i32, i32
  }
  func.func @transform_9(%arg0: i32) -> (i32, i32) {
    %c0_i32 = arith.constant 0 : i32
    %c0_i32_0 = arith.constant 0 : i32
    %c0_i32_1 = arith.constant 0 : i32
    return %c0_i32, %c0_i32_0 : i32, i32
  }
  func.func @transform_10(%arg0: i32) -> (i32, i32) {
    %c0_i32 = arith.constant 0 : i32
    %c0_i32_0 = arith.constant 0 : i32
    %c0_i32_1 = arith.constant 0 : i32
    return %c0_i32, %c0_i32_0 : i32, i32
  }
}

</mosaic_0001>

<sc_bundles>
// kernel: kernel.6.cloned.1.call-start
scs
__scs_entry_jumppad:
0x0: {  	(pc) =	sbr.rel $0x88, $3  }
0x1: {  	(tag) =	ssettag $0x0;
	lr =	simm.s32 $0x1  }
0x2: {  	[smem:$0x3F94] =	sst lr;
	_ =	strace $0xD0000000  }
0x3: {  	_ = 	snop  }
0x4: {  	_ = 	snop  }
0x5: {  	_ = 	snop  }
0x6: {  	_ = 	snop  }
0x7: {  	_ = 	snop  }
__scs_overlays_trampoline_lowered:
0x8: {  	[smem:$0x3FA3] =	sst s0  }
0x9: {  	[smem:$0x3FA4] =	sst s1  }
0xa: {  	[smem:$0x3FA5] =	sst s2  }
0xb: {  	[smem:$0x3FA6] =	sst s3  }
0xc: {  	[smem:$0x3FA7] =	sst s4  }
0xd: {  	[smem:$0x3FA8] =	sst s5  }
0xe: {  	[smem:$0x3FA9] =	sst s6  }
0xf: {  	[smem:$0x3FAA] =	sst s7  }
0x10: {  	[smem:$0x3FAB] =	sst s8  }
0x11: {  	[smem:$0x3FAC] =	sst s9;
	s0 =	simm.s32 @!p0 $0x0  }
0x12: {  	s1 =	sld [smem:$0x3F92];
	s0 =	simm.s32 @p0 $0x1  }
0x13: {  	[smem:$0x3FAD] =	sst s0;
	s0 =	simm.s32 @!p1 $0x0  }
0x14: {  	s2 =	sld [smem:$0x3F91];
	s0 =	simm.s32 @p1 $0x1  }
0x15: {  	[smem:$0x3FAE] =	sst s0;
	s0 =	simm.s32 @!p2 $0x0  }
0x16: {  	s3 =	sld [smem:$0x3FDB];
	s0 =	simm.s32 @p2 $0x1  }
0x17: {  	s4 =	simm.s32 $0x1BF5;
	[smem:$0x3FB0] =	sst s0  }
0x18: {  	s0 =	sld [smem:$0x3F93];
	_ =	swait.ge [sflag:s4], $0x0  }
0x19: {  	s7 =	sld [smem:$0x3F94]  }
0x1a: {  	s8 =	sadd.s32 $0xFFFFE003, lr  }
0x1b: {  	s9 =	sadd.s32 $0xFFFFFEF7, lr;
	s5 =	simm.s32 $0xFFFFFFFF;
	p2 =	slt.u32 s8, $0xFFFFF086  }
0x1c: {  	p1 =	slt.u32 s9, $0xF7A;
	s5 =	simm.s32 @!p2 $0x0  }
0x1d: {  	s5 =	simm.s32 @p1 $0x1;
	p0 =	seq.s32 s7, s2  }
0x1e: {  	s7 =	smul.u32 @!p0 $0xF7A, s2;
	p2 =	seq.s32 @!p0 s5, $0x0  }
0x1f: {  	s9 =	smul.u32 $0xF7A, s1;
	s8 =	simm.s32 @!p0 $0x1BF5;
	p2 =	por !p2, p0  }
0x20: {  	[sflag:s8] =	ssyncset.s32 @!p0 $0xFFFFF086;
	s6 =	sadd.s32 @!p0 s3, s7;
	s7 =	simm.s32 @!p0 $0x108  }
0x21: {  	s3 =	sadd.s32 s3, s9;
	s6 =	sadd.s32 @!p0 $0x88, s6;
	s7 =	simm.s32 @p2 $0x1082  }
0x22: {  	[simem:s7], [sflag:s8] =	dma.local @!p0 [hbm:s6], $0xF7A  }
0x23: {  	s9 =	sor.u32 $0xD0000000, s2;
	s6 =	simm.s32 $0x108;
	_ =	swait.ge @!p0 [sflag:s8], $0x0  }
0x24: {  	s3 =	sadd.s32 $0x88, s3;
	s6 =	simm.s32 @!p1 $0x1082;
	[sflag:s4] =	ssyncset.s32 $0xFFFFF086  }
0x25: {  	[simem:s6], [sflag:s4] =	dma.local [hbm:s3], $0xF7A  }
0x26: {  	[smem:$0x3F94] =	sst s1;
	(tag) =	ssettag s2;
	_ =	strace s9  }
0x27: {  	s1 =	sld [smem:$0x3FA4]  }
0x28: {  	s2 =	sld [smem:$0x3FA5]  }
0x29: {  	s4 =	sld [smem:$0x3FA7]  }
0x2a: {  	p0 =	seq.s32 s5, $0x0;
	s5 =	sld [smem:$0x3FA8]  }
0x2b: {  	s6 =	sld [smem:$0x3FA9]  }
0x2c: {  	s7 =	sld [smem:$0x3FAA]  }
0x2d: {  	s3 =	simm.s32 $0x108;
	s8 =	sld [smem:$0x3FAB]  }
0x2e: {  	s3 =	simm.s32 @!p0 $0x1082;
	s9 =	sld [smem:$0x3FAC]  }
0x2f: {  	lr =	sadd.s32 s0, s3;
	s0 =	sld [smem:$0x3FA3]  }
0x30: {  	s3 =	sld [smem:$0x3FA6]  }
0x31: {  	[smem:$0x3FAF] =	sst s10  }
0x32: {  	s10 =	sld [smem:$0x3FAD];
	_ =	sdelay $0x3  }
0x33: {  	p0 =	seq.s32 s10, $0x1;
	s10 =	sld [smem:$0x3FAF];
	_ =	sdelay $0x3  }
0x34: {  	[smem:$0x3FAF] =	sst s10  }
0x35: {  	s10 =	sld [smem:$0x3FAE];
	_ =	sdelay $0x3  }
0x36: {  	p1 =	seq.s32 s10, $0x1;
	s10 =	sld [smem:$0x3FAF];
	_ =	sdelay $0x3  }
0x37: {  	[smem:$0x3FAF] =	sst s10  }
0x38: {  	s10 =	sld [smem:$0x3FB0]  }
0x39: {  	_ = 	snop;
	(pc) =	sbr.ind lr, $3  }
0x3a: {  	_ = 	snop  }
0x3b: {  	_ = 	snop  }
0x3c: {  	p2 =	seq.s32 s10, $0x1;
	s10 =	sld [smem:$0x3FAF]  }
0x3d: {  	_ =	shalt  }
0x3e: {  	_ =	shalt  }
0x3f: {  	_ =	shalt  }
0x40: {  	_ =	shalt  }
0x41: {  	_ =	shalt  }
0x42: {  	_ =	shalt  }
0x43: {  	_ =	shalt  }
0x44: {  	_ =	shalt  }
0x45: {  	_ =	shalt  }
0x46: {  	_ =	shalt  }
0x47: {  	_ =	shalt  }
0x48: {  	_ =	shalt  }
0x49: {  	_ =	shalt  }
0x4a: {  	_ =	shalt  }
0x4b: {  	_ =	shalt  }
0x4c: {  	_ =	shalt  }
0x4d: {  	_ =	shalt  }
0x4e: {  	_ =	shalt  }
0x4f: {  	_ =	shalt  }
0x50: {  	_ =	shalt  }
0x51: {  	_ =	shalt  }
0x52: {  	_ =	shalt  }
0x53: {  	_ =	shalt  }
0x54: {  	_ =	shalt  }
0x55: {  	_ =	shalt  }
0x56: {  	_ =	shalt  }
0x57: {  	_ =	shalt  }
0x58: {  	_ =	shalt  }
0x59: {  	_ =	shalt  }
0x5a: {  	_ =	shalt  }
0x5b: {  	_ =	shalt  }
0x5c: {  	_ =	shalt  }
0x5d: {  	_ =	shalt  }
0x5e: {  	_ =	shalt  }
0x5f: {  	_ =	shalt  }
0x60: {  	_ =	shalt  }
0x61: {  	_ =	shalt  }
0x62: {  	_ =	shalt  }
0x63: {  	_ =	shalt  }
0x64: {  	_ =	shalt  }
0x65: {  	_ =	shalt  }
0x66: {  	_ =	shalt  }
0x67: {  	_ =	shalt  }
0x68: {  	_ =	shalt  }
0x69: {  	_ =	shalt  }
0x6a: {  	_ =	shalt  }
0x6b: {  	_ =	shalt  }
0x6c: {  	_ =	shalt  }
0x6d: {  	_ =	shalt  }
0x6e: {  	_ =	shalt  }
0x6f: {  	_ =	shalt  }
0x70: {  	_ =	shalt  }
0x71: {  	_ =	shalt  }
0x72: {  	_ =	shalt  }
0x73: {  	_ =	shalt  }
0x74: {  	_ =	shalt  }
0x75: {  	_ =	shalt  }
0x76: {  	_ =	shalt  }
0x77: {  	_ =	shalt  }
0x78: {  	_ =	shalt  }
0x79: {  	_ =	shalt  }
0x7a: {  	_ =	shalt  }
0x7b: {  	_ =	shalt  }
0x7c: {  	_ =	shalt  }
0x7d: {  	_ =	shalt  }
0x7e: {  	_ =	shalt  }
0x7f: {  	_ =	shalt  }
0x80: {  	_ =	shalt  }
0x81: {  	_ =	shalt  }
0x82: {  	_ =	shalt  }
0x83: {  	_ =	shalt  }
0x84: {  	_ =	shalt  }
0x85: {  	_ =	shalt  }
0x86: {  	_ =	shalt  }
0x87: {  	_ =	shalt  }
.Lfunc_end0:
.L_simem_size_0:
called_computation_lowered:
.L_overlay_start_0:
0x88: {  	s2 =	sld [smem:$0x3FD9]  }
0x89: {  	s3 =	sld [smem:$0x3FFE];
	_ =	sdelay $0x1  }
0x8a: {  	s1 =	srdreg.scid  }
0x8b: {  	s0 =	sand.u32 $0x1, s1  }
0x8c: {  	s17 =	sshll.u32 s0, $0xA;
	s2 =	sadd.s32 s3, s2  }
0x8d: {  	s2 =	sadd.s32 s2, s17  }
0x8e: {  	[smem:$0x3FBB] =	sst s2  }
0x8f: {  	_ = 	snop  }
0x90: {  	s2 =	sld [smem:$0x3FC9];
	(tm) =	ssettm $0x1  }
0x91: {  	s18 =	sld [smem:$0x3FFB];
	_ =	sdelay $0x3  }
0x92: {  	_ =	strace s18  }
0x93: {  	s3 =	sld [smem:$0x3FFC];
	_ =	sdelay $0x3  }
0x94: {  	_ =	strace s3  }
0x95: {  	s3 =	sld [smem:$0x3FFD];
	_ =	sdelay $0x3  }
0x96: {  	_ =	strace s3  }
0x97: {  	_ =	strace $0x8FFFFFFF  }
0x98: {  	s19 =	sld [smem:$0x3FDB];
	_ =	sdelay $0x1  }
0x99: {  	s4 =	simm.s32 $_scs_section_size  }
0x9a: {  	s5 =	simm.s32 $_size__tile_overlayer_lowered;
	s6 =	simm.s32 $_tile_overlayer_lowered  }
0x9b: {  	s22 =	simm.s32 $0x1BFF;
	s21 =	sshll.u32 s6, $0x1;
	s3 =	sadd.s32 s4, s19  }
0x9c: {  	s7 =	simm.s32 $0x0;
	s20 =	sshll.u32 s5, $0x1;
	s5 =	sadd.s32 s21, s3  }
0x9d: {  	[timem:s7], [sflag:s22] =	dma.local [hbm:s5], s20  }
0x9e: {  	_ =	swait.ge [sflag:s22], s20  }
0x9f: {  	s4 =	ssub.s32 $0x0, s20;
	[sflag:s22] =	ssyncset.done $0x0  }
0xa0: {  	[sflag:s22] =	ssyncadd.s32 s4;
	_ =	sdelay $0x1  }
0xa1: {  	s23 =	simm.s32 $0x1B8B  }
0xa2: {  	_ =	swait.ge [sflag:s23], $0x1  }
0xa3: {  	[sflag:s23] =	ssyncset.done $0x0  }
0xa4: {  	s25 =	simm.s32 $0x1B8E;
	s24 =	sld [smem:$0x3FFE];
	[sflag:s23] =	ssyncadd.s32 $0xFFFFFFFF  }
0xa5: {  	s26 =	simm.s32 $execute0_lowered;
	[smem:$0x3FD2] =	sst s25  }
0xa6: {  	s5 =	sshll.u32 s26, $0x1;
	_ =	strace $0x80000046;
	[dreg:$0x1] =	wrdreg $0xFFFFFFFF  }
0xa7: {  	s28 =	simm.s32 $_size_execute0_lowered;
	s3 =	sadd.s32 s3, s5;
	[dreg:$0x0] =	wrdreg $0x0  }
0xa8: {  	s5 =	sshll.u32 s28, $0x1;
	[dreg:$0x2] =	wrdreg s3  }
0xa9: {  	[dreg:$0x3] =	wrdreg s5  }
0xaa: {  	[dreg:$0x4] =	wrdreg $0xC0  }
0xab: {  	_ =	task [dreg:s7], $0x5FFFF  }
0xac: {  	[dreg:$0x1] =	wrdreg $0xFFFFFFFF  }
0xad: {  	[dreg:$0x0] =	wrdreg $0x60  }
0xae: {  	[dreg:$0x2] =	wrdreg s2  }
0xaf: {  	[dreg:$0x3] =	wrdreg s24  }
0xb0: {  	[dreg:$0x4] =	wrdreg $0xB0800  }
0xb1: {  	[dreg:$0x5] =	wrdreg $0x1F0800  }
0xb2: {  	[dreg:$0x6] =	wrdreg $0x9  }
0xb3: {  	_ =	task.clear_ibuf [dreg:s7], $0x7FFFF;
	_ =	strace $0x90000046  }
0xb4: {  	s29 =	simm.s32 $0x9;
	_ =	strace $0x80000048  }
0xb5: {  	_ =	swait.ge [sflag:s29], $0x1  }
0xb6: {  	[sflag:s29] =	ssyncadd.s32 $0xFFFFFFFF  }
0xb7: {  	_ =	strace $0x90000048  }
0xb8: {  	_ =	sfence  }
0xb9: {  	s30 =	sld [smem:$0x0];
	_ =	sdelay $0x2  }
0xba: {  	s31 =	sshll.u32 s1, $0xD;
	s1 =	sshrl.u32 s1, $0x2  }
0xbb: {  	s3 =	sand.u32 $0x4000, s31;
	s1 =	sadd.s32 s1, s30  }
0xbc: {  	s0 =	sor.u32 s3, s0;
	s1 =	sshll.u32 s1, $0x11  }
0xbd: {  	s0 =	sor.u32 s1, s0  }
0xbe: {  	s0 =	sadd.s32 $0x8F2B, s0  }
0xbf: {  	[sflag:s0] =	ssyncadd.remote.s32 $0x1  }
0xc0: {  	_ =	sfence.sel $0xFFFF  }
0xc1: {  	[dreg:$0x0] =	wrdreg $0xFFFFFFFF;
	(pc) =	sbr.abs _section_cstart, $3  }
0xc2: {  	[dreg:$0x1] =	wrdreg $0xFFFFFFFF  }
0xc3: {  	_ =	task.clear_ibuf [dreg:s7], $0x2FFFF;
	_ =	strace $0x9FFFFFFF  }
0xc4: {  	(tm) =	ssettm $0x7FFFFFFF  }
0xc5: {  	_ =	shalt  }
tec
execute0_lowered:
.L_overlay_start_1:
0x0: {  	(tag) =	ssettag $0x1  }
0x1: {  	s1 =	rddreg [dreg:$0x0]  }
0x2: {  	s0 =	rddreg [dreg:$0x1]  }
0x3: {  	s2 =	rddreg [dreg:$0x2]  }
0x4: {  	s3 =	rddreg [dreg:$0x3]  }
0x5: {  	s5 =	simm.s32 $0x0;
	s4 =	srdreg.scid;
	s13 =	stileid.u32  }
0x6: {  	[smem:$0x7FF] =	sst s5;
	s4 =	sand.u32 $0x1, s4;
	s7 =	smul.u32 $0x14000, s13  }
0x7: {  	s8 =	sadd.s32 $0x2A00, s0;
	s9 =	smul.u32 $0x500, s13;
	s10 =	sshll.u32 s13, $0x1  }
0x8: {  	s6 =	smul.u32 $0x140000, s4;
	_ =	strace $0x80000047;
	s10 =	sor.u32 s4, s10  }
0x9: {  	s19 =	sshll.u32 s4, $0x7;
	s21 =	ssub.s32 $0x2, s4;
	s20 =	smul.u32 $0x7D00, s10  }
0xa: {  	s11 =	sshrl.u32 s21, $0x1;
	s6 =	sadd.s32 s7, s6;
	s7 =	sor.u32 s19, s9  }
0xb: {  	s22 =	ssub.s32 s21, s11;
	s6 =	sshrl.u32 s6, $0x3;
	s9 =	sshrl.u32 s20, $0x3  }
0xc: {  	s7 =	sshrl.u32 s7, $0x3;
	s6 =	sadd.s32 s6, s0;
	s23 =	sadd.s32 s8, s9  }
0xd: {  	s0 =	sadd.s32 s7, s0;
	s7 =	smax.u32 s22, $0x1;
	[dreg:$0x5] =	wrdreg s23  }
0xe: {  	s12 =	smul.u32 $0x50000, s13;
	s9 =	sadd.s32 $0x20, s23;
	[dreg:$0xa] =	wrdreg s7  }
0xf: {  	s11 =	sadd.s32 $0x40, s23;
	[dreg:$0x6] =	wrdreg s9  }
0x10: {  	s24 =	sshrl.u32 s12, $0x2;
	s6 =	sadd.s32 $0x22800, s6;
	[dreg:$0x7] =	wrdreg s11  }
0x11: {  	s0 =	sadd.s32 $0x21E00, s0;
	s9 =	sadd.s32 s24, s2;
	[dreg:$0x8] =	wrdreg s6  }
0x12: {  	s25 =	smul.u32 $0xA00, s13;
	[dreg:$0x9] =	wrdreg s0;
	s11 =	sadd.s32 $0x800, s9  }
0x13: {  	s28 =	smul.u32 $0xFA00, s13;
	s13 =	sadd.s32 $0x1000, s9;
	[dreg:$0xb] =	wrdreg s11  }
0x14: {  	s14 =	sadd.s32 $0x1800, s9;
	[dreg:$0xc] =	wrdreg s13  }
0x15: {  	s15 =	sadd.s32 $0x2000, s9;
	[dreg:$0xd] =	wrdreg s14  }
0x16: {  	s16 =	sadd.s32 $0x2800, s9;
	[dreg:$0xe] =	wrdreg s15  }
0x17: {  	s17 =	sadd.s32 $0x3000, s9;
	[dreg:$0xf] =	wrdreg s16  }
0x18: {  	s18 =	sadd.s32 $0x3800, s9;
	[dreg:$0x10] =	wrdreg s17  }
0x19: {  	s19 =	sadd.s32 $0x4000, s9;
	[dreg:$0x11] =	wrdreg s18  }
0x1a: {  	s20 =	sadd.s32 $0x4800, s9;
	[dreg:$0x12] =	wrdreg s19  }
0x1b: {  	s21 =	sadd.s32 $0x5000, s9;
	[dreg:$0x13] =	wrdreg s20  }
0x1c: {  	s22 =	sadd.s32 $0x5800, s9;
	[dreg:$0x14] =	wrdreg s21  }
0x1d: {  	s23 =	sadd.s32 $0x6000, s9;
	[dreg:$0x16] =	wrdreg s22  }
0x1e: {  	s26 =	sshrl.u32 s25, $0x2;
	s24 =	sadd.s32 $0x6800, s9;
	[dreg:$0x17] =	wrdreg s23  }
0x1f: {  	s10 =	smul.u32 $0x7D00, s4;
	s25 =	sadd.s32 $0x7000, s9;
	[dreg:$0x18] =	wrdreg s24  }
0x20: {  	s12 =	sadd.s32 s26, s3;
	s26 =	sadd.s32 $0x7800, s9;
	[dreg:$0x19] =	wrdreg s25  }
0x21: {  	s0 =	sadd.s32 s10, s28;
	s28 =	sadd.s32 $0x8000, s9;
	[dreg:$0x1a] =	wrdreg s26  }
0x22: {  	s4 =	sadd.s32 $0x8800, s9;
	[dreg:$0x1b] =	wrdreg s28  }
0x23: {  	s6 =	sadd.s32 $0x9000, s9;
	[dreg:$0x1c] =	wrdreg s4  }
0x24: {  	s7 =	sadd.s32 $0x9800, s9;
	[dreg:$0x1d] =	wrdreg s6  }
0x25: {  	s10 =	sadd.s32 $0xA800, s9;
	[dreg:$0x1e] =	wrdreg s7  }
0x26: {  	[smem:$0x7ED] =	sst s10;
	s11 =	sadd.s32 $0xB000, s9  }
0x27: {  	s13 =	sadd.s32 $0xB800, s9;
	[smem:$0x7EE] =	sst s11  }
0x28: {  	s14 =	sadd.s32 $0xC000, s9;
	[smem:$0x7EF] =	sst s13  }
0x29: {  	s15 =	sadd.s32 $0xC800, s9;
	[smem:$0x7F0] =	sst s14  }
0x2a: {  	s16 =	sadd.s32 $0xD000, s9;
	[smem:$0x7F1] =	sst s15  }
0x2b: {  	s17 =	sadd.s32 $0xD800, s9;
	[smem:$0x7F2] =	sst s16  }
0x2c: {  	s30 =	sadd.s32 $0x80, s12;
	s18 =	sadd.s32 $0xE000, s9;
	[smem:$0x7F3] =	sst s17  }
0x2d: {  	s31 =	sadd.s32 $0x100, s12;
	s19 =	sadd.s32 $0xE800, s9;
	[smem:$0x7F4] =	sst s18  }
0x2e: {  	s0 =	sadd.s32 $0x300, s0;
	s20 =	sadd.s32 $0xF000, s9;
	[smem:$0x7F5] =	sst s19  }
0x2f: {  	s29 =	sadd.s32 $0x13800, s9;
	s21 =	sadd.s32 $0xF800, s9;
	[smem:$0x7F6] =	sst s20  }
0x30: {  	s0 =	sshrl.u32 s0, $0x3;
	s22 =	sadd.s32 $0x10000, s9;
	[smem:$0x7F7] =	sst s21  }
0x31: {  	s23 =	sadd.s32 $0x10800, s9;
	s24 =	sadd.s32 $0x11000, s9;
	[smem:$0x7F8] =	sst s22  }
0x32: {  	s25 =	sadd.s32 $0x11800, s9;
	s26 =	sadd.s32 $0x12000, s9;
	[smem:$0x7F9] =	sst s23  }
0x33: {  	s28 =	sadd.s32 $0x12800, s9;
	s4 =	sadd.s32 $0x200, s12;
	[smem:$0x7FA] =	sst s24  }
0x34: {  	s7 =	simm.s32 $0xA880;
	s10 =	simm.s32 $0x4;
	[smem:$0x7FB] =	sst s25  }
0x35: {  	s6 =	simm.s32 $0x0;
	s0 =	sadd.s32 s0, s8;
	[smem:$0x7FC] =	sst s26  }
0x36: {  	s8 =	sadd.s32 $0xA000, s9;
	[smem:$0x7FD] =	sst s28;
	s24 =	sadd.s32 $0x13000, s9  }
0x37: {  	s11 =	simm.s32 $0x1;
	s13 =	simm.s32 $0x50;
	s14 =	simm.s32 $0x280  }
0x38: {  	s15 =	simm.s32 $0xA800;
	s16 =	simm.s32 $0x380;
	s17 =	simm.s32 $0x480  }
0x39: {  	s18 =	simm.s32 $0x3;
	s19 =	simm.s32 $0x5;
	[dreg:$0x15] =	wrdreg s0  }
0x3a: {  	v0 =	vimm.f32 $0.0e+00;
	v1 =	vimm.f32 $1.000000000e+00;
	[dreg:$0x1f] =	wrdreg s8;
	s0 =	sadd.s32 $0x180, s12;
	s8 =	simm.s32 $0x2  }
.LBB2_1:
0x3b: {  	s20 =	rddreg [dreg:$0x5]  }
0x3c: {  	s25 =	rddreg [dreg:$0x6]  }
0x3d: {  	[tilespmem:s5], [sflag:$0x1] =	stream.linear.gather [hbm4b:s20+s5], $0x100, $0x38;
	[tilespmem:$0x1F300] =	vst v63  }
0x3e: {  	s21 =	simm.s32 $0x100;
	s26 =	rddreg [dreg:$0x7]  }
0x3f: {  	[tilespmem:s21], [sflag:$0x1] =	stream.linear.gather [hbm4b:s25+s5], $0x100, $0x38;
	[tilespmem:$0x1F300] =	vst v63  }
0x40: {  	s28 =	simm.s32 $0x200;
	s20 =	simm.s32 $0x0;
	s21 =	simm.s32 $0x200  }
0x41: {  	[tilespmem:s28], [sflag:$0x1] =	stream.linear.gather [hbm4b:s26+s5], $0x100, $0x38;
	[tilespmem:$0x1F300] =	vst v63  }
.LBB2_2:
0x42: {  	p0 =	sne.s32 s21, $0x1E00;
	[tilespmem:s20+$0xA8F0] =	vst v0  }
0x43: {  	[tilespmem:s20+$0xA880] =	vst v0  }
0x44: {  	[tilespmem:s20+$0xA890] =	vst v0  }
.Ltmp0:
0x45: {  	[tilespmem:s20+$0xA8A0] =	vst v0;
	(pc) =	sbr.rel @p0 .LBB2_2-.Ltmp0, $4  }
0x46: {  	[tilespmem:s20+$0xA8B0] =	vst v0  }
0x47: {  	[tilespmem:s20+$0xA8C0] =	vst v0  }
0x48: {  	[tilespmem:s20+$0xA8D0] =	vst v0  }
0x49: {  	[tilespmem:s20+$0xA8E0] =	vst v0;
	s20 =	sshra.s32 s21, $0x2;
	s21 =	sadd.s32 $0x200, s21  }
0x4a: {  	[tilespmem:s20+$0xA8F0] =	vst v0  }
0x4b: {  	[tilespmem:s20+$0xA880] =	vst v0  }
0x4c: {  	[tilespmem:s20+$0xA890] =	vst v0  }
0x4d: {  	[tilespmem:s20+$0xA8A0] =	vst v0  }
0x4e: {  	[tilespmem:s20+$0xA8B0] =	vst v0  }
0x4f: {  	[tilespmem:s20+$0xA8C0] =	vst v0  }
0x50: {  	[tilespmem:s20+$0xA8D0] =	vst v0  }
0x51: {  	[tilespmem:s20+$0xA8E0] =	vst v0  }
0x52: {  	[tilespmem:$0xA800] =	vst v1  }
0x53: {  	[tilespmem:$0xA810] =	vst v1  }
0x54: {  	[tilespmem:$0xA820] =	vst v1  }
0x55: {  	[tilespmem:$0xA830] =	vst v1  }
0x56: {  	s28 =	rddreg [dreg:$0xb];
	[tilespmem:$0xA840] =	vst v1  }
0x57: {  	[spmem:s9] =	stream.linear.scatter [tilespmem:s7], [sflag:$0x2], $0x800, $0x38;
	[tilespmem:$0x1F300] =	vst v63  }
0x58: {  	s21 =	rddreg [dreg:$0xc]  }
0x59: {  	[spmem:s28] =	stream.linear.scatter [tilespmem:s7], [sflag:$0x2], $0x800, $0x38;
	[tilespmem:$0x1F300] =	vst v63  }
0x5a: {  	s22 =	rddreg [dreg:$0xd]  }
0x5b: {  	[spmem:s21] =	stream.linear.scatter [tilespmem:s7], [sflag:$0x2], $0x800, $0x38;
	[tilespmem:$0x1F300] =	vst v63  }
0x5c: {  	s23 =	rddreg [dreg:$0xe]  }
0x5d: {  	[spmem:s22] =	stream.linear.scatter [tilespmem:s7], [sflag:$0x2], $0x800, $0x38;
	[tilespmem:$0x1F300] =	vst v63  }
0x5e: {  	s25 =	rddreg [dreg:$0xf]  }
0x5f: {  	[spmem:s23] =	stream.linear.scatter [tilespmem:s7], [sflag:$0x2], $0x800, $0x38;
	[tilespmem:$0x1F300] =	vst v63  }
0x60: {  	s26 =	rddreg [dreg:$0x10]  }
0x61: {  	[spmem:s25] =	stream.linear.scatter [tilespmem:s7], [sflag:$0x2], $0x800, $0x38;
	[tilespmem:$0x1F300] =	vst v63  }
0x62: {  	s28 =	rddreg [dreg:$0x11]  }
0x63: {  	[spmem:s26] =	stream.linear.scatter [tilespmem:s7], [sflag:$0x2], $0x800, $0x38;
	[tilespmem:$0x1F300] =	vst v63  }
0x64: {  	s21 =	rddreg [dreg:$0x12]  }
0x65: {  	[spmem:s28] =	stream.linear.scatter [tilespmem:s7], [sflag:$0x2], $0x800, $0x38;
	[tilespmem:$0x1F300] =	vst v63  }
0x66: {  	s22 =	rddreg [dreg:$0x13]  }
0x67: {  	[spmem:s21] =	stream.linear.scatter [tilespmem:s7], [sflag:$0x2], $0x800, $0x38;
	[tilespmem:$0x1F300] =	vst v63  }
0x68: {  	s23 =	rddreg [dreg:$0x14]  }
0x69: {  	[spmem:s22] =	stream.linear.scatter [tilespmem:s7], [sflag:$0x2], $0x800, $0x38;
	[tilespmem:$0x1F300] =	vst v63  }
0x6a: {  	s25 =	rddreg [dreg:$0x16]  }
0x6b: {  	[spmem:s23] =	stream.linear.scatter [tilespmem:s7], [sflag:$0x2], $0x800, $0x38;
	[tilespmem:$0x1F300] =	vst v63  }
0x6c: {  	s26 =	rddreg [dreg:$0x17]  }
0x6d: {  	[spmem:s25] =	stream.linear.scatter [tilespmem:s7], [sflag:$0x2], $0x800, $0x38;
	[tilespmem:$0x1F300] =	vst v63  }
0x6e: {  	s28 =	rddreg [dreg:$0x18]  }
0x6f: {  	[spmem:s26] =	stream.linear.scatter [tilespmem:s7], [sflag:$0x2], $0x800, $0x38;
	[tilespmem:$0x1F300] =	vst v63  }
0x70: {  	s21 =	rddreg [dreg:$0x19]  }
0x71: {  	[spmem:s28] =	stream.linear.scatter [tilespmem:s7], [sflag:$0x2], $0x800, $0x38;
	[tilespmem:$0x1F300] =	vst v63  }
0x72: {  	s22 =	rddreg [dreg:$0x1a]  }
0x73: {  	[spmem:s21] =	stream.linear.scatter [tilespmem:s7], [sflag:$0x2], $0x800, $0x38;
	[tilespmem:$0x1F300] =	vst v63  }
0x74: {  	s23 =	rddreg [dreg:$0x1b]  }
0x75: {  	[spmem:s22] =	stream.linear.scatter [tilespmem:s7], [sflag:$0x2], $0x800, $0x38;
	[tilespmem:$0x1F300] =	vst v63  }
0x76: {  	s25 =	rddreg [dreg:$0x1c]  }
0x77: {  	[spmem:s23] =	stream.linear.scatter [tilespmem:s7], [sflag:$0x2], $0x800, $0x38;
	[tilespmem:$0x1F300] =	vst v63  }
0x78: {  	s26 =	rddreg [dreg:$0x1d]  }
0x79: {  	[spmem:s25] =	stream.linear.scatter [tilespmem:s7], [sflag:$0x2], $0x800, $0x38;
	[tilespmem:$0x1F300] =	vst v63  }
0x7a: {  	s28 =	rddreg [dreg:$0x1e]  }
0x7b: {  	[spmem:s26] =	stream.linear.scatter [tilespmem:s7], [sflag:$0x2], $0x800, $0x38;
	[tilespmem:$0x1F300] =	vst v63  }
0x7c: {  	s21 =	rddreg [dreg:$0x1f]  }
0x7d: {  	[spmem:s28] =	stream.linear.scatter [tilespmem:s7], [sflag:$0x2], $0x800, $0x38;
	[tilespmem:$0x1F300] =	vst v63  }
0x7e: {  	s22 =	sld [smem:$0x7ED]  }
0x7f: {  	[spmem:s21] =	stream.linear.scatter [tilespmem:s7], [sflag:$0x2], $0x800, $0x38;
	[tilespmem:$0x1F300] =	vst v63  }
0x80: {  	s23 =	sld [smem:$0x7EE]  }
0x81: {  	[spmem:s22] =	stream.linear.scatter [tilespmem:s7], [sflag:$0x2], $0x800, $0x38;
	[tilespmem:$0x1F300] =	vst v63  }
0x82: {  	s25 =	sld [smem:$0x7EF]  }
0x83: {  	[spmem:s23] =	stream.linear.scatter [tilespmem:s7], [sflag:$0x2], $0x800, $0x38;
	[tilespmem:$0x1F300] =	vst v63  }
0x84: {  	s26 =	sld [smem:$0x7F0]  }
0x85: {  	[spmem:s25] =	stream.linear.scatter [tilespmem:s7], [sflag:$0x2], $0x800, $0x38;
	[tilespmem:$0x1F300] =	vst v63  }
0x86: {  	s28 =	sld [smem:$0x7F1]  }
0x87: {  	[spmem:s26] =	stream.linear.scatter [tilespmem:s7], [sflag:$0x2], $0x800, $0x38;
	[tilespmem:$0x1F300] =	vst v63  }
0x88: {  	s21 =	sld [smem:$0x7F2]  }
0x89: {  	[spmem:s28] =	stream.linear.scatter [tilespmem:s7], [sflag:$0x2], $0x800, $0x38;
	[tilespmem:$0x1F300] =	vst v63  }
0x8a: {  	s22 =	sld [smem:$0x7F3]  }
0x8b: {  	[spmem:s21] =	stream.linear.scatter [tilespmem:s7], [sflag:$0x2], $0x800, $0x38;
	[tilespmem:$0x1F300] =	vst v63  }
0x8c: {  	s23 =	sld [smem:$0x7F4]  }
0x8d: {  	[spmem:s22] =	stream.linear.scatter [tilespmem:s7], [sflag:$0x2], $0x800, $0x38;
	[tilespmem:$0x1F300] =	vst v63  }
0x8e: {  	s25 =	sld [smem:$0x7F5]  }
0x8f: {  	[spmem:s23] =	stream.linear.scatter [tilespmem:s7], [sflag:$0x2], $0x800, $0x38;
	[tilespmem:$0x1F300] =	vst v63  }
0x90: {  	s26 =	sld [smem:$0x7F6]  }
0x91: {  	[spmem:s25] =	stream.linear.scatter [tilespmem:s7], [sflag:$0x2], $0x800, $0x38;
	[tilespmem:$0x1F300] =	vst v63  }
0x92: {  	s28 =	sld [smem:$0x7F7]  }
0x93: {  	[spmem:s26] =	stream.linear.scatter [tilespmem:s7], [sflag:$0x2], $0x800, $0x38;
	[tilespmem:$0x1F300] =	vst v63  }
0x94: {  	s21 =	sld [smem:$0x7F8]  }
0x95: {  	[spmem:s28] =	stream.linear.scatter [tilespmem:s7], [sflag:$0x2], $0x800, $0x38;
	[tilespmem:$0x1F300] =	vst v63  }
0x96: {  	s22 =	sld [smem:$0x7F9]  }
0x97: {  	[spmem:s21] =	stream.linear.scatter [tilespmem:s7], [sflag:$0x2], $0x800, $0x38;
	[tilespmem:$0x1F300] =	vst v63  }
0x98: {  	s23 =	sld [smem:$0x7FA]  }
0x99: {  	[spmem:s22] =	stream.linear.scatter [tilespmem:s7], [sflag:$0x2], $0x800, $0x38;
	[tilespmem:$0x1F300] =	vst v63  }
0x9a: {  	s25 =	sld [smem:$0x7FB]  }
0x9b: {  	[spmem:s23] =	stream.linear.scatter [tilespmem:s7], [sflag:$0x2], $0x800, $0x38;
	[tilespmem:$0x1F300] =	vst v63  }
0x9c: {  	s26 =	sld [smem:$0x7FC]  }
0x9d: {  	[spmem:s25] =	stream.linear.scatter [tilespmem:s7], [sflag:$0x2], $0x800, $0x38;
	[tilespmem:$0x1F300] =	vst v63  }
0x9e: {  	s28 =	sld [smem:$0x7FD]  }
0x9f: {  	[spmem:s26] =	stream.linear.scatter [tilespmem:s7], [sflag:$0x2], $0x800, $0x38;
	[tilespmem:$0x1F300] =	vst v63  }
0xa0: {  	_ = 	snop  }
0xa1: {  	[spmem:s28] =	stream.linear.scatter [tilespmem:s7], [sflag:$0x2], $0x800, $0x38;
	[tilespmem:$0x1F300] =	vst v63  }
0xa2: {  	_ = 	snop  }
0xa3: {  	[spmem:s24] =	stream.linear.scatter [tilespmem:s7], [sflag:$0x2], $0x800, $0x38;
	[tilespmem:$0x1F300] =	vst v63  }
0xa4: {  	_ = 	snop  }
0xa5: {  	[spmem:s29] =	stream.linear.scatter [tilespmem:s7], [sflag:$0x2], $0x800, $0x38;
	[tilespmem:$0x1F300] =	vst v63  }
0xa6: {  	_ = 	snop  }
0xa7: {  	[spmem:s12] =	stream.linear.scatter [tilespmem:s7], [sflag:$0x4], $0x80, $0x38;
	[tilespmem:$0x1F300] =	vst v63  }
0xa8: {  	_ = 	snop  }
0xa9: {  	[spmem:s30] =	stream.linear.scatter [tilespmem:s7], [sflag:$0x4], $0x80, $0x38;
	[tilespmem:$0x1F300] =	vst v63  }
0xaa: {  	_ = 	snop  }
0xab: {  	[spmem:s31] =	stream.linear.scatter [tilespmem:s7], [sflag:$0x4], $0x80, $0x38;
	[tilespmem:$0x1F300] =	vst v63  }
0xac: {  	_ = 	snop  }
0xad: {  	[spmem:s0] =	stream.linear.scatter [tilespmem:s7], [sflag:$0x4], $0x80, $0x38;
	[tilespmem:$0x1F300] =	vst v63  }
0xae: {  	_ = 	snop  }
0xaf: {  	[spmem:s4] =	stream.linear.scatter [tilespmem:s7], [sflag:$0x4], $0x80, $0x38;
	[tilespmem:$0x1F300] =	vst v63  }
0xb0: {  	_ =	swait.ge [sflag:s8], $0x800  }
0xb1: {  	s20 =	simm.s32 $0x27;
	[sflag:s8] =	ssyncset.done $0x0  }
.LBB2_4:
0xb2: {  	p0 =	sne.s32 s20, $0x1;
	s20 =	sadd.s32 $0xFFFFFFFF, s20;
	[sflag:s8] =	ssyncadd.s32 $0xFFFFF800  }
.Ltmp1:
0xb3: {  	(pc) =	sbr.rel @p0 .LBB2_4-.Ltmp1, $3  }
0xb4: {  	_ =	sdelay $0x1  }
0xb5: {  	_ =	swait.ge [sflag:s8], $0x800  }
0xb6: {  	[sflag:s8] =	ssyncset.done $0x0  }
0xb7: {  	[sflag:s8] =	ssyncadd.s32 $0xFFFFF800  }
0xb8: {  	_ =	swait.ge [sflag:s10], $0x80  }
0xb9: {  	[sflag:s10] =	ssyncset.done $0x0  }
0xba: {  	[sflag:s10] =	ssyncadd.s32 $0xFFFFFF80  }
0xbb: {  	_ =	swait.ge [sflag:s10], $0x80  }
0xbc: {  	[sflag:s10] =	ssyncset.done $0x0  }
0xbd: {  	[sflag:s10] =	ssyncadd.s32 $0xFFFFFF80  }
0xbe: {  	_ =	swait.ge [sflag:s10], $0x80  }
0xbf: {  	[sflag:s10] =	ssyncset.done $0x0  }
0xc0: {  	[sflag:s10] =	ssyncadd.s32 $0xFFFFFF80  }
0xc1: {  	_ =	swait.ge [sflag:s10], $0x80  }
0xc2: {  	[sflag:s10] =	ssyncset.done $0x0  }
0xc3: {  	[sflag:s10] =	ssyncadd.s32 $0xFFFFFF80  }
0xc4: {  	_ =	swait.ge [sflag:s10], $0x80  }
0xc5: {  	[sflag:s10] =	ssyncset.done $0x0  }
0xc6: {  	[sflag:s10] =	ssyncadd.s32 $0xFFFFFF80  }
0xc7: {  	[bflag:$0x0] =	sbarrier.arrive $0xFFFF  }
0xc8: {  	s20 =	simm.s32 $0xFFFFF400;
	s21 =	simm.s32 $0xFFFFFFFD;
	s22 =	rddreg [dreg:$0x15]  }
.LBB2_6:
0xc9: {  	s23 =	sadd.s32 $0x3, s21  }
0xca: {  	p0 =	slt.u32 s23, $0x4  }
0xcb: {  	s25 =	simm.s32 @!p0 $0x3  }
0xcc: {  	_ =	swait.ge @!p0 [sflag:s25], $0x2800  }
0xcd: {  	[sflag:s25] =	ssyncset.done @!p0 $0x0  }
0xce: {  	[sflag:s25] =	ssyncadd.s32 @!p0 $0xFFFFD800;
	s25 =	simm.s32 @!p0 $0x4  }
0xcf: {  	s26 =	sand.u32 $0x3, s23;
	_ =	swait.ge @!p0 [sflag:s25], $0x50  }
0xd0: {  	s26 =	smul.u32 $0xA000, s26;
	[sflag:s25] =	ssyncset.done @!p0 $0x0  }
0xd1: {  	[sflag:s25] =	ssyncadd.s32 @!p0 $0xFFFFFFB0  }
0xd2: {  	s28 =	sadd.s32 $0xC00, s20;
	s25 =	sshrl.u32 s26, $0x2;
	_ =	swait.ge [sflag:s11], $0x100  }
0xd3: {  	s26 =	sand.u32 $0x1C00, s28;
	p0 =	slt.u32 s23, $0x3;
	[sflag:s11] =	ssyncset.done $0x0  }
0xd4: {  	s25 =	sadd.s32 $0x800, s25;
	s26 =	sshrl.u32 s26, $0x2;
	[sflag:s11] =	ssyncadd.s32 $0xFFFFFF00  }
0xd5: {  	[tilespmem:s25], [sflag:$0x2] =	stream.indirect.gather [hbm4b:s1+s13], $0x80, s26, s13, $0xb8;
	[tilespmem:$0x1F300] =	vst v63  }
0xd6: {  	s25 =	sand.u32 @!p0 $0x3, s21;
	s26 =	simm.s32 @!p0 $0x2  }
0xd7: {  	s25 =	smul.u32 @!p0 $0xA000, s25;
	_ =	swait.ge @!p0 [sflag:s26], $0x2800  }
0xd8: {  	s28 =	sand.u32 @!p0 $0x1C00, s20;
	[sflag:s26] =	ssyncset.done @!p0 $0x0  }
0xd9: {  	s28 =	sshrl.u32 @!p0 s28, $0x2;
	s25 =	sshrl.u32 @!p0 s25, $0x2;
	[sflag:s26] =	ssyncadd.s32 @!p0 $0xFFFFD800  }
0xda: {  	s26 =	sor.u32 @!p0 $0x80, s28;
	s28 =	simm.s32 @!p0 $0x50;
	s25 =	sadd.s32 @!p0 $0x800, s25  }
0xdb: {  	[spmem:s2] =	stream.indirect.scatter.add.f32 @!p0 [tilespmem:s25], [sflag:$0x3], $0x80, s26, s28, $0xb8;
	[tilespmem:$0x1F300] =	vst v63  }
0xdc: {  	p1 =	sgt.u32 @!p0 s23, $0x79;
	s25 =	simm.s32 @!p0 $0xA800  }
0xdd: {  	[spmem:s3] =	stream.indirect.scatter.add.f32 @!p0 [tilespmem:s25], [sflag:$0x4], $0x1, s26, s28, $0xb8;
	[tilespmem:$0x1F300] =	vst v63  }
0xde: {  	p0 =	por p0, !p1  }
0xdf: {  	s23 =	sadd.s32 @p0 $0x1800, s20  }
0xe0: {  	s23 =	sand.u32 @p0 $0x1C00, s23  }
0xe1: {  	s21 =	sadd.s32 $0x1, s21;
	s23 =	sshrl.u32 @p0 s23, $0x2  }
0xe2: {  	[tilespmem:s23], [sflag:$0x1] =	stream.linear.gather @p0 [hbm4b:s22+s5], $0x100, $0x38;
	[tilespmem:$0x1F300] =	vst v63  }
0xe3: {  	p0 =	sne.s32 s21, $0x7A  }
.Ltmp2:
0xe4: {  	_ = 	snop;
	(pc) =	sbr.rel @p0 .LBB2_6-.Ltmp2, $2  }
0xe5: {  	_ =	sdelay $0x2  }
0xe6: {  	s20 =	sadd.s32 $0x400, s20;
	s22 =	sadd.s32 $0x20, s22  }
0xe7: {  	_ =	swait.ge [sflag:s8], $0x2800  }
0xe8: {  	[sflag:s8] =	ssyncset.done $0x0  }
0xe9: {  	s20 =	simm.s32 $0x5800;
	[sflag:s8] =	ssyncadd.s32 $0xFFFFD800  }
0xea: {  	[spmem:s2] =	stream.indirect.scatter.add.f32 [tilespmem:s20], [sflag:$0x3], $0x80, s14, s13, $0xb8;
	[tilespmem:$0x1F300] =	vst v63  }
0xeb: {  	_ = 	snop  }
0xec: {  	[spmem:s3] =	stream.indirect.scatter.add.f32 [tilespmem:s15], [sflag:$0x4], $0x1, s14, s13, $0xb8;
	[tilespmem:$0x1F300] =	vst v63  }
0xed: {  	_ =	swait.ge [sflag:s8], $0x2800  }
0xee: {  	[sflag:s8] =	ssyncset.done $0x0  }
0xef: {  	s26 =	simm.s32 $0x8000;
	[sflag:s8] =	ssyncadd.s32 $0xFFFFD800  }
0xf0: {  	[spmem:s2] =	stream.indirect.scatter.add.f32 [tilespmem:s26], [sflag:$0x3], $0x80, s16, s13, $0xb8;
	[tilespmem:$0x1F300] =	vst v63  }
0xf1: {  	_ = 	snop  }
0xf2: {  	[spmem:s3] =	stream.indirect.scatter.add.f32 [tilespmem:s15], [sflag:$0x4], $0x1, s16, s13, $0xb8;
	[tilespmem:$0x1F300] =	vst v63  }
0xf3: {  	_ =	swait.ge [sflag:s8], $0x2800  }
0xf4: {  	[sflag:s8] =	ssyncset.done $0x0  }
0xf5: {  	s28 =	simm.s32 $0x800;
	[sflag:s8] =	ssyncadd.s32 $0xFFFFD800  }
0xf6: {  	[spmem:s2] =	stream.indirect.scatter.add.f32 [tilespmem:s28], [sflag:$0x3], $0x80, s17, s13, $0xb8;
	[tilespmem:$0x1F300] =	vst v63  }
0xf7: {  	_ = 	snop  }
0xf8: {  	[spmem:s3] =	stream.indirect.scatter.add.f32 [tilespmem:s15], [sflag:$0x4], $0x1, s17, s13, $0xb8;
	[tilespmem:$0x1F300] =	vst v63  }
0xf9: {  	_ =	swait.ge [sflag:s18], $0x2800  }
0xfa: {  	[sflag:s18] =	ssyncset.done $0x0  }
0xfb: {  	[sflag:s18] =	ssyncadd.s32 $0xFFFFD800  }
0xfc: {  	_ =	swait.ge [sflag:s10], $0x50  }
0xfd: {  	[sflag:s10] =	ssyncset.done $0x0  }
0xfe: {  	[sflag:s10] =	ssyncadd.s32 $0xFFFFFFB0  }
0xff: {  	_ =	swait.ge [sflag:s18], $0x2800  }
0x100: {  	[sflag:s18] =	ssyncset.done $0x0  }
0x101: {  	[sflag:s18] =	ssyncadd.s32 $0xFFFFD800  }
0x102: {  	_ =	swait.ge [sflag:s10], $0x50  }
0x103: {  	[sflag:s10] =	ssyncset.done $0x0  }
0x104: {  	[sflag:s10] =	ssyncadd.s32 $0xFFFFFFB0  }
0x105: {  	_ =	swait.ge [sflag:s18], $0x2800  }
0x106: {  	[sflag:s18] =	ssyncset.done $0x0  }
0x107: {  	[sflag:s18] =	ssyncadd.s32 $0xFFFFD800  }
0x108: {  	_ =	swait.ge [sflag:s10], $0x50  }
0x109: {  	[sflag:s10] =	ssyncset.done $0x0  }
0x10a: {  	[sflag:s10] =	ssyncadd.s32 $0xFFFFFFB0  }
0x10b: {  	_ =	swait.ge [sflag:s18], $0x2800  }
0x10c: {  	[sflag:s18] =	ssyncset.done $0x0  }
0x10d: {  	[sflag:s18] =	ssyncadd.s32 $0xFFFFD800  }
0x10e: {  	_ =	swait.ge [sflag:s10], $0x50  }
0x10f: {  	[sflag:s10] =	ssyncset.done $0x0  }
0x110: {  	s21 =	stileid.u32;
	[sflag:s10] =	ssyncadd.s32 $0xFFFFFFB0  }
0x111: {  	s20 =	sshll.u32 s21, $0x6;
	[bflag:$0x0] =	sbarrier.arrive $0xFFFF  }
0x112: {  	s21 =	sshrl.u32 s9, $0x3;
	s20 =	sor.u32 $0x1C05, s20;
	s22 =	rddreg [dreg:$0x8]  }
0x113: {  	[hbm:s22], [sflag:s20] =	dma.local [spmem:s21], $0x2800  }
0x114: {  	_ =	swait.ge [sflag:s19], $0x2800  }
0x115: {  	s23 =	simm.s32 $0x20;
	s25 =	simm.s32 $0x10;
	[sflag:s19] =	ssyncset.done $0x0  }
0x116: {  	s22 =	sshrl.u32 s12, $0x3;
	s26 =	rddreg [dreg:$0x9];
	[sflag:s19] =	ssyncadd.s32 $0xFFFFD800  }
0x117: {  	[hbm:s26@s23], [sflag:s20] =	dma.strided [spmem:s22@s25], $0x50, s11, $0x10   }
0x118: {  	_ =	swait.ge [sflag:s19], $0x50  }
0x119: {  	s6 =	sadd.s32 $0x1, s6;
	s28 =	rddreg [dreg:$0xa]  }
0x11a: {  	p0 =	sne.s32 s6, s28  }
.Ltmp3:
0x11b: {  	_ = 	snop;
	(pc) =	sbr.rel @p0 .LBB2_1-.Ltmp3, $3  }
0x11c: {  	_ =	sdelay $0x1  }
0x11d: {  	[sflag:s19] =	ssyncset.done $0x0  }
0x11e: {  	[sflag:s19] =	ssyncadd.s32 $0xFFFFFFB0  }
0x11f: {  	_ =	sfence.sel $0x180000  }
0x120: {  	[bflag:$0x0] =	sbarrier.arrive $0xFFFF  }
0x121: {  	_ =	strace $0x90000047  }
0x122: {  	s0 =	stileid.u32;
	[bflag:$0x2] =	sbarrier.arrive $0xFFFF  }
0x123: {  	p0 =	sne.s32 s0, $0x0;
	s0 =	rddreg [dreg:$0x4]  }
0x124: {  	s0 =	sadd.s32 @!p0 $0x100000, s0  }
0x125: {  	[sflag:s0] =	ssyncadd.tile.s32 @!p0 $0x1;
	_ =	shalt  }
.Lfunc_end2:
_tile_overlayer_lowered:
.L_overlay_start_2:
0x126: {  	(tag) =	ssettag $0x2  }
0x127: {  	s0 =	rddreg [dreg:$0x0];
	s2 =	stileid.u32  }
0x128: {  	s1 =	rddreg [dreg:$0x1];
	p0 =	sne.s32 s2, $0x0  }
0x129: {  	s3 =	rddreg [dreg:$0x2];
	[bflag:$0x3] =	sbarrier.arrive $0xFFFF;
	s2 =	simm.s32 @!p0 $0x1C05  }
0x12a: {  	[timem:s3], [sflag:s2] =	dma.local @!p0 [hbm:s0], s1  }
0x12b: {  	s0 =	simm.s32 @!p0 $0x5  }
0x12c: {  	_ =	swait.ge @!p0 [sflag:s0], s1  }
0x12d: {  	s1 =	ssub.s32 @!p0 $0x0, s1;
	[sflag:s0] =	ssyncset.done @!p0 $0x0  }
0x12e: {  	[sflag:s0] =	ssyncadd.s32 @!p0 s1  }
0x12f: {  	[bflag:$0x3] =	sbarrier.arrive $0xFFFF  }
0x130: {  	_ =	shalt  }

// kernel: kernel.9.cloned.1.call-start
scs
__scs_entry_jumppad:
0x0: {  	(pc) =	sbr.rel $0x88, $3  }
0x1: {  	(tag) =	ssettag $0x0;
	lr =	simm.s32 $0x1  }
0x2: {  	[smem:$0x3F94] =	sst lr;
	_ =	strace $0xD0000000  }
0x3: {  	_ = 	snop  }
0x4: {  	_ = 	snop  }
0x5: {  	_ = 	snop  }
0x6: {  	_ = 	snop  }
0x7: {  	_ = 	snop  }
__scs_overlays_trampoline_lowered:
0x8: {  	[smem:$0x3FA3] =	sst s0  }
0x9: {  	[smem:$0x3FA4] =	sst s1  }
0xa: {  	[smem:$0x3FA5] =	sst s2  }
0xb: {  	[smem:$0x3FA6] =	sst s3  }
0xc: {  	[smem:$0x3FA7] =	sst s4  }
0xd: {  	[smem:$0x3FA8] =	sst s5  }
0xe: {  	[smem:$0x3FA9] =	sst s6  }
0xf: {  	[smem:$0x3FAA] =	sst s7  }
0x10: {  	[smem:$0x3FAB] =	sst s8  }
0x11: {  	[smem:$0x3FAC] =	sst s9;
	s0 =	simm.s32 @!p0 $0x0  }
0x12: {  	s1 =	sld [smem:$0x3F92];
	s0 =	simm.s32 @p0 $0x1  }
0x13: {  	[smem:$0x3FAD] =	sst s0;
	s0 =	simm.s32 @!p1 $0x0  }
0x14: {  	s2 =	sld [smem:$0x3F91];
	s0 =	simm.s32 @p1 $0x1  }
0x15: {  	[smem:$0x3FAE] =	sst s0;
	s0 =	simm.s32 @!p2 $0x0  }
0x16: {  	s3 =	sld [smem:$0x3FDB];
	s0 =	simm.s32 @p2 $0x1  }
0x17: {  	s4 =	simm.s32 $0x1BF5;
	[smem:$0x3FB0] =	sst s0  }
0x18: {  	s0 =	sld [smem:$0x3F93];
	_ =	swait.ge [sflag:s4], $0x0  }
0x19: {  	s7 =	sld [smem:$0x3F94]  }
0x1a: {  	s8 =	sadd.s32 $0xFFFFE003, lr  }
0x1b: {  	s9 =	sadd.s32 $0xFFFFFEF7, lr;
	s5 =	simm.s32 $0xFFFFFFFF;
	p2 =	slt.u32 s8, $0xFFFFF086  }
0x1c: {  	p1 =	slt.u32 s9, $0xF7A;
	s5 =	simm.s32 @!p2 $0x0  }
0x1d: {  	s5 =	simm.s32 @p1 $0x1;
	p0 =	seq.s32 s7, s2  }
0x1e: {  	s7 =	smul.u32 @!p0 $0xF7A, s2;
	p2 =	seq.s32 @!p0 s5, $0x0  }
0x1f: {  	s9 =	smul.u32 $0xF7A, s1;
	s8 =	simm.s32 @!p0 $0x1BF5;
	p2 =	por !p2, p0  }
0x20: {  	[sflag:s8] =	ssyncset.s32 @!p0 $0xFFFFF086;
	s6 =	sadd.s32 @!p0 s3, s7;
	s7 =	simm.s32 @!p0 $0x108  }
0x21: {  	s3 =	sadd.s32 s3, s9;
	s6 =	sadd.s32 @!p0 $0x88, s6;
	s7 =	simm.s32 @p2 $0x1082  }
0x22: {  	[simem:s7], [sflag:s8] =	dma.local @!p0 [hbm:s6], $0xF7A  }
0x23: {  	s9 =	sor.u32 $0xD0000000, s2;
	s6 =	simm.s32 $0x108;
	_ =	swait.ge @!p0 [sflag:s8], $0x0  }
0x24: {  	s3 =	sadd.s32 $0x88, s3;
	s6 =	simm.s32 @!p1 $0x1082;
	[sflag:s4] =	ssyncset.s32 $0xFFFFF086  }
0x25: {  	[simem:s6], [sflag:s4] =	dma.local [hbm:s3], $0xF7A  }
0x26: {  	[smem:$0x3F94] =	sst s1;
	(tag) =	ssettag s2;
	_ =	strace s9  }
0x27: {  	s1 =	sld [smem:$0x3FA4]  }
0x28: {  	s2 =	sld [smem:$0x3FA5]  }
0x29: {  	s4 =	sld [smem:$0x3FA7]  }
0x2a: {  	p0 =	seq.s32 s5, $0x0;
	s5 =	sld [smem:$0x3FA8]  }
0x2b: {  	s6 =	sld [smem:$0x3FA9]  }
0x2c: {  	s7 =	sld [smem:$0x3FAA]  }
0x2d: {  	s3 =	simm.s32 $0x108;
	s8 =	sld [smem:$0x3FAB]  }
0x2e: {  	s3 =	simm.s32 @!p0 $0x1082;
	s9 =	sld [smem:$0x3FAC]  }
0x2f: {  	lr =	sadd.s32 s0, s3;
	s0 =	sld [smem:$0x3FA3]  }
0x30: {  	s3 =	sld [smem:$0x3FA6]  }
0x31: {  	[smem:$0x3FAF] =	sst s10  }
0x32: {  	s10 =	sld [smem:$0x3FAD];
	_ =	sdelay $0x3  }
0x33: {  	p0 =	seq.s32 s10, $0x1;
	s10 =	sld [smem:$0x3FAF];
	_ =	sdelay $0x3  }
0x34: {  	[smem:$0x3FAF] =	sst s10  }
0x35: {  	s10 =	sld [smem:$0x3FAE];
	_ =	sdelay $0x3  }
0x36: {  	p1 =	seq.s32 s10, $0x1;
	s10 =	sld [smem:$0x3FAF];
	_ =	sdelay $0x3  }
0x37: {  	[smem:$0x3FAF] =	sst s10  }
0x38: {  	s10 =	sld [smem:$0x3FB0]  }
0x39: {  	_ = 	snop;
	(pc) =	sbr.ind lr, $3  }
0x3a: {  	_ = 	snop  }
0x3b: {  	_ = 	snop  }
0x3c: {  	p2 =	seq.s32 s10, $0x1;
	s10 =	sld [smem:$0x3FAF]  }
0x3d: {  	_ =	shalt  }
0x3e: {  	_ =	shalt  }
0x3f: {  	_ =	shalt  }
0x40: {  	_ =	shalt  }
0x41: {  	_ =	shalt  }
0x42: {  	_ =	shalt  }
0x43: {  	_ =	shalt  }
0x44: {  	_ =	shalt  }
0x45: {  	_ =	shalt  }
0x46: {  	_ =	shalt  }
0x47: {  	_ =	shalt  }
0x48: {  	_ =	shalt  }
0x49: {  	_ =	shalt  }
0x4a: {  	_ =	shalt  }
0x4b: {  	_ =	shalt  }
0x4c: {  	_ =	shalt  }
0x4d: {  	_ =	shalt  }
0x4e: {  	_ =	shalt  }
0x4f: {  	_ =	shalt  }
0x50: {  	_ =	shalt  }
0x51: {  	_ =	shalt  }
0x52: {  	_ =	shalt  }
0x53: {  	_ =	shalt  }
0x54: {  	_ =	shalt  }
0x55: {  	_ =	shalt  }
0x56: {  	_ =	shalt  }
0x57: {  	_ =	shalt  }
0x58: {  	_ =	shalt  }
0x59: {  	_ =	shalt  }
0x5a: {  	_ =	shalt  }
0x5b: {  	_ =	shalt  }
0x5c: {  	_ =	shalt  }
0x5d: {  	_ =	shalt  }
0x5e: {  	_ =	shalt  }
0x5f: {  	_ =	shalt  }
0x60: {  	_ =	shalt  }
0x61: {  	_ =	shalt  }
0x62: {  	_ =	shalt  }
0x63: {  	_ =	shalt  }
0x64: {  	_ =	shalt  }
0x65: {  	_ =	shalt  }
0x66: {  	_ =	shalt  }
0x67: {  	_ =	shalt  }
0x68: {  	_ =	shalt  }
0x69: {  	_ =	shalt  }
0x6a: {  	_ =	shalt  }
0x6b: {  	_ =	shalt  }
0x6c: {  	_ =	shalt  }
0x6d: {  	_ =	shalt  }
0x6e: {  	_ =	shalt  }
0x6f: {  	_ =	shalt  }
0x70: {  	_ =	shalt  }
0x71: {  	_ =	shalt  }
0x72: {  	_ =	shalt  }
0x73: {  	_ =	shalt  }
0x74: {  	_ =	shalt  }
0x75: {  	_ =	shalt  }
0x76: {  	_ =	shalt  }
0x77: {  	_ =	shalt  }
0x78: {  	_ =	shalt  }
0x79: {  	_ =	shalt  }
0x7a: {  	_ =	shalt  }
0x7b: {  	_ =	shalt  }
0x7c: {  	_ =	shalt  }
0x7d: {  	_ =	shalt  }
0x7e: {  	_ =	shalt  }
0x7f: {  	_ =	shalt  }
0x80: {  	_ =	shalt  }
0x81: {  	_ =	shalt  }
0x82: {  	_ =	shalt  }
0x83: {  	_ =	shalt  }
0x84: {  	_ =	shalt  }
0x85: {  	_ =	shalt  }
0x86: {  	_ =	shalt  }
0x87: {  	_ =	shalt  }
.Lfunc_end0:
.L_simem_size_0:
called_computation.1_lowered:
.L_overlay_start_0:
0x88: {  	s2 =	sld [smem:$0x3FD9]  }
0x89: {  	s3 =	sld [smem:$0x3FFE];
	_ =	sdelay $0x1  }
0x8a: {  	s1 =	srdreg.scid  }
0x8b: {  	s0 =	sand.u32 $0x1, s1  }
0x8c: {  	s16 =	sshll.u32 s0, $0xA;
	s2 =	sadd.s32 s3, s2  }
0x8d: {  	s2 =	sadd.s32 s2, s16  }
0x8e: {  	[smem:$0x3FBB] =	sst s2  }
0x8f: {  	_ = 	snop  }
0x90: {  	(tm) =	ssettm $0x1  }
0x91: {  	s17 =	sld [smem:$0x3FFB];
	_ =	sdelay $0x3  }
0x92: {  	_ =	strace s17  }
0x93: {  	s2 =	sld [smem:$0x3FFC];
	_ =	sdelay $0x3  }
0x94: {  	_ =	strace s2  }
0x95: {  	s2 =	sld [smem:$0x3FFD];
	_ =	sdelay $0x3  }
0x96: {  	_ =	strace s2  }
0x97: {  	_ =	strace $0x8FFFFFFF  }
0x98: {  	s18 =	sld [smem:$0x3FDB];
	_ =	sdelay $0x1  }
0x99: {  	s19 =	simm.s32 $_scs_section_size  }
0x9a: {  	s4 =	simm.s32 $_size__tile_overlayer_lowered;
	s5 =	simm.s32 $_tile_overlayer_lowered  }
0x9b: {  	s22 =	simm.s32 $0x1BFF;
	s21 =	sshll.u32 s5, $0x1;
	s2 =	sadd.s32 s19, s18  }
0x9c: {  	s6 =	simm.s32 $0x0;
	s20 =	sshll.u32 s4, $0x1;
	s4 =	sadd.s32 s21, s2  }
0x9d: {  	[timem:s6], [sflag:s22] =	dma.local [hbm:s4], s20  }
0x9e: {  	_ =	swait.ge [sflag:s22], s20  }
0x9f: {  	s3 =	ssub.s32 $0x0, s20;
	[sflag:s22] =	ssyncset.done $0x0  }
0xa0: {  	[sflag:s22] =	ssyncadd.s32 s3;
	_ =	sdelay $0x1  }
0xa1: {  	s23 =	simm.s32 $0x1B8B  }
0xa2: {  	_ =	swait.ge [sflag:s23], $0x1  }
0xa3: {  	[sflag:s23] =	ssyncset.done $0x0  }
0xa4: {  	s25 =	simm.s32 $0x1B8E;
	s24 =	sld [smem:$0x3FFE];
	[sflag:s23] =	ssyncadd.s32 $0xFFFFFFFF  }
0xa5: {  	s26 =	simm.s32 $execute0_lowered;
	[smem:$0x3FD2] =	sst s25  }
0xa6: {  	s4 =	sshll.u32 s26, $0x1;
	_ =	strace $0x80000049;
	[dreg:$0x1] =	wrdreg $0xFFFFFFFF  }
0xa7: {  	s28 =	simm.s32 $_size_execute0_lowered;
	s2 =	sadd.s32 s2, s4;
	[dreg:$0x0] =	wrdreg $0x0  }
0xa8: {  	s4 =	sshll.u32 s28, $0x1;
	[dreg:$0x2] =	wrdreg s2  }
0xa9: {  	[dreg:$0x3] =	wrdreg s4  }
0xaa: {  	[dreg:$0x4] =	wrdreg $0xC0  }
0xab: {  	_ =	task [dreg:s6], $0x5FFFF  }
0xac: {  	[dreg:$0x1] =	wrdreg $0xFFFFFFFF  }
0xad: {  	[dreg:$0x0] =	wrdreg $0x60  }
0xae: {  	[dreg:$0x2] =	wrdreg s24  }
0xaf: {  	[dreg:$0x3] =	wrdreg $0xB0800  }
0xb0: {  	[dreg:$0x4] =	wrdreg $0x9  }
0xb1: {  	_ =	task.clear_ibuf [dreg:s6], $0x5FFFF;
	_ =	strace $0x90000049  }
0xb2: {  	s29 =	simm.s32 $0x9;
	_ =	strace $0x8000004B  }
0xb3: {  	_ =	swait.ge [sflag:s29], $0x1  }
0xb4: {  	[sflag:s29] =	ssyncadd.s32 $0xFFFFFFFF  }
0xb5: {  	_ =	strace $0x9000004B  }
0xb6: {  	_ =	sfence  }
0xb7: {  	s30 =	sld [smem:$0x0];
	_ =	sdelay $0x2  }
0xb8: {  	s31 =	sshll.u32 s1, $0xD;
	s1 =	sshrl.u32 s1, $0x2  }
0xb9: {  	s3 =	sand.u32 $0x4000, s31;
	s1 =	sadd.s32 s1, s30  }
0xba: {  	s0 =	sor.u32 s3, s0;
	s1 =	sshll.u32 s1, $0x11  }
0xbb: {  	s0 =	sor.u32 s1, s0  }
0xbc: {  	s0 =	sadd.s32 $0x8F2B, s0  }
0xbd: {  	[sflag:s0] =	ssyncadd.remote.s32 $0x1  }
0xbe: {  	_ =	sfence.sel $0xFFFF  }
0xbf: {  	[dreg:$0x0] =	wrdreg $0xFFFFFFFF;
	(pc) =	sbr.abs _section_cstart, $3  }
0xc0: {  	[dreg:$0x1] =	wrdreg $0xFFFFFFFF  }
0xc1: {  	_ =	task.clear_ibuf [dreg:s6], $0x2FFFF;
	_ =	strace $0x9FFFFFFF  }
0xc2: {  	(tm) =	ssettm $0x7FFFFFFF  }
0xc3: {  	_ =	shalt  }
tec
execute0_lowered:
.L_overlay_start_1:
0x0: {  	(tag) =	ssettag $0x1  }
0x1: {  	s2 =	srdreg.scid  }
0x2: {  	s11 =	stileid.u32;
	s2 =	sand.u32 $0x1, s2  }
0x3: {  	s0 =	rddreg [dreg:$0x0];
	s10 =	smul.u32 $0x50000, s11;
	s8 =	ssub.s32 $0x2, s2  }
0x4: {  	s1 =	rddreg [dreg:$0x1];
	s3 =	simm.s32 $0x0;
	s9 =	sshrl.u32 s8, $0x1  }
0x5: {  	s28 =	simm.s32 $0x50;
	s17 =	sshrl.u32 s10, $0x2;
	s15 =	ssub.s32 s8, s9  }
0x6: {  	[smem:$0x7FF] =	sst s3;
	s8 =	sadd.s32 s17, s1;
	s18 =	smax.u32 s15, $0x1  }
0x7: {  	_ =	strace $0x8000004A;
	s19 =	sadd.s32 $0x800, s8;
	[dreg:$0x7] =	wrdreg s18  }
0x8: {  	s29 =	simm.s32 $0x3;
	s20 =	sadd.s32 $0x1000, s8;
	[dreg:$0x8] =	wrdreg s19  }
0x9: {  	s30 =	simm.s32 $0x4;
	s22 =	sadd.s32 $0x1800, s8;
	[dreg:$0x9] =	wrdreg s20  }
0xa: {  	s31 =	simm.s32 $0x0;
	s23 =	sadd.s32 $0x2000, s8;
	[dreg:$0xa] =	wrdreg s22  }
0xb: {  	s6 =	smul.u32 $0x14000, s11;
	s24 =	sadd.s32 $0x2800, s8;
	[dreg:$0xb] =	wrdreg s23  }
0xc: {  	s4 =	sshll.u32 s11, $0x1;
	s25 =	sadd.s32 $0x3000, s8;
	[dreg:$0xc] =	wrdreg s24  }
0xd: {  	s21 =	smul.u32 $0xFA00, s11;
	s26 =	sadd.s32 $0x3800, s8;
	[dreg:$0xd] =	wrdreg s25  }
0xe: {  	s5 =	smul.u32 $0x140000, s2;
	s9 =	sadd.s32 $0x4800, s8;
	[dreg:$0xe] =	wrdreg s26  }
0xf: {  	s7 =	sor.u32 s2, s4;
	s10 =	sadd.s32 $0x5000, s8;
	[dreg:$0x10] =	wrdreg s9  }
0x10: {  	s13 =	smul.u32 $0x7D00, s7;
	s11 =	sadd.s32 $0x5800, s8;
	[dreg:$0x11] =	wrdreg s10  }
0x11: {  	s5 =	sadd.s32 s6, s5;
	s12 =	sadd.s32 $0x6000, s8;
	[dreg:$0x12] =	wrdreg s11  }
0x12: {  	s6 =	sshrl.u32 s13, $0x3;
	s13 =	sadd.s32 $0x6800, s8;
	[dreg:$0x13] =	wrdreg s12  }
0x13: {  	s14 =	sadd.s32 $0x2A00, s0;
	s15 =	sadd.s32 $0x7800, s8;
	[dreg:$0x14] =	wrdreg s13  }
0x14: {  	s4 =	sadd.s32 $0x21E00, s0;
	s17 =	sadd.s32 $0x8800, s8;
	[dreg:$0x17] =	wrdreg s15  }
0x15: {  	s2 =	smul.u32 $0x7D00, s2;
	s6 =	sadd.s32 s14, s6;
	[dreg:$0x19] =	wrdreg s17  }
0x16: {  	s5 =	sshrl.u32 s5, $0x3;
	s18 =	sadd.s32 $0x9000, s8;
	[dreg:$0x3] =	wrdreg s6  }
0x17: {  	s0 =	sadd.s32 s5, s0;
	s19 =	sadd.s32 $0x9800, s8;
	[dreg:$0x1a] =	wrdreg s18  }
0x18: {  	s20 =	sadd.s32 $0xA000, s8;
	s22 =	sadd.s32 $0xB000, s8;
	[dreg:$0x1b] =	wrdreg s19  }
0x19: {  	s23 =	sadd.s32 $0xB800, s8;
	s24 =	sadd.s32 $0xC000, s8;
	[dreg:$0x1c] =	wrdreg s20  }
0x1a: {  	s25 =	sadd.s32 $0xC800, s8;
	s26 =	sadd.s32 $0xD000, s8;
	[dreg:$0x1e] =	wrdreg s22  }
0x1b: {  	s12 =	sadd.s32 $0xD800, s8;
	s13 =	sadd.s32 $0xE000, s8;
	[dreg:$0x1f] =	wrdreg s23  }
0x1c: {  	s15 =	sadd.s32 $0xF000, s8;
	s17 =	sadd.s32 $0x10000, s8;
	[smem:$0x7FB] =	sst s24  }
0x1d: {  	s5 =	sadd.s32 $0x11000, s8;
	s16 =	sadd.s32 $0x20, s6;
	[smem:$0x7FC] =	sst s25  }
0x1e: {  	s6 =	sadd.s32 $0x40, s6;
	s0 =	sadd.s32 $0xC2800, s0;
	[smem:$0x7FD] =	sst s26  }
0x1f: {  	s18 =	sadd.s32 $0x10800, s8;
	s19 =	sadd.s32 $0x11800, s8;
	s20 =	sadd.s32 $0x12000, s8  }
0x20: {  	s22 =	sadd.s32 $0x13000, s8;
	s23 =	sadd.s32 $0x13800, s8;
	[dreg:$0x4] =	wrdreg s16  }
0x21: {  	s25 =	simm.s32 $0xA880;
	s26 =	simm.s32 $0x2;
	[dreg:$0x5] =	wrdreg s6  }
0x22: {  	[dreg:$0x6] =	wrdreg s0;
	s6 =	sadd.s32 $0x4000, s8;
	s0 =	sadd.s32 s2, s21  }
0x23: {  	s16 =	sadd.s32 $0x8000, s8;
	[dreg:$0xf] =	wrdreg s6;
	s0 =	sadd.s32 $0x300, s0  }
0x24: {  	s21 =	sadd.s32 $0xA800, s8;
	[dreg:$0x18] =	wrdreg s16;
	s0 =	sshrl.u32 s0, $0x3  }
0x25: {  	s24 =	simm.s32 $0x1;
	[dreg:$0x1d] =	wrdreg s21;
	s0 =	sadd.s32 s0, s14  }
0x26: {  	s16 =	sadd.s32 $0xF800, s8;
	s14 =	sadd.s32 $0x7000, s8;
	[dreg:$0x15] =	wrdreg s0  }
0x27: {  	v0 =	vimm.f32 $0.0e+00;
	v1 =	vimm.f32 $1.000000000e+00;
	s21 =	sadd.s32 $0x12800, s8;
	[dreg:$0x16] =	wrdreg s14;
	s14 =	sadd.s32 $0xE800, s8  }
.LBB2_1:
0x28: {  	s0 =	rddreg [dreg:$0x3]  }
0x29: {  	s9 =	rddreg [dreg:$0x4]  }
0x2a: {  	[tilespmem:s3], [sflag:$0x1] =	stream.linear.gather [hbm4b:s0+s3], $0x100, $0x38;
	[tilespmem:$0x1F080] =	vst v63  }
0x2b: {  	s2 =	simm.s32 $0x100;
	s10 =	rddreg [dreg:$0x5]  }
0x2c: {  	[tilespmem:s2], [sflag:$0x1] =	stream.linear.gather [hbm4b:s9+s3], $0x100, $0x38;
	[tilespmem:$0x1F080] =	vst v63  }
0x2d: {  	s11 =	simm.s32 $0x200;
	s0 =	simm.s32 $0x0;
	s2 =	simm.s32 $0x200  }
0x2e: {  	[tilespmem:s11], [sflag:$0x1] =	stream.linear.gather [hbm4b:s10+s3], $0x100, $0x38;
	[tilespmem:$0x1F080] =	vst v63  }
.LBB2_2:
0x2f: {  	p0 =	sne.s32 s2, $0x1E00;
	[tilespmem:s0+$0xA8F0] =	vst v0  }
0x30: {  	[tilespmem:s0+$0xA880] =	vst v0  }
0x31: {  	[tilespmem:s0+$0xA890] =	vst v0  }
.Ltmp0:
0x32: {  	[tilespmem:s0+$0xA8A0] =	vst v0;
	(pc) =	sbr.rel @p0 .LBB2_2-.Ltmp0, $4  }
0x33: {  	[tilespmem:s0+$0xA8B0] =	vst v0  }
0x34: {  	[tilespmem:s0+$0xA8C0] =	vst v0  }
0x35: {  	[tilespmem:s0+$0xA8D0] =	vst v0  }
0x36: {  	[tilespmem:s0+$0xA8E0] =	vst v0;
	s0 =	sshra.s32 s2, $0x2;
	s2 =	sadd.s32 $0x200, s2  }
0x37: {  	[tilespmem:s0+$0xA8F0] =	vst v0  }
0x38: {  	[tilespmem:s0+$0xA880] =	vst v0  }
0x39: {  	[tilespmem:s0+$0xA890] =	vst v0  }
0x3a: {  	[tilespmem:s0+$0xA8A0] =	vst v0  }
0x3b: {  	[tilespmem:s0+$0xA8B0] =	vst v0  }
0x3c: {  	[tilespmem:s0+$0xA8C0] =	vst v0  }
0x3d: {  	[tilespmem:s0+$0xA8D0] =	vst v0  }
0x3e: {  	[tilespmem:s0+$0xA8E0] =	vst v0  }
0x3f: {  	[tilespmem:$0xA800] =	vst v1  }
0x40: {  	[tilespmem:$0xA810] =	vst v1  }
0x41: {  	[tilespmem:$0xA820] =	vst v1  }
0x42: {  	[tilespmem:$0xA830] =	vst v1  }
0x43: {  	s10 =	rddreg [dreg:$0x8];
	[tilespmem:$0xA840] =	vst v1  }
0x44: {  	[spmem:s8] =	stream.linear.scatter [tilespmem:s25], [sflag:$0x2], $0x800, $0x38;
	[tilespmem:$0x1F080] =	vst v63  }
0x45: {  	s11 =	rddreg [dreg:$0x9]  }
0x46: {  	[spmem:s10] =	stream.linear.scatter [tilespmem:s25], [sflag:$0x2], $0x800, $0x38;
	[tilespmem:$0x1F080] =	vst v63  }
0x47: {  	s2 =	rddreg [dreg:$0xa]  }
0x48: {  	[spmem:s11] =	stream.linear.scatter [tilespmem:s25], [sflag:$0x2], $0x800, $0x38;
	[tilespmem:$0x1F080] =	vst v63  }
0x49: {  	s6 =	rddreg [dreg:$0xb]  }
0x4a: {  	[spmem:s2] =	stream.linear.scatter [tilespmem:s25], [sflag:$0x2], $0x800, $0x38;
	[tilespmem:$0x1F080] =	vst v63  }
0x4b: {  	s7 =	rddreg [dreg:$0xc]  }
0x4c: {  	[spmem:s6] =	stream.linear.scatter [tilespmem:s25], [sflag:$0x2], $0x800, $0x38;
	[tilespmem:$0x1F080] =	vst v63  }
0x4d: {  	s9 =	rddreg [dreg:$0xd]  }
0x4e: {  	[spmem:s7] =	stream.linear.scatter [tilespmem:s25], [sflag:$0x2], $0x800, $0x38;
	[tilespmem:$0x1F080] =	vst v63  }
0x4f: {  	s10 =	rddreg [dreg:$0xe]  }
0x50: {  	[spmem:s9] =	stream.linear.scatter [tilespmem:s25], [sflag:$0x2], $0x800, $0x38;
	[tilespmem:$0x1F080] =	vst v63  }
0x51: {  	s11 =	rddreg [dreg:$0xf]  }
0x52: {  	[spmem:s10] =	stream.linear.scatter [tilespmem:s25], [sflag:$0x2], $0x800, $0x38;
	[tilespmem:$0x1F080] =	vst v63  }
0x53: {  	s2 =	rddreg [dreg:$0x10]  }
0x54: {  	[spmem:s11] =	stream.linear.scatter [tilespmem:s25], [sflag:$0x2], $0x800, $0x38;
	[tilespmem:$0x1F080] =	vst v63  }
0x55: {  	s6 =	rddreg [dreg:$0x11]  }
0x56: {  	[spmem:s2] =	stream.linear.scatter [tilespmem:s25], [sflag:$0x2], $0x800, $0x38;
	[tilespmem:$0x1F080] =	vst v63  }
0x57: {  	s7 =	rddreg [dreg:$0x12]  }
0x58: {  	[spmem:s6] =	stream.linear.scatter [tilespmem:s25], [sflag:$0x2], $0x800, $0x38;
	[tilespmem:$0x1F080] =	vst v63  }
0x59: {  	s9 =	rddreg [dreg:$0x13]  }
0x5a: {  	[spmem:s7] =	stream.linear.scatter [tilespmem:s25], [sflag:$0x2], $0x800, $0x38;
	[tilespmem:$0x1F080] =	vst v63  }
0x5b: {  	s10 =	rddreg [dreg:$0x14]  }
0x5c: {  	[spmem:s9] =	stream.linear.scatter [tilespmem:s25], [sflag:$0x2], $0x800, $0x38;
	[tilespmem:$0x1F080] =	vst v63  }
0x5d: {  	s11 =	rddreg [dreg:$0x16]  }
0x5e: {  	[spmem:s10] =	stream.linear.scatter [tilespmem:s25], [sflag:$0x2], $0x800, $0x38;
	[tilespmem:$0x1F080] =	vst v63  }
0x5f: {  	s2 =	rddreg [dreg:$0x17]  }
0x60: {  	[spmem:s11] =	stream.linear.scatter [tilespmem:s25], [sflag:$0x2], $0x800, $0x38;
	[tilespmem:$0x1F080] =	vst v63  }
0x61: {  	s6 =	rddreg [dreg:$0x18]  }
0x62: {  	[spmem:s2] =	stream.linear.scatter [tilespmem:s25], [sflag:$0x2], $0x800, $0x38;
	[tilespmem:$0x1F080] =	vst v63  }
0x63: {  	s7 =	rddreg [dreg:$0x19]  }
0x64: {  	[spmem:s6] =	stream.linear.scatter [tilespmem:s25], [sflag:$0x2], $0x800, $0x38;
	[tilespmem:$0x1F080] =	vst v63  }
0x65: {  	s9 =	rddreg [dreg:$0x1a]  }
0x66: {  	[spmem:s7] =	stream.linear.scatter [tilespmem:s25], [sflag:$0x2], $0x800, $0x38;
	[tilespmem:$0x1F080] =	vst v63  }
0x67: {  	s10 =	rddreg [dreg:$0x1b]  }
0x68: {  	[spmem:s9] =	stream.linear.scatter [tilespmem:s25], [sflag:$0x2], $0x800, $0x38;
	[tilespmem:$0x1F080] =	vst v63  }
0x69: {  	s11 =	rddreg [dreg:$0x1c]  }
0x6a: {  	[spmem:s10] =	stream.linear.scatter [tilespmem:s25], [sflag:$0x2], $0x800, $0x38;
	[tilespmem:$0x1F080] =	vst v63  }
0x6b: {  	s2 =	rddreg [dreg:$0x1d]  }
0x6c: {  	[spmem:s11] =	stream.linear.scatter [tilespmem:s25], [sflag:$0x2], $0x800, $0x38;
	[tilespmem:$0x1F080] =	vst v63  }
0x6d: {  	s6 =	rddreg [dreg:$0x1e]  }
0x6e: {  	[spmem:s2] =	stream.linear.scatter [tilespmem:s25], [sflag:$0x2], $0x800, $0x38;
	[tilespmem:$0x1F080] =	vst v63  }
0x6f: {  	s7 =	rddreg [dreg:$0x1f]  }
0x70: {  	[spmem:s6] =	stream.linear.scatter [tilespmem:s25], [sflag:$0x2], $0x800, $0x38;
	[tilespmem:$0x1F080] =	vst v63  }
0x71: {  	s9 =	sld [smem:$0x7FB]  }
0x72: {  	[spmem:s7] =	stream.linear.scatter [tilespmem:s25], [sflag:$0x2], $0x800, $0x38;
	[tilespmem:$0x1F080] =	vst v63  }
0x73: {  	s10 =	sld [smem:$0x7FC]  }
0x74: {  	[spmem:s9] =	stream.linear.scatter [tilespmem:s25], [sflag:$0x2], $0x800, $0x38;
	[tilespmem:$0x1F080] =	vst v63  }
0x75: {  	s11 =	sld [smem:$0x7FD]  }
0x76: {  	[spmem:s10] =	stream.linear.scatter [tilespmem:s25], [sflag:$0x2], $0x800, $0x38;
	[tilespmem:$0x1F080] =	vst v63  }
0x77: {  	_ = 	snop  }
0x78: {  	[spmem:s11] =	stream.linear.scatter [tilespmem:s25], [sflag:$0x2], $0x800, $0x38;
	[tilespmem:$0x1F080] =	vst v63  }
0x79: {  	_ = 	snop  }
0x7a: {  	[spmem:s12] =	stream.linear.scatter [tilespmem:s25], [sflag:$0x2], $0x800, $0x38;
	[tilespmem:$0x1F080] =	vst v63  }
0x7b: {  	_ = 	snop  }
0x7c: {  	[spmem:s13] =	stream.linear.scatter [tilespmem:s25], [sflag:$0x2], $0x800, $0x38;
	[tilespmem:$0x1F080] =	vst v63  }
0x7d: {  	_ = 	snop  }
0x7e: {  	[spmem:s14] =	stream.linear.scatter [tilespmem:s25], [sflag:$0x2], $0x800, $0x38;
	[tilespmem:$0x1F080] =	vst v63  }
0x7f: {  	_ = 	snop  }
0x80: {  	[spmem:s15] =	stream.linear.scatter [tilespmem:s25], [sflag:$0x2], $0x800, $0x38;
	[tilespmem:$0x1F080] =	vst v63  }
0x81: {  	_ = 	snop  }
0x82: {  	[spmem:s16] =	stream.linear.scatter [tilespmem:s25], [sflag:$0x2], $0x800, $0x38;
	[tilespmem:$0x1F080] =	vst v63  }
0x83: {  	_ = 	snop  }
0x84: {  	[spmem:s17] =	stream.linear.scatter [tilespmem:s25], [sflag:$0x2], $0x800, $0x38;
	[tilespmem:$0x1F080] =	vst v63  }
0x85: {  	_ = 	snop  }
0x86: {  	[spmem:s18] =	stream.linear.scatter [tilespmem:s25], [sflag:$0x2], $0x800, $0x38;
	[tilespmem:$0x1F080] =	vst v63  }
0x87: {  	_ = 	snop  }
0x88: {  	[spmem:s5] =	stream.linear.scatter [tilespmem:s25], [sflag:$0x2], $0x800, $0x38;
	[tilespmem:$0x1F080] =	vst v63  }
0x89: {  	_ = 	snop  }
0x8a: {  	[spmem:s19] =	stream.linear.scatter [tilespmem:s25], [sflag:$0x2], $0x800, $0x38;
	[tilespmem:$0x1F080] =	vst v63  }
0x8b: {  	_ = 	snop  }
0x8c: {  	[spmem:s20] =	stream.linear.scatter [tilespmem:s25], [sflag:$0x2], $0x800, $0x38;
	[tilespmem:$0x1F080] =	vst v63  }
0x8d: {  	_ = 	snop  }
0x8e: {  	[spmem:s21] =	stream.linear.scatter [tilespmem:s25], [sflag:$0x2], $0x800, $0x38;
	[tilespmem:$0x1F080] =	vst v63  }
0x8f: {  	_ = 	snop  }
0x90: {  	[spmem:s22] =	stream.linear.scatter [tilespmem:s25], [sflag:$0x2], $0x800, $0x38;
	[tilespmem:$0x1F080] =	vst v63  }
0x91: {  	_ = 	snop  }
0x92: {  	[spmem:s23] =	stream.linear.scatter [tilespmem:s25], [sflag:$0x2], $0x800, $0x38;
	[tilespmem:$0x1F080] =	vst v63  }
0x93: {  	_ =	swait.ge [sflag:s26], $0x800  }
0x94: {  	s0 =	simm.s32 $0x27;
	[sflag:s26] =	ssyncset.done $0x0  }
.LBB2_4:
0x95: {  	p0 =	sne.s32 s0, $0x1;
	s0 =	sadd.s32 $0xFFFFFFFF, s0;
	[sflag:s26] =	ssyncadd.s32 $0xFFFFF800  }
.Ltmp1:
0x96: {  	(pc) =	sbr.rel @p0 .LBB2_4-.Ltmp1, $3  }
0x97: {  	_ =	sdelay $0x1  }
0x98: {  	_ =	swait.ge [sflag:s26], $0x800  }
0x99: {  	[sflag:s26] =	ssyncset.done $0x0  }
0x9a: {  	[sflag:s26] =	ssyncadd.s32 $0xFFFFF800  }
0x9b: {  	[bflag:$0x0] =	sbarrier.arrive $0xFFFF  }
0x9c: {  	s0 =	simm.s32 $0xFFFFF400;
	s2 =	simm.s32 $0xFFFFFFFD;
	s6 =	rddreg [dreg:$0x15]  }
.LBB2_6:
0x9d: {  	s7 =	sadd.s32 $0x3, s2  }
0x9e: {  	p0 =	slt.u32 s7, $0x4  }
0x9f: {  	s9 =	simm.s32 @!p0 $0x3  }
0xa0: {  	s10 =	sand.u32 $0x3, s7;
	_ =	swait.ge @!p0 [sflag:s9], $0x2800  }
0xa1: {  	s10 =	smul.u32 $0xA000, s10;
	[sflag:s9] =	ssyncset.done @!p0 $0x0  }
0xa2: {  	[sflag:s9] =	ssyncadd.s32 @!p0 $0xFFFFD800  }
0xa3: {  	s11 =	sadd.s32 $0xC00, s0;
	s9 =	sshrl.u32 s10, $0x2;
	_ =	swait.ge [sflag:s24], $0x100  }
0xa4: {  	s10 =	sand.u32 $0x1C00, s11;
	p0 =	slt.u32 s7, $0x3;
	[sflag:s24] =	ssyncset.done $0x0  }
0xa5: {  	s9 =	sadd.s32 $0x800, s9;
	s10 =	sshrl.u32 s10, $0x2;
	[sflag:s24] =	ssyncadd.s32 $0xFFFFFF00  }
0xa6: {  	[tilespmem:s9], [sflag:$0x2] =	stream.indirect.gather [hbm4b:s4+s28], $0x80, s10, s28, $0xb8;
	[tilespmem:$0x1F080] =	vst v63  }
0xa7: {  	s9 =	sand.u32 @!p0 $0x3, s2;
	s10 =	simm.s32 @!p0 $0x2  }
0xa8: {  	s9 =	smul.u32 @!p0 $0xA000, s9;
	_ =	swait.ge @!p0 [sflag:s10], $0x2800  }
0xa9: {  	s11 =	sand.u32 @!p0 $0x1C00, s0;
	p1 =	sgt.u32 @!p0 s7, $0x79;
	[sflag:s10] =	ssyncset.done @!p0 $0x0  }
0xaa: {  	s11 =	sshrl.u32 @!p0 s11, $0x2;
	s9 =	sshrl.u32 @!p0 s9, $0x2;
	[sflag:s10] =	ssyncadd.s32 @!p0 $0xFFFFD800  }
0xab: {  	s10 =	sor.u32 @!p0 $0x80, s11;
	s11 =	simm.s32 @!p0 $0x50;
	s9 =	sadd.s32 @!p0 $0x800, s9  }
0xac: {  	[spmem:s1] =	stream.indirect.scatter.add.f32 @!p0 [tilespmem:s9], [sflag:$0x3], $0x80, s10, s11, $0xb8;
	[tilespmem:$0x1F080] =	vst v63  }
0xad: {  	p0 =	por p0, !p1  }
0xae: {  	s7 =	sadd.s32 @p0 $0x1800, s0  }
0xaf: {  	s7 =	sand.u32 @p0 $0x1C00, s7  }
0xb0: {  	s2 =	sadd.s32 $0x1, s2;
	s7 =	sshrl.u32 @p0 s7, $0x2  }
0xb1: {  	[tilespmem:s7], [sflag:$0x1] =	stream.linear.gather @p0 [hbm4b:s6+s3], $0x100, $0x38;
	[tilespmem:$0x1F080] =	vst v63  }
0xb2: {  	p0 =	sne.s32 s2, $0x7A  }
.Ltmp2:
0xb3: {  	_ = 	snop;
	(pc) =	sbr.rel @p0 .LBB2_6-.Ltmp2, $2  }
0xb4: {  	_ =	sdelay $0x2  }
0xb5: {  	s0 =	sadd.s32 $0x400, s0;
	s6 =	sadd.s32 $0x20, s6  }
0xb6: {  	_ =	swait.ge [sflag:s26], $0x2800  }
0xb7: {  	[sflag:s26] =	ssyncset.done $0x0  }
0xb8: {  	s0 =	simm.s32 $0x280;
	s2 =	simm.s32 $0x5800;
	[sflag:s26] =	ssyncadd.s32 $0xFFFFD800  }
0xb9: {  	[spmem:s1] =	stream.indirect.scatter.add.f32 [tilespmem:s2], [sflag:$0x3], $0x80, s0, s28, $0xb8;
	[tilespmem:$0x1F080] =	vst v63  }
0xba: {  	_ =	swait.ge [sflag:s26], $0x2800  }
0xbb: {  	[sflag:s26] =	ssyncset.done $0x0  }
0xbc: {  	s10 =	simm.s32 $0x380;
	s11 =	simm.s32 $0x8000;
	[sflag:s26] =	ssyncadd.s32 $0xFFFFD800  }
0xbd: {  	[spmem:s1] =	stream.indirect.scatter.add.f32 [tilespmem:s11], [sflag:$0x3], $0x80, s10, s28, $0xb8;
	[tilespmem:$0x1F080] =	vst v63  }
0xbe: {  	_ =	swait.ge [sflag:s26], $0x2800  }
0xbf: {  	[sflag:s26] =	ssyncset.done $0x0  }
0xc0: {  	s6 =	simm.s32 $0x480;
	s7 =	simm.s32 $0x800;
	[sflag:s26] =	ssyncadd.s32 $0xFFFFD800  }
0xc1: {  	[spmem:s1] =	stream.indirect.scatter.add.f32 [tilespmem:s7], [sflag:$0x3], $0x80, s6, s28, $0xb8;
	[tilespmem:$0x1F080] =	vst v63  }
0xc2: {  	_ =	swait.ge [sflag:s29], $0x2800  }
0xc3: {  	[sflag:s29] =	ssyncset.done $0x0  }
0xc4: {  	[sflag:s29] =	ssyncadd.s32 $0xFFFFD800  }
0xc5: {  	_ =	swait.ge [sflag:s29], $0x2800  }
0xc6: {  	[sflag:s29] =	ssyncset.done $0x0  }
0xc7: {  	[sflag:s29] =	ssyncadd.s32 $0xFFFFD800  }
0xc8: {  	_ =	swait.ge [sflag:s29], $0x2800  }
0xc9: {  	[sflag:s29] =	ssyncset.done $0x0  }
0xca: {  	[sflag:s29] =	ssyncadd.s32 $0xFFFFD800  }
0xcb: {  	_ =	swait.ge [sflag:s29], $0x2800  }
0xcc: {  	[sflag:s29] =	ssyncset.done $0x0  }
0xcd: {  	s9 =	stileid.u32;
	[sflag:s29] =	ssyncadd.s32 $0xFFFFD800  }
0xce: {  	s0 =	sshll.u32 s9, $0x6;
	[bflag:$0x0] =	sbarrier.arrive $0xFFFF  }
0xcf: {  	s0 =	sor.u32 $0x1C04, s0;
	s10 =	sshrl.u32 s8, $0x3;
	s6 =	rddreg [dreg:$0x6]  }
0xd0: {  	[hbm:s6], [sflag:s0] =	dma.local [spmem:s10], $0x2800  }
0xd1: {  	_ =	swait.ge [sflag:s30], $0x2800  }
0xd2: {  	s31 =	sadd.s32 $0x1, s31;
	s11 =	rddreg [dreg:$0x7]  }
0xd3: {  	p0 =	sne.s32 s31, s11  }
.Ltmp3:
0xd4: {  	_ = 	snop;
	(pc) =	sbr.rel @p0 .LBB2_1-.Ltmp3, $3  }
0xd5: {  	_ =	sdelay $0x1  }
0xd6: {  	[sflag:s30] =	ssyncset.done $0x0  }
0xd7: {  	[sflag:s30] =	ssyncadd.s32 $0xFFFFD800  }
0xd8: {  	_ =	sfence.sel $0x180000  }
0xd9: {  	[bflag:$0x0] =	sbarrier.arrive $0xFFFF  }
0xda: {  	_ =	strace $0x9000004A  }
0xdb: {  	s0 =	stileid.u32;
	[bflag:$0x2] =	sbarrier.arrive $0xFFFF  }
0xdc: {  	p0 =	sne.s32 s0, $0x0;
	s0 =	rddreg [dreg:$0x2]  }
0xdd: {  	s0 =	sadd.s32 @!p0 $0x100000, s0  }
0xde: {  	[sflag:s0] =	ssyncadd.tile.s32 @!p0 $0x1;
	_ =	shalt  }
.Lfunc_end2:
_tile_overlayer_lowered:
.L_overlay_start_2:
0xdf: {  	(tag) =	ssettag $0x2  }
0xe0: {  	s0 =	rddreg [dreg:$0x0];
	s2 =	stileid.u32  }
0xe1: {  	s1 =	rddreg [dreg:$0x1];
	p0 =	sne.s32 s2, $0x0  }
0xe2: {  	s3 =	rddreg [dreg:$0x2];
	[bflag:$0x3] =	sbarrier.arrive $0xFFFF;
	s2 =	simm.s32 @!p0 $0x1C04  }
0xe3: {  	[timem:s3], [sflag:s2] =	dma.local @!p0 [hbm:s0], s1  }
0xe4: {  	s0 =	simm.s32 @!p0 $0x4  }
0xe5: {  	_ =	swait.ge @!p0 [sflag:s0], s1  }
0xe6: {  	s1 =	ssub.s32 @!p0 $0x0, s1;
	[sflag:s0] =	ssyncset.done @!p0 $0x0  }
0xe7: {  	[sflag:s0] =	ssyncadd.s32 @!p0 s1  }
0xe8: {  	[bflag:$0x3] =	sbarrier.arrive $0xFFFF  }
0xe9: {  	_ =	shalt  }

</sc_bundles>
